<compile_context>
chip_gen: v7x
topology: tpu7x:2x2x1
jax: 0.10.2.dev20260603
libtpu: 0.0.44.dev20260713+nightly
codegen_flags: <defaults>
</compile_context>

<pallas_src>
import functools

import jax
import jax.numpy as jnp
from jax import lax
from jax.experimental import pallas as pl
from jax.experimental.pallas import tpu as pltpu
from jax.experimental.pallas import tpu_sc as plsc

_NC, _NS = 2, 16
_NW = _NC * _NS
_NBG = 4
_NTS = 8
_NBUF = 3
_CB = 2
_LANES = 16


def _sc_add(inputs, pos_table):
    B, T, D = inputs.shape
    BPG = B // _NBG
    TS = T // _NTS
    NCH = BPG // _CB
    KPR = D // _LANES

    mesh = plsc.VectorSubcoreMesh(core_axis_name="c", subcore_axis_name="s")

    @functools.partial(
        pl.kernel,
        out_type=jax.ShapeDtypeStruct((B, T, D), inputs.dtype),
        mesh=mesh,
        scratch_types=[
            pltpu.VMEM((TS, D), jnp.float32),
            [pltpu.VMEM((_CB, TS, D), jnp.float32) for _ in range(_NBUF)],
            [pltpu.SemaphoreType.DMA for _ in range(_NBUF)],
            [pltpu.SemaphoreType.DMA for _ in range(_NBUF)],
        ],
    )
    def k(in_hbm, tab_hbm, out_hbm, tab_v, bufs, isems, osems):
        wid = lax.axis_index("s") * _NC + lax.axis_index("c")
        b0 = (wid % _NBG) * BPG
        t0 = (wid // _NBG) * TS
        pltpu.sync_copy(tab_hbm.at[pl.ds(t0, TS), :], tab_v)

        def chunk_slice(ref, g):
            return ref.at[pl.ds(b0 + g * _CB, _CB), pl.ds(t0, TS), :]

        def start_in(g, p):
            pltpu.async_copy(chunk_slice(in_hbm, g), bufs[p], isems[p])

        def start_out(g, p):
            pltpu.async_copy(bufs[p], chunk_slice(out_hbm, g), osems[p])

        def wait_in(p):
            pltpu.make_async_copy(chunk_slice(in_hbm, 0), bufs[p], isems[p]).wait()

        def wait_out(p):
            pltpu.make_async_copy(bufs[p], chunk_slice(out_hbm, 0), osems[p]).wait()

        def compute_batch(p, i):
            buf = bufs[p]

            @plsc.parallel_loop(0, TS * KPR, unroll=8)
            def _(j):
                r = j // KPR
                kk = j % KPR
                sl = pl.ds(kk * _LANES, _LANES)
                plsc.addupdate(buf.at[i, r, sl], tab_v[r, sl])

        def start_out_batch(g, p, i):
            pltpu.async_copy(
                bufs[p].at[i],
                out_hbm.at[b0 + g * _CB + i, pl.ds(t0, TS), :],
                osems[p])

        def step(g, p, issue_in, first):
            if issue_in:
                q = (p + 1) % _NBUF
                if not first:
                    wait_out(q)
                start_in(g + 1, q)
            wait_in(p)
            for i in range(_CB):
                compute_batch(p, i)
                start_out_batch(g, p, i)

        start_in(0, 0)

        for p in range(_NBUF):
            step(p, p, True, first=(p < 2))

        def body(h, carry):
            g = h * _NBUF
            for p in range(_NBUF):
                step(g + p, p, True, False)
            return carry

        lax.fori_loop(1, NCH // _NBUF, body, 0)

        for g in range((NCH // _NBUF) * _NBUF, NCH):
            step(g, g % _NBUF, issue_in=(g + 1 < NCH), first=False)

        for p in range(_NBUF):
            wait_out(p)

    return k(inputs, pos_table)


def kernel(inputs, pos_table):
    return _sc_add(inputs, pos_table)

# --- scband reference (transcript-rebuilt; emitter-appended) ---
"""Pipeline reference for scband-add-position-embs-14568529068486 (READ-ONLY COPY).

The authoritative reference and input builder live on the scoring server;
editing this copy changes nothing except your own understanding.
"""

import jax, jax.numpy as jnp
import numpy as np


def setup_inputs(seed: int = 0) -> dict:
    key = jax.random.key(seed)
    k1, k2 = jax.random.split(key)
    inputs = jax.random.normal(k1, (256, 128, 1024), dtype=jnp.float32)
    # learned positional embedding table: nn.Embed(128, emb_dim) with normal(stddev=0.02) init
    pos_table = jax.random.normal(k2, (128, 1024), dtype=jnp.float32) * 0.02
    return {"inputs": inputs, "pos_table": pos_table}


def reference(inputs, pos_table):
    # position_ids: (1, T)
    position_ids = jnp.arange(inputs.shape[1])[None]
    # embedding lookup -> (1, T, emb_dim), broadcast-added to (B, T, emb_dim)
    pos_embeddings = jnp.take(pos_table, position_ids, axis=0).astype(inputs.dtype)
    return inputs + pos_embeddings

if __name__ == "__main__":
    import jax
    _d = setup_inputs()
    print(jax.jit(kernel)(*tuple(_d.values())))

</pallas_src>

<mosaic_0001>
#map = affine_map<(d0, d1) -> (0, 0, 0)>
#map1 = affine_map<(d0, d1) -> (0, 0)>
module attributes {stable_mosaic.version = 14 : i64} {
  func.func @k(%arg0: i32, %arg1: i32, %arg2: memref<256x128x1024xf32, #tpu.memory_space<hbm>>, %arg3: memref<128x1024xf32, #tpu.memory_space<hbm>>, %arg4: memref<256x128x1024xf32, #tpu.memory_space<hbm>>, %arg5: memref<16x1024xf32, #tpu.memory_space<vmem>>, %arg6: memref<2x16x1024xf32, #tpu.memory_space<vmem>>, %arg7: memref<2x16x1024xf32, #tpu.memory_space<vmem>>, %arg8: memref<2x16x1024xf32, #tpu.memory_space<vmem>>, %arg9: memref<!tpu.dma_semaphore, #tpu.memory_space<semaphore_mem>>, %arg10: memref<!tpu.dma_semaphore, #tpu.memory_space<semaphore_mem>>, %arg11: memref<!tpu.dma_semaphore, #tpu.memory_space<semaphore_mem>>, %arg12: memref<!tpu.dma_semaphore, #tpu.memory_space<semaphore_mem>>, %arg13: memref<!tpu.dma_semaphore, #tpu.memory_space<semaphore_mem>>, %arg14: memref<!tpu.dma_semaphore, #tpu.memory_space<semaphore_mem>>) attributes {dimension_semantics = [#tpu.dimension_semantics<core_parallel>, #tpu.dimension_semantics<subcore_parallel>], iteration_bounds = array<i64: 2, 16>, scalar_prefetch = 0 : i64, scratch_operands = 10 : i64, tpu.core_type = #tpu.core_type<sc_vector_subcore>, window_params = [{transform_indices = #map}, {transform_indices = #map1}, {transform_indices = #map}]} {
    %mul3A = arith.constant 2 : i32
    %mul3A_0 = arith.muli %arg1, %mul3A : i32
    %add3A = arith.addi %mul3A_0, %arg0 : i32
    %jit3A = arith.constant 4 : i32
    %eq3A = arith.constant 0 : i32
    %eq3A_1 = arith.cmpi eq, %jit3A, %eq3A : i32
    %jit3A_2 = arith.constant 1 : i32
    %select_n3A = arith.select %eq3A_1, %jit3A_2, %jit3A : i32
    %rem3A = arith.remsi %add3A, %select_n3A : i32
    %ne3A = arith.constant 0 : i32
    %ne3A_3 = arith.cmpi ne, %rem3A, %ne3A : i32
    %lt3A = arith.constant 0 : i32
    %lt3A_4 = arith.cmpi slt, %rem3A, %lt3A : i32
    %lt3A_5 = arith.constant 0 : i32
    %lt3A_6 = arith.cmpi slt, %select_n3A, %lt3A_5 : i32
    %ne3A_7 = arith.xori %lt3A_4, %lt3A_6 : i1
    %and3A = arith.andi %ne3A_7, %ne3A_3 : i1
    %add3A_8 = arith.addi %rem3A, %select_n3A : i32
    %select_n3A_9 = arith.select %and3A, %add3A_8, %rem3A : i32
    %mul3A_10 = arith.constant 64 : i32
    %mul3A_11 = arith.muli %select_n3A_9, %mul3A_10 : i32
    %jit3A_12 = arith.constant 4 : i32
    %div3A = arith.divsi %add3A, %jit3A_12 : i32
    %sign3A = arith.constant 0 : i32
    %sign3A_13 = arith.cmpi sgt, %add3A, %sign3A : i32
    %sign3A_14 = arith.extui %sign3A_13 : i1 to i32
    %sign3A_15 = arith.constant 0 : i32
    %sign3A_16 = arith.cmpi slt, %add3A, %sign3A_15 : i32
    %sign3A_17 = arith.extui %sign3A_16 : i1 to i32
    %sign3A_18 = arith.subi %sign3A_14, %sign3A_17 : i32
    %sign3A_19 = arith.constant 0 : i32
    %sign3A_20 = arith.cmpi sgt, %jit3A_12, %sign3A_19 : i32
    %sign3A_21 = arith.extui %sign3A_20 : i1 to i32
    %sign3A_22 = arith.constant 0 : i32
    %sign3A_23 = arith.cmpi slt, %jit3A_12, %sign3A_22 : i32
    %sign3A_24 = arith.extui %sign3A_23 : i1 to i32
    %sign3A_25 = arith.subi %sign3A_21, %sign3A_24 : i32
    %ne3A_26 = arith.cmpi ne, %sign3A_18, %sign3A_25 : i32
    %rem3A_27 = arith.remsi %add3A, %jit3A_12 : i32
    %ne3A_28 = arith.constant 0 : i32
    %ne3A_29 = arith.cmpi ne, %rem3A_27, %ne3A_28 : i32
    %and3A_30 = arith.andi %ne3A_26, %ne3A_29 : i1
    %sub3A = arith.constant 1 : i32
    %sub3A_31 = arith.subi %div3A, %sub3A : i32
    %select_n3A_32 = arith.select %and3A_30, %sub3A_31, %div3A : i32
    %mul3A_33 = arith.constant 16 : i32
    %mul3A_34 = arith.muli %select_n3A_32, %mul3A_33 : i32
    "tpu.region"() ({
      %run_scoped3A = tpu.sem_alloc : memref<!tpu.dma_semaphore, #tpu.memory_space<semaphore_mem>>
      %dma_start3A_347 = arith.constant 0 : i32
      %dma_start3A_348 = tpu.memref_slice %arg3[%mul3A_34, %dma_start3A_347] : memref<128x1024xf32, #tpu.memory_space<hbm>> -> memref<16x1024xf32, #tpu.memory_space<hbm>>
      %dma_start3A_349 = arith.constant 0 : i32
      %dma_start3A_350 = tpu.memref_slice %arg3[%mul3A_34, %dma_start3A_349] : memref<128x1024xf32, #tpu.memory_space<hbm>> -> memref<16x1024xf32, #tpu.memory_space<hbm>>
      tpu.enqueue_dma source(%dma_start3A_350 : memref<16x1024xf32, #tpu.memory_space<hbm>>) target(%arg5 : memref<16x1024xf32, #tpu.memory_space<vmem>>) target_semaphore(%run_scoped3A : memref<!tpu.dma_semaphore, #tpu.memory_space<semaphore_mem>>)
      %dma_wait3A_351 = arith.constant 0 : i32
      %dma_wait3A_352 = tpu.memref_slice %arg3[%mul3A_34, %dma_wait3A_351] : memref<128x1024xf32, #tpu.memory_space<hbm>> -> memref<16x1024xf32, #tpu.memory_space<hbm>>
      %dma_wait3A_353 = arith.constant 0 : i32
      %dma_wait3A_354 = tpu.memref_slice %arg3[%mul3A_34, %dma_wait3A_353] : memref<128x1024xf32, #tpu.memory_space<hbm>> -> memref<16x1024xf32, #tpu.memory_space<hbm>>
      tpu.wait_dma2 semaphore(%run_scoped3A : memref<!tpu.dma_semaphore, #tpu.memory_space<semaphore_mem>>) src(%dma_wait3A_354 : memref<16x1024xf32, #tpu.memory_space<hbm>>) dst(%arg5 : memref<16x1024xf32, #tpu.memory_space<vmem>>)
      tpu.yield
    }) : () -> ()
    %add3A_35 = arith.constant 0 : i32
    %add3A_36 = arith.addi %mul3A_11, %add3A_35 : i32
    %dma_start3A = arith.constant 0 : i32
    %dma_start3A_37 = tpu.memref_slice %arg2[%add3A_36, %mul3A_34, %dma_start3A] : memref<256x128x1024xf32, #tpu.memory_space<hbm>> -> memref<2x16x1024xf32, #tpu.memory_space<hbm>>
    %dma_start3A_38 = arith.constant 0 : i32
    %dma_start3A_39 = tpu.memref_slice %arg2[%add3A_36, %mul3A_34, %dma_start3A_38] : memref<256x128x1024xf32, #tpu.memory_space<hbm>> -> memref<2x16x1024xf32, #tpu.memory_space<hbm>>
    tpu.enqueue_dma source(%dma_start3A_39 : memref<2x16x1024xf32, #tpu.memory_space<hbm>>) target(%arg6 : memref<2x16x1024xf32, #tpu.memory_space<vmem>>) target_semaphore(%arg9 : memref<!tpu.dma_semaphore, #tpu.memory_space<semaphore_mem>>)
    %add3A_40 = arith.constant 2 : i32
    %add3A_41 = arith.addi %mul3A_11, %add3A_40 : i32
    %dma_start3A_42 = arith.constant 0 : i32
    %dma_start3A_43 = tpu.memref_slice %arg2[%add3A_41, %mul3A_34, %dma_start3A_42] : memref<256x128x1024xf32, #tpu.memory_space<hbm>> -> memref<2x16x1024xf32, #tpu.memory_space<hbm>>
    %dma_start3A_44 = arith.constant 0 : i32
    %dma_start3A_45 = tpu.memref_slice %arg2[%add3A_41, %mul3A_34, %dma_start3A_44] : memref<256x128x1024xf32, #tpu.memory_space<hbm>> -> memref<2x16x1024xf32, #tpu.memory_space<hbm>>
    tpu.enqueue_dma source(%dma_start3A_45 : memref<2x16x1024xf32, #tpu.memory_space<hbm>>) target(%arg7 : memref<2x16x1024xf32, #tpu.memory_space<vmem>>) target_semaphore(%arg10 : memref<!tpu.dma_semaphore, #tpu.memory_space<semaphore_mem>>)
    %add3A_46 = arith.constant 0 : i32
    %add3A_47 = arith.addi %mul3A_11, %add3A_46 : i32
    %dma_wait3A = arith.constant 0 : i32
    %dma_wait3A_48 = tpu.memref_slice %arg2[%add3A_47, %mul3A_34, %dma_wait3A] : memref<256x128x1024xf32, #tpu.memory_space<hbm>> -> memref<2x16x1024xf32, #tpu.memory_space<hbm>>
    %dma_wait3A_49 = arith.constant 0 : i32
    %dma_wait3A_50 = tpu.memref_slice %arg2[%add3A_47, %mul3A_34, %dma_wait3A_49] : memref<256x128x1024xf32, #tpu.memory_space<hbm>> -> memref<2x16x1024xf32, #tpu.memory_space<hbm>>
    tpu.wait_dma2 semaphore(%arg9 : memref<!tpu.dma_semaphore, #tpu.memory_space<semaphore_mem>>) src(%dma_wait3A_50 : memref<2x16x1024xf32, #tpu.memory_space<hbm>>) dst(%arg6 : memref<2x16x1024xf32, #tpu.memory_space<vmem>>)
    %parallel_loop3A = arith.constant 0 : i32
    %parallel_loop3A_51 = arith.constant 1024 : i32
    %parallel_loop3A_52 = arith.constant 1 : i32
    scf.for %parallel_loop3A_347 = %parallel_loop3A to %parallel_loop3A_51 step %parallel_loop3A_52  : i32 {
      %parallel_loop3A_348 = arith.constant 64 : i32
      %parallel_loop3A_349 = arith.divsi %parallel_loop3A_347, %parallel_loop3A_348 : i32
      %parallel_loop3A_350 = arith.constant 0 : i32
      %parallel_loop3A_351 = arith.cmpi sgt, %parallel_loop3A_347, %parallel_loop3A_350 : i32
      %parallel_loop3A_352 = arith.extui %parallel_loop3A_351 : i1 to i32
      %parallel_loop3A_353 = arith.constant 0 : i32
      %parallel_loop3A_354 = arith.cmpi slt, %parallel_loop3A_347, %parallel_loop3A_353 : i32
      %parallel_loop3A_355 = arith.extui %parallel_loop3A_354 : i1 to i32
      %parallel_loop3A_356 = arith.subi %parallel_loop3A_352, %parallel_loop3A_355 : i32
      %parallel_loop3A_357 = arith.constant 0 : i32
      %parallel_loop3A_358 = arith.cmpi sgt, %parallel_loop3A_348, %parallel_loop3A_357 : i32
      %parallel_loop3A_359 = arith.extui %parallel_loop3A_358 : i1 to i32
      %parallel_loop3A_360 = arith.constant 0 : i32
      %parallel_loop3A_361 = arith.cmpi slt, %parallel_loop3A_348, %parallel_loop3A_360 : i32
      %parallel_loop3A_362 = arith.extui %parallel_loop3A_361 : i1 to i32
      %parallel_loop3A_363 = arith.subi %parallel_loop3A_359, %parallel_loop3A_362 : i32
      %parallel_loop3A_364 = arith.cmpi ne, %parallel_loop3A_356, %parallel_loop3A_363 : i32
      %parallel_loop3A_365 = arith.remsi %parallel_loop3A_347, %parallel_loop3A_348 : i32
      %parallel_loop3A_366 = arith.constant 0 : i32
      %parallel_loop3A_367 = arith.cmpi ne, %parallel_loop3A_365, %parallel_loop3A_366 : i32
      %parallel_loop3A_368 = arith.andi %parallel_loop3A_364, %parallel_loop3A_367 : i1
      %parallel_loop3A_369 = arith.constant 1 : i32
      %parallel_loop3A_370 = arith.subi %parallel_loop3A_349, %parallel_loop3A_369 : i32
      %parallel_loop3A_371 = arith.select %parallel_loop3A_368, %parallel_loop3A_370, %parallel_loop3A_349 : i32
      %parallel_loop3A_372 = arith.constant 64 : i32
      %parallel_loop3A_373 = arith.constant 0 : i32
      %parallel_loop3A_374 = arith.cmpi eq, %parallel_loop3A_372, %parallel_loop3A_373 : i32
      %parallel_loop3A_375 = arith.constant 1 : i32
      %parallel_loop3A_376 = arith.select %parallel_loop3A_374, %parallel_loop3A_375, %parallel_loop3A_372 : i32
      %parallel_loop3A_377 = arith.remsi %parallel_loop3A_347, %parallel_loop3A_376 : i32
      %parallel_loop3A_378 = arith.constant 0 : i32
      %parallel_loop3A_379 = arith.cmpi ne, %parallel_loop3A_377, %parallel_loop3A_378 : i32
      %parallel_loop3A_380 = arith.constant 0 : i32
      %parallel_loop3A_381 = arith.cmpi slt, %parallel_loop3A_377, %parallel_loop3A_380 : i32
      %parallel_loop3A_382 = arith.constant 0 : i32
      %parallel_loop3A_383 = arith.cmpi slt, %parallel_loop3A_376, %parallel_loop3A_382 : i32
      %parallel_loop3A_384 = arith.xori %parallel_loop3A_381, %parallel_loop3A_383 : i1
      %parallel_loop3A_385 = arith.andi %parallel_loop3A_384, %parallel_loop3A_379 : i1
      %parallel_loop3A_386 = arith.addi %parallel_loop3A_377, %parallel_loop3A_376 : i32
      %parallel_loop3A_387 = arith.select %parallel_loop3A_385, %parallel_loop3A_386, %parallel_loop3A_377 : i32
      %parallel_loop3A_388 = arith.constant 16 : i32
      %parallel_loop3A_389 = arith.muli %parallel_loop3A_387, %parallel_loop3A_388 : i32
      %parallel_loop3A_390 = arith.index_cast %parallel_loop3A_371 : i32 to index
      %parallel_loop3A_391 = arith.index_cast %parallel_loop3A_389 : i32 to index
      %parallel_loop3A_392 = tpu.vector_load %arg5[%parallel_loop3A_390, %parallel_loop3A_391] {strides = array<i32>} : memref<16x1024xf32, #tpu.memory_space<vmem>>, vector<1x16xf32>,
      %parallel_loop3A_393 = vector.shape_cast %parallel_loop3A_392 : vector<1x16xf32> to vector<16xf32>
      %parallel_loop3A_394 = arith.constant 0 : i32
      %parallel_loop3A_395 = arith.index_cast %parallel_loop3A_394 : i32 to index
      %parallel_loop3A_396 = arith.index_cast %parallel_loop3A_371 : i32 to index
      %parallel_loop3A_397 = arith.index_cast %parallel_loop3A_389 : i32 to index
      %parallel_loop3A_398 = tpu.vector_load %arg6[%parallel_loop3A_395, %parallel_loop3A_396, %parallel_loop3A_397] {strides = array<i32>} : memref<2x16x1024xf32, #tpu.memory_space<vmem>>, vector<1x1x16xf32>,
      %parallel_loop3A_399 = vector.shape_cast %parallel_loop3A_398 : vector<1x1x16xf32> to vector<16xf32>
      %parallel_loop3A_400 = vector.shape_cast %parallel_loop3A_393 : vector<16xf32> to vector<1x1x16xf32>
      tpu.vector_store %arg6[%parallel_loop3A_395, %parallel_loop3A_396, %parallel_loop3A_397], %parallel_loop3A_400 {add = true, strides = array<i32>} : memref<2x16x1024xf32, #tpu.memory_space<vmem>>, vector<1x1x16xf32>,
    } {sc.loop_unroll_factor = 8 : i64, sc.parallel_access}
    %add3A_53 = arith.constant 0 : i32
    %add3A_54 = arith.addi %mul3A_11, %add3A_53 : i32
    %add3A_55 = arith.constant 0 : i32
    %add3A_56 = arith.addi %add3A_54, %add3A_55 : i32
    %dma_start3A_57 = arith.constant 0 : i32
    %dma_start3A_58 = arith.constant 0 : i32
    %dma_start3A_59 = arith.constant 0 : i32
    %dma_start3A_60 = tpu.memref_slice %arg6[%dma_start3A_57, %dma_start3A_58, %dma_start3A_59] : memref<2x16x1024xf32, #tpu.memory_space<vmem>> -> memref<1x16x1024xf32, #tpu.memory_space<vmem>>
    %dma_start3A_61 = tpu.memref_squeeze %dma_start3A_60 : memref<1x16x1024xf32, #tpu.memory_space<vmem>> -> memref<16x1024xf32, #tpu.memory_space<vmem>>
    %dma_start3A_62 = arith.constant 0 : i32
    %dma_start3A_63 = tpu.memref_slice %arg4[%add3A_56, %mul3A_34, %dma_start3A_62] : memref<256x128x1024xf32, #tpu.memory_space<hbm>> -> memref<1x16x1024xf32, #tpu.memory_space<hbm>>
    %dma_start3A_64 = tpu.memref_squeeze %dma_start3A_63 : memref<1x16x1024xf32, #tpu.memory_space<hbm>> -> memref<16x1024xf32, #tpu.memory_space<hbm>>
    %dma_start3A_65 = arith.constant 0 : i32
    %dma_start3A_66 = tpu.memref_slice %arg4[%add3A_56, %mul3A_34, %dma_start3A_65] : memref<256x128x1024xf32, #tpu.memory_space<hbm>> -> memref<1x16x1024xf32, #tpu.memory_space<hbm>>
    %dma_start3A_67 = tpu.memref_squeeze %dma_start3A_66 : memref<1x16x1024xf32, #tpu.memory_space<hbm>> -> memref<16x1024xf32, #tpu.memory_space<hbm>>
    %dma_start3A_68 = arith.constant 0 : i32
    %dma_start3A_69 = arith.constant 0 : i32
    %dma_start3A_70 = tpu.memref_slice %arg6[%dma_start3A_57, %dma_start3A_68, %dma_start3A_69] : memref<2x16x1024xf32, #tpu.memory_space<vmem>> -> memref<1x16x1024xf32, #tpu.memory_space<vmem>>
    %dma_start3A_71 = tpu.memref_squeeze %dma_start3A_70 : memref<1x16x1024xf32, #tpu.memory_space<vmem>> -> memref<16x1024xf32, #tpu.memory_space<vmem>>
    tpu.enqueue_dma source(%dma_start3A_71 : memref<16x1024xf32, #tpu.memory_space<vmem>>) target(%dma_start3A_67 : memref<16x1024xf32, #tpu.memory_space<hbm>>) target_semaphore(%arg12 : memref<!tpu.dma_semaphore, #tpu.memory_space<semaphore_mem>>)
    %parallel_loop3A_72 = arith.constant 0 : i32
    %parallel_loop3A_73 = arith.constant 1024 : i32
    %parallel_loop3A_74 = arith.constant 1 : i32
    scf.for %parallel_loop3A_347 = %parallel_loop3A_72 to %parallel_loop3A_73 step %parallel_loop3A_74  : i32 {
      %parallel_loop3A_348 = arith.constant 64 : i32
      %parallel_loop3A_349 = arith.divsi %parallel_loop3A_347, %parallel_loop3A_348 : i32
      %parallel_loop3A_350 = arith.constant 0 : i32
      %parallel_loop3A_351 = arith.cmpi sgt, %parallel_loop3A_347, %parallel_loop3A_350 : i32
      %parallel_loop3A_352 = arith.extui %parallel_loop3A_351 : i1 to i32
      %parallel_loop3A_353 = arith.constant 0 : i32
      %parallel_loop3A_354 = arith.cmpi slt, %parallel_loop3A_347, %parallel_loop3A_353 : i32
      %parallel_loop3A_355 = arith.extui %parallel_loop3A_354 : i1 to i32
      %parallel_loop3A_356 = arith.subi %parallel_loop3A_352, %parallel_loop3A_355 : i32
      %parallel_loop3A_357 = arith.constant 0 : i32
      %parallel_loop3A_358 = arith.cmpi sgt, %parallel_loop3A_348, %parallel_loop3A_357 : i32
      %parallel_loop3A_359 = arith.extui %parallel_loop3A_358 : i1 to i32
      %parallel_loop3A_360 = arith.constant 0 : i32
      %parallel_loop3A_361 = arith.cmpi slt, %parallel_loop3A_348, %parallel_loop3A_360 : i32
      %parallel_loop3A_362 = arith.extui %parallel_loop3A_361 : i1 to i32
      %parallel_loop3A_363 = arith.subi %parallel_loop3A_359, %parallel_loop3A_362 : i32
      %parallel_loop3A_364 = arith.cmpi ne, %parallel_loop3A_356, %parallel_loop3A_363 : i32
      %parallel_loop3A_365 = arith.remsi %parallel_loop3A_347, %parallel_loop3A_348 : i32
      %parallel_loop3A_366 = arith.constant 0 : i32
      %parallel_loop3A_367 = arith.cmpi ne, %parallel_loop3A_365, %parallel_loop3A_366 : i32
      %parallel_loop3A_368 = arith.andi %parallel_loop3A_364, %parallel_loop3A_367 : i1
      %parallel_loop3A_369 = arith.constant 1 : i32
      %parallel_loop3A_370 = arith.subi %parallel_loop3A_349, %parallel_loop3A_369 : i32
      %parallel_loop3A_371 = arith.select %parallel_loop3A_368, %parallel_loop3A_370, %parallel_loop3A_349 : i32
      %parallel_loop3A_372 = arith.constant 64 : i32
      %parallel_loop3A_373 = arith.constant 0 : i32
      %parallel_loop3A_374 = arith.cmpi eq, %parallel_loop3A_372, %parallel_loop3A_373 : i32
      %parallel_loop3A_375 = arith.constant 1 : i32
      %parallel_loop3A_376 = arith.select %parallel_loop3A_374, %parallel_loop3A_375, %parallel_loop3A_372 : i32
      %parallel_loop3A_377 = arith.remsi %parallel_loop3A_347, %parallel_loop3A_376 : i32
      %parallel_loop3A_378 = arith.constant 0 : i32
      %parallel_loop3A_379 = arith.cmpi ne, %parallel_loop3A_377, %parallel_loop3A_378 : i32
      %parallel_loop3A_380 = arith.constant 0 : i32
      %parallel_loop3A_381 = arith.cmpi slt, %parallel_loop3A_377, %parallel_loop3A_380 : i32
      %parallel_loop3A_382 = arith.constant 0 : i32
      %parallel_loop3A_383 = arith.cmpi slt, %parallel_loop3A_376, %parallel_loop3A_382 : i32
      %parallel_loop3A_384 = arith.xori %parallel_loop3A_381, %parallel_loop3A_383 : i1
      %parallel_loop3A_385 = arith.andi %parallel_loop3A_384, %parallel_loop3A_379 : i1
      %parallel_loop3A_386 = arith.addi %parallel_loop3A_377, %parallel_loop3A_376 : i32
      %parallel_loop3A_387 = arith.select %parallel_loop3A_385, %parallel_loop3A_386, %parallel_loop3A_377 : i32
      %parallel_loop3A_388 = arith.constant 16 : i32
      %parallel_loop3A_389 = arith.muli %parallel_loop3A_387, %parallel_loop3A_388 : i32
      %parallel_loop3A_390 = arith.index_cast %parallel_loop3A_371 : i32 to index
      %parallel_loop3A_391 = arith.index_cast %parallel_loop3A_389 : i32 to index
      %parallel_loop3A_392 = tpu.vector_load %arg5[%parallel_loop3A_390, %parallel_loop3A_391] {strides = array<i32>} : memref<16x1024xf32, #tpu.memory_space<vmem>>, vector<1x16xf32>,
      %parallel_loop3A_393 = vector.shape_cast %parallel_loop3A_392 : vector<1x16xf32> to vector<16xf32>
      %parallel_loop3A_394 = arith.constant 1 : i32
      %parallel_loop3A_395 = arith.index_cast %parallel_loop3A_394 : i32 to index
      %parallel_loop3A_396 = arith.index_cast %parallel_loop3A_371 : i32 to index
      %parallel_loop3A_397 = arith.index_cast %parallel_loop3A_389 : i32 to index
      %parallel_loop3A_398 = tpu.vector_load %arg6[%parallel_loop3A_395, %parallel_loop3A_396, %parallel_loop3A_397] {strides = array<i32>} : memref<2x16x1024xf32, #tpu.memory_space<vmem>>, vector<1x1x16xf32>,
      %parallel_loop3A_399 = vector.shape_cast %parallel_loop3A_398 : vector<1x1x16xf32> to vector<16xf32>
      %parallel_loop3A_400 = vector.shape_cast %parallel_loop3A_393 : vector<16xf32> to vector<1x1x16xf32>
      tpu.vector_store %arg6[%parallel_loop3A_395, %parallel_loop3A_396, %parallel_loop3A_397], %parallel_loop3A_400 {add = true, strides = array<i32>} : memref<2x16x1024xf32, #tpu.memory_space<vmem>>, vector<1x1x16xf32>,
    } {sc.loop_unroll_factor = 8 : i64, sc.parallel_access}
    %add3A_75 = arith.constant 0 : i32
    %add3A_76 = arith.addi %mul3A_11, %add3A_75 : i32
    %add3A_77 = arith.constant 1 : i32
    %add3A_78 = arith.addi %add3A_76, %add3A_77 : i32
    %dma_start3A_79 = arith.constant 1 : i32
    %dma_start3A_80 = arith.constant 0 : i32
    %dma_start3A_81 = arith.constant 0 : i32
    %dma_start3A_82 = tpu.memref_slice %arg6[%dma_start3A_79, %dma_start3A_80, %dma_start3A_81] : memref<2x16x1024xf32, #tpu.memory_space<vmem>> -> memref<1x16x1024xf32, #tpu.memory_space<vmem>>
    %dma_start3A_83 = tpu.memref_squeeze %dma_start3A_82 : memref<1x16x1024xf32, #tpu.memory_space<vmem>> -> memref<16x1024xf32, #tpu.memory_space<vmem>>
    %dma_start3A_84 = arith.constant 0 : i32
    %dma_start3A_85 = tpu.memref_slice %arg4[%add3A_78, %mul3A_34, %dma_start3A_84] : memref<256x128x1024xf32, #tpu.memory_space<hbm>> -> memref<1x16x1024xf32, #tpu.memory_space<hbm>>
    %dma_start3A_86 = tpu.memref_squeeze %dma_start3A_85 : memref<1x16x1024xf32, #tpu.memory_space<hbm>> -> memref<16x1024xf32, #tpu.memory_space<hbm>>
    %dma_start3A_87 = arith.constant 0 : i32
    %dma_start3A_88 = tpu.memref_slice %arg4[%add3A_78, %mul3A_34, %dma_start3A_87] : memref<256x128x1024xf32, #tpu.memory_space<hbm>> -> memref<1x16x1024xf32, #tpu.memory_space<hbm>>
    %dma_start3A_89 = tpu.memref_squeeze %dma_start3A_88 : memref<1x16x1024xf32, #tpu.memory_space<hbm>> -> memref<16x1024xf32, #tpu.memory_space<hbm>>
    %dma_start3A_90 = arith.constant 0 : i32
    %dma_start3A_91 = arith.constant 0 : i32
    %dma_start3A_92 = tpu.memref_slice %arg6[%dma_start3A_79, %dma_start3A_90, %dma_start3A_91] : memref<2x16x1024xf32, #tpu.memory_space<vmem>> -> memref<1x16x1024xf32, #tpu.memory_space<vmem>>
    %dma_start3A_93 = tpu.memref_squeeze %dma_start3A_92 : memref<1x16x1024xf32, #tpu.memory_space<vmem>> -> memref<16x1024xf32, #tpu.memory_space<vmem>>
    tpu.enqueue_dma source(%dma_start3A_93 : memref<16x1024xf32, #tpu.memory_space<vmem>>) target(%dma_start3A_89 : memref<16x1024xf32, #tpu.memory_space<hbm>>) target_semaphore(%arg12 : memref<!tpu.dma_semaphore, #tpu.memory_space<semaphore_mem>>)
    %add3A_94 = arith.constant 4 : i32
    %add3A_95 = arith.addi %mul3A_11, %add3A_94 : i32
    %dma_start3A_96 = arith.constant 0 : i32
    %dma_start3A_97 = tpu.memref_slice %arg2[%add3A_95, %mul3A_34, %dma_start3A_96] : memref<256x128x1024xf32, #tpu.memory_space<hbm>> -> memref<2x16x1024xf32, #tpu.memory_space<hbm>>
    %dma_start3A_98 = arith.constant 0 : i32
    %dma_start3A_99 = tpu.memref_slice %arg2[%add3A_95, %mul3A_34, %dma_start3A_98] : memref<256x128x1024xf32, #tpu.memory_space<hbm>> -> memref<2x16x1024xf32, #tpu.memory_space<hbm>>
    tpu.enqueue_dma source(%dma_start3A_99 : memref<2x16x1024xf32, #tpu.memory_space<hbm>>) target(%arg8 : memref<2x16x1024xf32, #tpu.memory_space<vmem>>) target_semaphore(%arg11 : memref<!tpu.dma_semaphore, #tpu.memory_space<semaphore_mem>>)
    %add3A_100 = arith.constant 0 : i32
    %add3A_101 = arith.addi %mul3A_11, %add3A_100 : i32
    %dma_wait3A_102 = arith.constant 0 : i32
    %dma_wait3A_103 = tpu.memref_slice %arg2[%add3A_101, %mul3A_34, %dma_wait3A_102] : memref<256x128x1024xf32, #tpu.memory_space<hbm>> -> memref<2x16x1024xf32, #tpu.memory_space<hbm>>
    %dma_wait3A_104 = arith.constant 0 : i32
    %dma_wait3A_105 = tpu.memref_slice %arg2[%add3A_101, %mul3A_34, %dma_wait3A_104] : memref<256x128x1024xf32, #tpu.memory_space<hbm>> -> memref<2x16x1024xf32, #tpu.memory_space<hbm>>
    tpu.wait_dma2 semaphore(%arg10 : memref<!tpu.dma_semaphore, #tpu.memory_space<semaphore_mem>>) src(%dma_wait3A_105 : memref<2x16x1024xf32, #tpu.memory_space<hbm>>) dst(%arg7 : memref<2x16x1024xf32, #tpu.memory_space<vmem>>)
    %parallel_loop3A_106 = arith.constant 0 : i32
    %parallel_loop3A_107 = arith.constant 1024 : i32
    %parallel_loop3A_108 = arith.constant 1 : i32
    scf.for %parallel_loop3A_347 = %parallel_loop3A_106 to %parallel_loop3A_107 step %parallel_loop3A_108  : i32 {
      %parallel_loop3A_348 = arith.constant 64 : i32
      %parallel_loop3A_349 = arith.divsi %parallel_loop3A_347, %parallel_loop3A_348 : i32
      %parallel_loop3A_350 = arith.constant 0 : i32
      %parallel_loop3A_351 = arith.cmpi sgt, %parallel_loop3A_347, %parallel_loop3A_350 : i32
      %parallel_loop3A_352 = arith.extui %parallel_loop3A_351 : i1 to i32
      %parallel_loop3A_353 = arith.constant 0 : i32
      %parallel_loop3A_354 = arith.cmpi slt, %parallel_loop3A_347, %parallel_loop3A_353 : i32
      %parallel_loop3A_355 = arith.extui %parallel_loop3A_354 : i1 to i32
      %parallel_loop3A_356 = arith.subi %parallel_loop3A_352, %parallel_loop3A_355 : i32
      %parallel_loop3A_357 = arith.constant 0 : i32
      %parallel_loop3A_358 = arith.cmpi sgt, %parallel_loop3A_348, %parallel_loop3A_357 : i32
      %parallel_loop3A_359 = arith.extui %parallel_loop3A_358 : i1 to i32
      %parallel_loop3A_360 = arith.constant 0 : i32
      %parallel_loop3A_361 = arith.cmpi slt, %parallel_loop3A_348, %parallel_loop3A_360 : i32
      %parallel_loop3A_362 = arith.extui %parallel_loop3A_361 : i1 to i32
      %parallel_loop3A_363 = arith.subi %parallel_loop3A_359, %parallel_loop3A_362 : i32
      %parallel_loop3A_364 = arith.cmpi ne, %parallel_loop3A_356, %parallel_loop3A_363 : i32
      %parallel_loop3A_365 = arith.remsi %parallel_loop3A_347, %parallel_loop3A_348 : i32
      %parallel_loop3A_366 = arith.constant 0 : i32
      %parallel_loop3A_367 = arith.cmpi ne, %parallel_loop3A_365, %parallel_loop3A_366 : i32
      %parallel_loop3A_368 = arith.andi %parallel_loop3A_364, %parallel_loop3A_367 : i1
      %parallel_loop3A_369 = arith.constant 1 : i32
      %parallel_loop3A_370 = arith.subi %parallel_loop3A_349, %parallel_loop3A_369 : i32
      %parallel_loop3A_371 = arith.select %parallel_loop3A_368, %parallel_loop3A_370, %parallel_loop3A_349 : i32
      %parallel_loop3A_372 = arith.constant 64 : i32
      %parallel_loop3A_373 = arith.constant 0 : i32
      %parallel_loop3A_374 = arith.cmpi eq, %parallel_loop3A_372, %parallel_loop3A_373 : i32
      %parallel_loop3A_375 = arith.constant 1 : i32
      %parallel_loop3A_376 = arith.select %parallel_loop3A_374, %parallel_loop3A_375, %parallel_loop3A_372 : i32
      %parallel_loop3A_377 = arith.remsi %parallel_loop3A_347, %parallel_loop3A_376 : i32
      %parallel_loop3A_378 = arith.constant 0 : i32
      %parallel_loop3A_379 = arith.cmpi ne, %parallel_loop3A_377, %parallel_loop3A_378 : i32
      %parallel_loop3A_380 = arith.constant 0 : i32
      %parallel_loop3A_381 = arith.cmpi slt, %parallel_loop3A_377, %parallel_loop3A_380 : i32
      %parallel_loop3A_382 = arith.constant 0 : i32
      %parallel_loop3A_383 = arith.cmpi slt, %parallel_loop3A_376, %parallel_loop3A_382 : i32
      %parallel_loop3A_384 = arith.xori %parallel_loop3A_381, %parallel_loop3A_383 : i1
      %parallel_loop3A_385 = arith.andi %parallel_loop3A_384, %parallel_loop3A_379 : i1
      %parallel_loop3A_386 = arith.addi %parallel_loop3A_377, %parallel_loop3A_376 : i32
      %parallel_loop3A_387 = arith.select %parallel_loop3A_385, %parallel_loop3A_386, %parallel_loop3A_377 : i32
      %parallel_loop3A_388 = arith.constant 16 : i32
      %parallel_loop3A_389 = arith.muli %parallel_loop3A_387, %parallel_loop3A_388 : i32
      %parallel_loop3A_390 = arith.index_cast %parallel_loop3A_371 : i32 to index
      %parallel_loop3A_391 = arith.index_cast %parallel_loop3A_389 : i32 to index
      %parallel_loop3A_392 = tpu.vector_load %arg5[%parallel_loop3A_390, %parallel_loop3A_391] {strides = array<i32>} : memref<16x1024xf32, #tpu.memory_space<vmem>>, vector<1x16xf32>,
      %parallel_loop3A_393 = vector.shape_cast %parallel_loop3A_392 : vector<1x16xf32> to vector<16xf32>
      %parallel_loop3A_394 = arith.constant 0 : i32
      %parallel_loop3A_395 = arith.index_cast %parallel_loop3A_394 : i32 to index
      %parallel_loop3A_396 = arith.index_cast %parallel_loop3A_371 : i32 to index
      %parallel_loop3A_397 = arith.index_cast %parallel_loop3A_389 : i32 to index
      %parallel_loop3A_398 = tpu.vector_load %arg7[%parallel_loop3A_395, %parallel_loop3A_396, %parallel_loop3A_397] {strides = array<i32>} : memref<2x16x1024xf32, #tpu.memory_space<vmem>>, vector<1x1x16xf32>,
      %parallel_loop3A_399 = vector.shape_cast %parallel_loop3A_398 : vector<1x1x16xf32> to vector<16xf32>
      %parallel_loop3A_400 = vector.shape_cast %parallel_loop3A_393 : vector<16xf32> to vector<1x1x16xf32>
      tpu.vector_store %arg7[%parallel_loop3A_395, %parallel_loop3A_396, %parallel_loop3A_397], %parallel_loop3A_400 {add = true, strides = array<i32>} : memref<2x16x1024xf32, #tpu.memory_space<vmem>>, vector<1x1x16xf32>,
    } {sc.loop_unroll_factor = 8 : i64, sc.parallel_access}
    %add3A_109 = arith.constant 2 : i32
    %add3A_110 = arith.addi %mul3A_11, %add3A_109 : i32
    %add3A_111 = arith.constant 0 : i32
    %add3A_112 = arith.addi %add3A_110, %add3A_111 : i32
    %dma_start3A_113 = arith.constant 0 : i32
    %dma_start3A_114 = arith.constant 0 : i32
    %dma_start3A_115 = arith.constant 0 : i32
    %dma_start3A_116 = tpu.memref_slice %arg7[%dma_start3A_113, %dma_start3A_114, %dma_start3A_115] : memref<2x16x1024xf32, #tpu.memory_space<vmem>> -> memref<1x16x1024xf32, #tpu.memory_space<vmem>>
    %dma_start3A_117 = tpu.memref_squeeze %dma_start3A_116 : memref<1x16x1024xf32, #tpu.memory_space<vmem>> -> memref<16x1024xf32, #tpu.memory_space<vmem>>
    %dma_start3A_118 = arith.constant 0 : i32
    %dma_start3A_119 = tpu.memref_slice %arg4[%add3A_112, %mul3A_34, %dma_start3A_118] : memref<256x128x1024xf32, #tpu.memory_space<hbm>> -> memref<1x16x1024xf32, #tpu.memory_space<hbm>>
    %dma_start3A_120 = tpu.memref_squeeze %dma_start3A_119 : memref<1x16x1024xf32, #tpu.memory_space<hbm>> -> memref<16x1024xf32, #tpu.memory_space<hbm>>
    %dma_start3A_121 = arith.constant 0 : i32
    %dma_start3A_122 = tpu.memref_slice %arg4[%add3A_112, %mul3A_34, %dma_start3A_121] : memref<256x128x1024xf32, #tpu.memory_space<hbm>> -> memref<1x16x1024xf32, #tpu.memory_space<hbm>>
    %dma_start3A_123 = tpu.memref_squeeze %dma_start3A_122 : memref<1x16x1024xf32, #tpu.memory_space<hbm>> -> memref<16x1024xf32, #tpu.memory_space<hbm>>
    %dma_start3A_124 = arith.constant 0 : i32
    %dma_start3A_125 = arith.constant 0 : i32
    %dma_start3A_126 = tpu.memref_slice %arg7[%dma_start3A_113, %dma_start3A_124, %dma_start3A_125] : memref<2x16x1024xf32, #tpu.memory_space<vmem>> -> memref<1x16x1024xf32, #tpu.memory_space<vmem>>
    %dma_start3A_127 = tpu.memref_squeeze %dma_start3A_126 : memref<1x16x1024xf32, #tpu.memory_space<vmem>> -> memref<16x1024xf32, #tpu.memory_space<vmem>>
    tpu.enqueue_dma source(%dma_start3A_127 : memref<16x1024xf32, #tpu.memory_space<vmem>>) target(%dma_start3A_123 : memref<16x1024xf32, #tpu.memory_space<hbm>>) target_semaphore(%arg13 : memref<!tpu.dma_semaphore, #tpu.memory_space<semaphore_mem>>)
    %parallel_loop3A_128 = arith.constant 0 : i32
    %parallel_loop3A_129 = arith.constant 1024 : i32
    %parallel_loop3A_130 = arith.constant 1 : i32
    scf.for %parallel_loop3A_347 = %parallel_loop3A_128 to %parallel_loop3A_129 step %parallel_loop3A_130  : i32 {
      %parallel_loop3A_348 = arith.constant 64 : i32
      %parallel_loop3A_349 = arith.divsi %parallel_loop3A_347, %parallel_loop3A_348 : i32
      %parallel_loop3A_350 = arith.constant 0 : i32
      %parallel_loop3A_351 = arith.cmpi sgt, %parallel_loop3A_347, %parallel_loop3A_350 : i32
      %parallel_loop3A_352 = arith.extui %parallel_loop3A_351 : i1 to i32
      %parallel_loop3A_353 = arith.constant 0 : i32
      %parallel_loop3A_354 = arith.cmpi slt, %parallel_loop3A_347, %parallel_loop3A_353 : i32
      %parallel_loop3A_355 = arith.extui %parallel_loop3A_354 : i1 to i32
      %parallel_loop3A_356 = arith.subi %parallel_loop3A_352, %parallel_loop3A_355 : i32
      %parallel_loop3A_357 = arith.constant 0 : i32
      %parallel_loop3A_358 = arith.cmpi sgt, %parallel_loop3A_348, %parallel_loop3A_357 : i32
      %parallel_loop3A_359 = arith.extui %parallel_loop3A_358 : i1 to i32
      %parallel_loop3A_360 = arith.constant 0 : i32
      %parallel_loop3A_361 = arith.cmpi slt, %parallel_loop3A_348, %parallel_loop3A_360 : i32
      %parallel_loop3A_362 = arith.extui %parallel_loop3A_361 : i1 to i32
      %parallel_loop3A_363 = arith.subi %parallel_loop3A_359, %parallel_loop3A_362 : i32
      %parallel_loop3A_364 = arith.cmpi ne, %parallel_loop3A_356, %parallel_loop3A_363 : i32
      %parallel_loop3A_365 = arith.remsi %parallel_loop3A_347, %parallel_loop3A_348 : i32
      %parallel_loop3A_366 = arith.constant 0 : i32
      %parallel_loop3A_367 = arith.cmpi ne, %parallel_loop3A_365, %parallel_loop3A_366 : i32
      %parallel_loop3A_368 = arith.andi %parallel_loop3A_364, %parallel_loop3A_367 : i1
      %parallel_loop3A_369 = arith.constant 1 : i32
      %parallel_loop3A_370 = arith.subi %parallel_loop3A_349, %parallel_loop3A_369 : i32
      %parallel_loop3A_371 = arith.select %parallel_loop3A_368, %parallel_loop3A_370, %parallel_loop3A_349 : i32
      %parallel_loop3A_372 = arith.constant 64 : i32
      %parallel_loop3A_373 = arith.constant 0 : i32
      %parallel_loop3A_374 = arith.cmpi eq, %parallel_loop3A_372, %parallel_loop3A_373 : i32
      %parallel_loop3A_375 = arith.constant 1 : i32
      %parallel_loop3A_376 = arith.select %parallel_loop3A_374, %parallel_loop3A_375, %parallel_loop3A_372 : i32
      %parallel_loop3A_377 = arith.remsi %parallel_loop3A_347, %parallel_loop3A_376 : i32
      %parallel_loop3A_378 = arith.constant 0 : i32
      %parallel_loop3A_379 = arith.cmpi ne, %parallel_loop3A_377, %parallel_loop3A_378 : i32
      %parallel_loop3A_380 = arith.constant 0 : i32
      %parallel_loop3A_381 = arith.cmpi slt, %parallel_loop3A_377, %parallel_loop3A_380 : i32
      %parallel_loop3A_382 = arith.constant 0 : i32
      %parallel_loop3A_383 = arith.cmpi slt, %parallel_loop3A_376, %parallel_loop3A_382 : i32
      %parallel_loop3A_384 = arith.xori %parallel_loop3A_381, %parallel_loop3A_383 : i1
      %parallel_loop3A_385 = arith.andi %parallel_loop3A_384, %parallel_loop3A_379 : i1
      %parallel_loop3A_386 = arith.addi %parallel_loop3A_377, %parallel_loop3A_376 : i32
      %parallel_loop3A_387 = arith.select %parallel_loop3A_385, %parallel_loop3A_386, %parallel_loop3A_377 : i32
      %parallel_loop3A_388 = arith.constant 16 : i32
      %parallel_loop3A_389 = arith.muli %parallel_loop3A_387, %parallel_loop3A_388 : i32
      %parallel_loop3A_390 = arith.index_cast %parallel_loop3A_371 : i32 to index
      %parallel_loop3A_391 = arith.index_cast %parallel_loop3A_389 : i32 to index
      %parallel_loop3A_392 = tpu.vector_load %arg5[%parallel_loop3A_390, %parallel_loop3A_391] {strides = array<i32>} : memref<16x1024xf32, #tpu.memory_space<vmem>>, vector<1x16xf32>,
      %parallel_loop3A_393 = vector.shape_cast %parallel_loop3A_392 : vector<1x16xf32> to vector<16xf32>
      %parallel_loop3A_394 = arith.constant 1 : i32
      %parallel_loop3A_395 = arith.index_cast %parallel_loop3A_394 : i32 to index
      %parallel_loop3A_396 = arith.index_cast %parallel_loop3A_371 : i32 to index
      %parallel_loop3A_397 = arith.index_cast %parallel_loop3A_389 : i32 to index
      %parallel_loop3A_398 = tpu.vector_load %arg7[%parallel_loop3A_395, %parallel_loop3A_396, %parallel_loop3A_397] {strides = array<i32>} : memref<2x16x1024xf32, #tpu.memory_space<vmem>>, vector<1x1x16xf32>,
      %parallel_loop3A_399 = vector.shape_cast %parallel_loop3A_398 : vector<1x1x16xf32> to vector<16xf32>
      %parallel_loop3A_400 = vector.shape_cast %parallel_loop3A_393 : vector<16xf32> to vector<1x1x16xf32>
      tpu.vector_store %arg7[%parallel_loop3A_395, %parallel_loop3A_396, %parallel_loop3A_397], %parallel_loop3A_400 {add = true, strides = array<i32>} : memref<2x16x1024xf32, #tpu.memory_space<vmem>>, vector<1x1x16xf32>,
    } {sc.loop_unroll_factor = 8 : i64, sc.parallel_access}
    %add3A_131 = arith.constant 2 : i32
    %add3A_132 = arith.addi %mul3A_11, %add3A_131 : i32
    %add3A_133 = arith.constant 1 : i32
    %add3A_134 = arith.addi %add3A_132, %add3A_133 : i32
    %dma_start3A_135 = arith.constant 1 : i32
    %dma_start3A_136 = arith.constant 0 : i32
    %dma_start3A_137 = arith.constant 0 : i32
    %dma_start3A_138 = tpu.memref_slice %arg7[%dma_start3A_135, %dma_start3A_136, %dma_start3A_137] : memref<2x16x1024xf32, #tpu.memory_space<vmem>> -> memref<1x16x1024xf32, #tpu.memory_space<vmem>>
    %dma_start3A_139 = tpu.memref_squeeze %dma_start3A_138 : memref<1x16x1024xf32, #tpu.memory_space<vmem>> -> memref<16x1024xf32, #tpu.memory_space<vmem>>
    %dma_start3A_140 = arith.constant 0 : i32
    %dma_start3A_141 = tpu.memref_slice %arg4[%add3A_134, %mul3A_34, %dma_start3A_140] : memref<256x128x1024xf32, #tpu.memory_space<hbm>> -> memref<1x16x1024xf32, #tpu.memory_space<hbm>>
    %dma_start3A_142 = tpu.memref_squeeze %dma_start3A_141 : memref<1x16x1024xf32, #tpu.memory_space<hbm>> -> memref<16x1024xf32, #tpu.memory_space<hbm>>
    %dma_start3A_143 = arith.constant 0 : i32
    %dma_start3A_144 = tpu.memref_slice %arg4[%add3A_134, %mul3A_34, %dma_start3A_143] : memref<256x128x1024xf32, #tpu.memory_space<hbm>> -> memref<1x16x1024xf32, #tpu.memory_space<hbm>>
    %dma_start3A_145 = tpu.memref_squeeze %dma_start3A_144 : memref<1x16x1024xf32, #tpu.memory_space<hbm>> -> memref<16x1024xf32, #tpu.memory_space<hbm>>
    %dma_start3A_146 = arith.constant 0 : i32
    %dma_start3A_147 = arith.constant 0 : i32
    %dma_start3A_148 = tpu.memref_slice %arg7[%dma_start3A_135, %dma_start3A_146, %dma_start3A_147] : memref<2x16x1024xf32, #tpu.memory_space<vmem>> -> memref<1x16x1024xf32, #tpu.memory_space<vmem>>
    %dma_start3A_149 = tpu.memref_squeeze %dma_start3A_148 : memref<1x16x1024xf32, #tpu.memory_space<vmem>> -> memref<16x1024xf32, #tpu.memory_space<vmem>>
    tpu.enqueue_dma source(%dma_start3A_149 : memref<16x1024xf32, #tpu.memory_space<vmem>>) target(%dma_start3A_145 : memref<16x1024xf32, #tpu.memory_space<hbm>>) target_semaphore(%arg13 : memref<!tpu.dma_semaphore, #tpu.memory_space<semaphore_mem>>)
    %add3A_150 = arith.constant 0 : i32
    %add3A_151 = arith.addi %mul3A_11, %add3A_150 : i32
    %dma_wait3A_152 = arith.constant 0 : i32
    %dma_wait3A_153 = tpu.memref_slice %arg4[%add3A_151, %mul3A_34, %dma_wait3A_152] : memref<256x128x1024xf32, #tpu.memory_space<hbm>> -> memref<2x16x1024xf32, #tpu.memory_space<hbm>>
    %dma_wait3A_154 = arith.constant 0 : i32
    %dma_wait3A_155 = tpu.memref_slice %arg4[%add3A_151, %mul3A_34, %dma_wait3A_154] : memref<256x128x1024xf32, #tpu.memory_space<hbm>> -> memref<2x16x1024xf32, #tpu.memory_space<hbm>>
    tpu.wait_dma2 semaphore(%arg12 : memref<!tpu.dma_semaphore, #tpu.memory_space<semaphore_mem>>) src(%arg6 : memref<2x16x1024xf32, #tpu.memory_space<vmem>>) dst(%dma_wait3A_155 : memref<2x16x1024xf32, #tpu.memory_space<hbm>>)
    %add3A_156 = arith.constant 6 : i32
    %add3A_157 = arith.addi %mul3A_11, %add3A_156 : i32
    %dma_start3A_158 = arith.constant 0 : i32
    %dma_start3A_159 = tpu.memref_slice %arg2[%add3A_157, %mul3A_34, %dma_start3A_158] : memref<256x128x1024xf32, #tpu.memory_space<hbm>> -> memref<2x16x1024xf32, #tpu.memory_space<hbm>>
    %dma_start3A_160 = arith.constant 0 : i32
    %dma_start3A_161 = tpu.memref_slice %arg2[%add3A_157, %mul3A_34, %dma_start3A_160] : memref<256x128x1024xf32, #tpu.memory_space<hbm>> -> memref<2x16x1024xf32, #tpu.memory_space<hbm>>
    tpu.enqueue_dma source(%dma_start3A_161 : memref<2x16x1024xf32, #tpu.memory_space<hbm>>) target(%arg6 : memref<2x16x1024xf32, #tpu.memory_space<vmem>>) target_semaphore(%arg9 : memref<!tpu.dma_semaphore, #tpu.memory_space<semaphore_mem>>)
    %add3A_162 = arith.constant 0 : i32
    %add3A_163 = arith.addi %mul3A_11, %add3A_162 : i32
    %dma_wait3A_164 = arith.constant 0 : i32
    %dma_wait3A_165 = tpu.memref_slice %arg2[%add3A_163, %mul3A_34, %dma_wait3A_164] : memref<256x128x1024xf32, #tpu.memory_space<hbm>> -> memref<2x16x1024xf32, #tpu.memory_space<hbm>>
    %dma_wait3A_166 = arith.constant 0 : i32
    %dma_wait3A_167 = tpu.memref_slice %arg2[%add3A_163, %mul3A_34, %dma_wait3A_166] : memref<256x128x1024xf32, #tpu.memory_space<hbm>> -> memref<2x16x1024xf32, #tpu.memory_space<hbm>>
    tpu.wait_dma2 semaphore(%arg11 : memref<!tpu.dma_semaphore, #tpu.memory_space<semaphore_mem>>) src(%dma_wait3A_167 : memref<2x16x1024xf32, #tpu.memory_space<hbm>>) dst(%arg8 : memref<2x16x1024xf32, #tpu.memory_space<vmem>>)
    %parallel_loop3A_168 = arith.constant 0 : i32
    %parallel_loop3A_169 = arith.constant 1024 : i32
    %parallel_loop3A_170 = arith.constant 1 : i32
    scf.for %parallel_loop3A_347 = %parallel_loop3A_168 to %parallel_loop3A_169 step %parallel_loop3A_170  : i32 {
      %parallel_loop3A_348 = arith.constant 64 : i32
      %parallel_loop3A_349 = arith.divsi %parallel_loop3A_347, %parallel_loop3A_348 : i32
      %parallel_loop3A_350 = arith.constant 0 : i32
      %parallel_loop3A_351 = arith.cmpi sgt, %parallel_loop3A_347, %parallel_loop3A_350 : i32
      %parallel_loop3A_352 = arith.extui %parallel_loop3A_351 : i1 to i32
      %parallel_loop3A_353 = arith.constant 0 : i32
      %parallel_loop3A_354 = arith.cmpi slt, %parallel_loop3A_347, %parallel_loop3A_353 : i32
      %parallel_loop3A_355 = arith.extui %parallel_loop3A_354 : i1 to i32
      %parallel_loop3A_356 = arith.subi %parallel_loop3A_352, %parallel_loop3A_355 : i32
      %parallel_loop3A_357 = arith.constant 0 : i32
      %parallel_loop3A_358 = arith.cmpi sgt, %parallel_loop3A_348, %parallel_loop3A_357 : i32
      %parallel_loop3A_359 = arith.extui %parallel_loop3A_358 : i1 to i32
      %parallel_loop3A_360 = arith.constant 0 : i32
      %parallel_loop3A_361 = arith.cmpi slt, %parallel_loop3A_348, %parallel_loop3A_360 : i32
      %parallel_loop3A_362 = arith.extui %parallel_loop3A_361 : i1 to i32
      %parallel_loop3A_363 = arith.subi %parallel_loop3A_359, %parallel_loop3A_362 : i32
      %parallel_loop3A_364 = arith.cmpi ne, %parallel_loop3A_356, %parallel_loop3A_363 : i32
      %parallel_loop3A_365 = arith.remsi %parallel_loop3A_347, %parallel_loop3A_348 : i32
      %parallel_loop3A_366 = arith.constant 0 : i32
      %parallel_loop3A_367 = arith.cmpi ne, %parallel_loop3A_365, %parallel_loop3A_366 : i32
      %parallel_loop3A_368 = arith.andi %parallel_loop3A_364, %parallel_loop3A_367 : i1
      %parallel_loop3A_369 = arith.constant 1 : i32
      %parallel_loop3A_370 = arith.subi %parallel_loop3A_349, %parallel_loop3A_369 : i32
      %parallel_loop3A_371 = arith.select %parallel_loop3A_368, %parallel_loop3A_370, %parallel_loop3A_349 : i32
      %parallel_loop3A_372 = arith.constant 64 : i32
      %parallel_loop3A_373 = arith.constant 0 : i32
      %parallel_loop3A_374 = arith.cmpi eq, %parallel_loop3A_372, %parallel_loop3A_373 : i32
      %parallel_loop3A_375 = arith.constant 1 : i32
      %parallel_loop3A_376 = arith.select %parallel_loop3A_374, %parallel_loop3A_375, %parallel_loop3A_372 : i32
      %parallel_loop3A_377 = arith.remsi %parallel_loop3A_347, %parallel_loop3A_376 : i32
      %parallel_loop3A_378 = arith.constant 0 : i32
      %parallel_loop3A_379 = arith.cmpi ne, %parallel_loop3A_377, %parallel_loop3A_378 : i32
      %parallel_loop3A_380 = arith.constant 0 : i32
      %parallel_loop3A_381 = arith.cmpi slt, %parallel_loop3A_377, %parallel_loop3A_380 : i32
      %parallel_loop3A_382 = arith.constant 0 : i32
      %parallel_loop3A_383 = arith.cmpi slt, %parallel_loop3A_376, %parallel_loop3A_382 : i32
      %parallel_loop3A_384 = arith.xori %parallel_loop3A_381, %parallel_loop3A_383 : i1
      %parallel_loop3A_385 = arith.andi %parallel_loop3A_384, %parallel_loop3A_379 : i1
      %parallel_loop3A_386 = arith.addi %parallel_loop3A_377, %parallel_loop3A_376 : i32
      %parallel_loop3A_387 = arith.select %parallel_loop3A_385, %parallel_loop3A_386, %parallel_loop3A_377 : i32
      %parallel_loop3A_388 = arith.constant 16 : i32
      %parallel_loop3A_389 = arith.muli %parallel_loop3A_387, %parallel_loop3A_388 : i32
      %parallel_loop3A_390 = arith.index_cast %parallel_loop3A_371 : i32 to index
      %parallel_loop3A_391 = arith.index_cast %parallel_loop3A_389 : i32 to index
      %parallel_loop3A_392 = tpu.vector_load %arg5[%parallel_loop3A_390, %parallel_loop3A_391] {strides = array<i32>} : memref<16x1024xf32, #tpu.memory_space<vmem>>, vector<1x16xf32>,
      %parallel_loop3A_393 = vector.shape_cast %parallel_loop3A_392 : vector<1x16xf32> to vector<16xf32>
      %parallel_loop3A_394 = arith.constant 0 : i32
      %parallel_loop3A_395 = arith.index_cast %parallel_loop3A_394 : i32 to index
      %parallel_loop3A_396 = arith.index_cast %parallel_loop3A_371 : i32 to index
      %parallel_loop3A_397 = arith.index_cast %parallel_loop3A_389 : i32 to index
      %parallel_loop3A_398 = tpu.vector_load %arg8[%parallel_loop3A_395, %parallel_loop3A_396, %parallel_loop3A_397] {strides = array<i32>} : memref<2x16x1024xf32, #tpu.memory_space<vmem>>, vector<1x1x16xf32>,
      %parallel_loop3A_399 = vector.shape_cast %parallel_loop3A_398 : vector<1x1x16xf32> to vector<16xf32>
      %parallel_loop3A_400 = vector.shape_cast %parallel_loop3A_393 : vector<16xf32> to vector<1x1x16xf32>
      tpu.vector_store %arg8[%parallel_loop3A_395, %parallel_loop3A_396, %parallel_loop3A_397], %parallel_loop3A_400 {add = true, strides = array<i32>} : memref<2x16x1024xf32, #tpu.memory_space<vmem>>, vector<1x1x16xf32>,
    } {sc.loop_unroll_factor = 8 : i64, sc.parallel_access}
    %add3A_171 = arith.constant 4 : i32
    %add3A_172 = arith.addi %mul3A_11, %add3A_171 : i32
    %add3A_173 = arith.constant 0 : i32
    %add3A_174 = arith.addi %add3A_172, %add3A_173 : i32
    %dma_start3A_175 = arith.constant 0 : i32
    %dma_start3A_176 = arith.constant 0 : i32
    %dma_start3A_177 = arith.constant 0 : i32
    %dma_start3A_178 = tpu.memref_slice %arg8[%dma_start3A_175, %dma_start3A_176, %dma_start3A_177] : memref<2x16x1024xf32, #tpu.memory_space<vmem>> -> memref<1x16x1024xf32, #tpu.memory_space<vmem>>
    %dma_start3A_179 = tpu.memref_squeeze %dma_start3A_178 : memref<1x16x1024xf32, #tpu.memory_space<vmem>> -> memref<16x1024xf32, #tpu.memory_space<vmem>>
    %dma_start3A_180 = arith.constant 0 : i32
    %dma_start3A_181 = tpu.memref_slice %arg4[%add3A_174, %mul3A_34, %dma_start3A_180] : memref<256x128x1024xf32, #tpu.memory_space<hbm>> -> memref<1x16x1024xf32, #tpu.memory_space<hbm>>
    %dma_start3A_182 = tpu.memref_squeeze %dma_start3A_181 : memref<1x16x1024xf32, #tpu.memory_space<hbm>> -> memref<16x1024xf32, #tpu.memory_space<hbm>>
    %dma_start3A_183 = arith.constant 0 : i32
    %dma_start3A_184 = tpu.memref_slice %arg4[%add3A_174, %mul3A_34, %dma_start3A_183] : memref<256x128x1024xf32, #tpu.memory_space<hbm>> -> memref<1x16x1024xf32, #tpu.memory_space<hbm>>
    %dma_start3A_185 = tpu.memref_squeeze %dma_start3A_184 : memref<1x16x1024xf32, #tpu.memory_space<hbm>> -> memref<16x1024xf32, #tpu.memory_space<hbm>>
    %dma_start3A_186 = arith.constant 0 : i32
    %dma_start3A_187 = arith.constant 0 : i32
    %dma_start3A_188 = tpu.memref_slice %arg8[%dma_start3A_175, %dma_start3A_186, %dma_start3A_187] : memref<2x16x1024xf32, #tpu.memory_space<vmem>> -> memref<1x16x1024xf32, #tpu.memory_space<vmem>>
    %dma_start3A_189 = tpu.memref_squeeze %dma_start3A_188 : memref<1x16x1024xf32, #tpu.memory_space<vmem>> -> memref<16x1024xf32, #tpu.memory_space<vmem>>
    tpu.enqueue_dma source(%dma_start3A_189 : memref<16x1024xf32, #tpu.memory_space<vmem>>) target(%dma_start3A_185 : memref<16x1024xf32, #tpu.memory_space<hbm>>) target_semaphore(%arg14 : memref<!tpu.dma_semaphore, #tpu.memory_space<semaphore_mem>>)
    %parallel_loop3A_190 = arith.constant 0 : i32
    %parallel_loop3A_191 = arith.constant 1024 : i32
    %parallel_loop3A_192 = arith.constant 1 : i32
    scf.for %parallel_loop3A_347 = %parallel_loop3A_190 to %parallel_loop3A_191 step %parallel_loop3A_192  : i32 {
      %parallel_loop3A_348 = arith.constant 64 : i32
      %parallel_loop3A_349 = arith.divsi %parallel_loop3A_347, %parallel_loop3A_348 : i32
      %parallel_loop3A_350 = arith.constant 0 : i32
      %parallel_loop3A_351 = arith.cmpi sgt, %parallel_loop3A_347, %parallel_loop3A_350 : i32
      %parallel_loop3A_352 = arith.extui %parallel_loop3A_351 : i1 to i32
      %parallel_loop3A_353 = arith.constant 0 : i32
      %parallel_loop3A_354 = arith.cmpi slt, %parallel_loop3A_347, %parallel_loop3A_353 : i32
      %parallel_loop3A_355 = arith.extui %parallel_loop3A_354 : i1 to i32
      %parallel_loop3A_356 = arith.subi %parallel_loop3A_352, %parallel_loop3A_355 : i32
      %parallel_loop3A_357 = arith.constant 0 : i32
      %parallel_loop3A_358 = arith.cmpi sgt, %parallel_loop3A_348, %parallel_loop3A_357 : i32
      %parallel_loop3A_359 = arith.extui %parallel_loop3A_358 : i1 to i32
      %parallel_loop3A_360 = arith.constant 0 : i32
      %parallel_loop3A_361 = arith.cmpi slt, %parallel_loop3A_348, %parallel_loop3A_360 : i32
      %parallel_loop3A_362 = arith.extui %parallel_loop3A_361 : i1 to i32
      %parallel_loop3A_363 = arith.subi %parallel_loop3A_359, %parallel_loop3A_362 : i32
      %parallel_loop3A_364 = arith.cmpi ne, %parallel_loop3A_356, %parallel_loop3A_363 : i32
      %parallel_loop3A_365 = arith.remsi %parallel_loop3A_347, %parallel_loop3A_348 : i32
      %parallel_loop3A_366 = arith.constant 0 : i32
      %parallel_loop3A_367 = arith.cmpi ne, %parallel_loop3A_365, %parallel_loop3A_366 : i32
      %parallel_loop3A_368 = arith.andi %parallel_loop3A_364, %parallel_loop3A_367 : i1
      %parallel_loop3A_369 = arith.constant 1 : i32
      %parallel_loop3A_370 = arith.subi %parallel_loop3A_349, %parallel_loop3A_369 : i32
      %parallel_loop3A_371 = arith.select %parallel_loop3A_368, %parallel_loop3A_370, %parallel_loop3A_349 : i32
      %parallel_loop3A_372 = arith.constant 64 : i32
      %parallel_loop3A_373 = arith.constant 0 : i32
      %parallel_loop3A_374 = arith.cmpi eq, %parallel_loop3A_372, %parallel_loop3A_373 : i32
      %parallel_loop3A_375 = arith.constant 1 : i32
      %parallel_loop3A_376 = arith.select %parallel_loop3A_374, %parallel_loop3A_375, %parallel_loop3A_372 : i32
      %parallel_loop3A_377 = arith.remsi %parallel_loop3A_347, %parallel_loop3A_376 : i32
      %parallel_loop3A_378 = arith.constant 0 : i32
      %parallel_loop3A_379 = arith.cmpi ne, %parallel_loop3A_377, %parallel_loop3A_378 : i32
      %parallel_loop3A_380 = arith.constant 0 : i32
      %parallel_loop3A_381 = arith.cmpi slt, %parallel_loop3A_377, %parallel_loop3A_380 : i32
      %parallel_loop3A_382 = arith.constant 0 : i32
      %parallel_loop3A_383 = arith.cmpi slt, %parallel_loop3A_376, %parallel_loop3A_382 : i32
      %parallel_loop3A_384 = arith.xori %parallel_loop3A_381, %parallel_loop3A_383 : i1
      %parallel_loop3A_385 = arith.andi %parallel_loop3A_384, %parallel_loop3A_379 : i1
      %parallel_loop3A_386 = arith.addi %parallel_loop3A_377, %parallel_loop3A_376 : i32
      %parallel_loop3A_387 = arith.select %parallel_loop3A_385, %parallel_loop3A_386, %parallel_loop3A_377 : i32
      %parallel_loop3A_388 = arith.constant 16 : i32
      %parallel_loop3A_389 = arith.muli %parallel_loop3A_387, %parallel_loop3A_388 : i32
      %parallel_loop3A_390 = arith.index_cast %parallel_loop3A_371 : i32 to index
      %parallel_loop3A_391 = arith.index_cast %parallel_loop3A_389 : i32 to index
      %parallel_loop3A_392 = tpu.vector_load %arg5[%parallel_loop3A_390, %parallel_loop3A_391] {strides = array<i32>} : memref<16x1024xf32, #tpu.memory_space<vmem>>, vector<1x16xf32>,
      %parallel_loop3A_393 = vector.shape_cast %parallel_loop3A_392 : vector<1x16xf32> to vector<16xf32>
      %parallel_loop3A_394 = arith.constant 1 : i32
      %parallel_loop3A_395 = arith.index_cast %parallel_loop3A_394 : i32 to index
      %parallel_loop3A_396 = arith.index_cast %parallel_loop3A_371 : i32 to index
      %parallel_loop3A_397 = arith.index_cast %parallel_loop3A_389 : i32 to index
      %parallel_loop3A_398 = tpu.vector_load %arg8[%parallel_loop3A_395, %parallel_loop3A_396, %parallel_loop3A_397] {strides = array<i32>} : memref<2x16x1024xf32, #tpu.memory_space<vmem>>, vector<1x1x16xf32>,
      %parallel_loop3A_399 = vector.shape_cast %parallel_loop3A_398 : vector<1x1x16xf32> to vector<16xf32>
      %parallel_loop3A_400 = vector.shape_cast %parallel_loop3A_393 : vector<16xf32> to vector<1x1x16xf32>
      tpu.vector_store %arg8[%parallel_loop3A_395, %parallel_loop3A_396, %parallel_loop3A_397], %parallel_loop3A_400 {add = true, strides = array<i32>} : memref<2x16x1024xf32, #tpu.memory_space<vmem>>, vector<1x1x16xf32>,
    } {sc.loop_unroll_factor = 8 : i64, sc.parallel_access}
    %add3A_193 = arith.constant 4 : i32
    %add3A_194 = arith.addi %mul3A_11, %add3A_193 : i32
    %add3A_195 = arith.constant 1 : i32
    %add3A_196 = arith.addi %add3A_194, %add3A_195 : i32
    %dma_start3A_197 = arith.constant 1 : i32
    %dma_start3A_198 = arith.constant 0 : i32
    %dma_start3A_199 = arith.constant 0 : i32
    %dma_start3A_200 = tpu.memref_slice %arg8[%dma_start3A_197, %dma_start3A_198, %dma_start3A_199] : memref<2x16x1024xf32, #tpu.memory_space<vmem>> -> memref<1x16x1024xf32, #tpu.memory_space<vmem>>
    %dma_start3A_201 = tpu.memref_squeeze %dma_start3A_200 : memref<1x16x1024xf32, #tpu.memory_space<vmem>> -> memref<16x1024xf32, #tpu.memory_space<vmem>>
    %dma_start3A_202 = arith.constant 0 : i32
    %dma_start3A_203 = tpu.memref_slice %arg4[%add3A_196, %mul3A_34, %dma_start3A_202] : memref<256x128x1024xf32, #tpu.memory_space<hbm>> -> memref<1x16x1024xf32, #tpu.memory_space<hbm>>
    %dma_start3A_204 = tpu.memref_squeeze %dma_start3A_203 : memref<1x16x1024xf32, #tpu.memory_space<hbm>> -> memref<16x1024xf32, #tpu.memory_space<hbm>>
    %dma_start3A_205 = arith.constant 0 : i32
    %dma_start3A_206 = tpu.memref_slice %arg4[%add3A_196, %mul3A_34, %dma_start3A_205] : memref<256x128x1024xf32, #tpu.memory_space<hbm>> -> memref<1x16x1024xf32, #tpu.memory_space<hbm>>
    %dma_start3A_207 = tpu.memref_squeeze %dma_start3A_206 : memref<1x16x1024xf32, #tpu.memory_space<hbm>> -> memref<16x1024xf32, #tpu.memory_space<hbm>>
    %dma_start3A_208 = arith.constant 0 : i32
    %dma_start3A_209 = arith.constant 0 : i32
    %dma_start3A_210 = tpu.memref_slice %arg8[%dma_start3A_197, %dma_start3A_208, %dma_start3A_209] : memref<2x16x1024xf32, #tpu.memory_space<vmem>> -> memref<1x16x1024xf32, #tpu.memory_space<vmem>>
    %dma_start3A_211 = tpu.memref_squeeze %dma_start3A_210 : memref<1x16x1024xf32, #tpu.memory_space<vmem>> -> memref<16x1024xf32, #tpu.memory_space<vmem>>
    tpu.enqueue_dma source(%dma_start3A_211 : memref<16x1024xf32, #tpu.memory_space<vmem>>) target(%dma_start3A_207 : memref<16x1024xf32, #tpu.memory_space<hbm>>) target_semaphore(%arg14 : memref<!tpu.dma_semaphore, #tpu.memory_space<semaphore_mem>>)
    %scan3A = arith.constant 0 : i32
    %scan3A_212 = arith.constant 1 : i32
    %scan3A_213 = arith.constant 9 : i32
    %scan3A_214 = arith.addi %scan3A_212, %scan3A_213 : i32
    %scan3A_215 = arith.constant 1 : i32
    scf.for %scan3A_347 = %scan3A_212 to %scan3A_214 step %scan3A_215  : i32 {
      %mul3A_348 = arith.constant 3 : i32
      %mul3A_349 = arith.muli %scan3A_347, %mul3A_348 : i32
      %add3A_350 = arith.constant 0 : i32
      %add3A_351 = arith.addi %mul3A_349, %add3A_350 : i32
      %add3A_352 = arith.constant 0 : i32
      %add3A_353 = arith.addi %mul3A_11, %add3A_352 : i32
      %dma_wait3A_354 = arith.constant 0 : i32
      %dma_wait3A_355 = tpu.memref_slice %arg4[%add3A_353, %mul3A_34, %dma_wait3A_354] : memref<256x128x1024xf32, #tpu.memory_space<hbm>> -> memref<2x16x1024xf32, #tpu.memory_space<hbm>>
      %dma_wait3A_356 = arith.constant 0 : i32
      %dma_wait3A_357 = tpu.memref_slice %arg4[%add3A_353, %mul3A_34, %dma_wait3A_356] : memref<256x128x1024xf32, #tpu.memory_space<hbm>> -> memref<2x16x1024xf32, #tpu.memory_space<hbm>>
      tpu.wait_dma2 semaphore(%arg13 : memref<!tpu.dma_semaphore, #tpu.memory_space<semaphore_mem>>) src(%arg7 : memref<2x16x1024xf32, #tpu.memory_space<vmem>>) dst(%dma_wait3A_357 : memref<2x16x1024xf32, #tpu.memory_space<hbm>>)
      %add3A_358 = arith.constant 1 : i32
      %add3A_359 = arith.addi %add3A_351, %add3A_358 : i32
      %mul3A_360 = arith.constant 2 : i32
      %mul3A_361 = arith.muli %add3A_359, %mul3A_360 : i32
      %add3A_362 = arith.addi %mul3A_11, %mul3A_361 : i32
      %dma_start3A_363 = arith.constant 0 : i32
      %dma_start3A_364 = tpu.memref_slice %arg2[%add3A_362, %mul3A_34, %dma_start3A_363] : memref<256x128x1024xf32, #tpu.memory_space<hbm>> -> memref<2x16x1024xf32, #tpu.memory_space<hbm>>
      %dma_start3A_365 = arith.constant 0 : i32
      %dma_start3A_366 = tpu.memref_slice %arg2[%add3A_362, %mul3A_34, %dma_start3A_365] : memref<256x128x1024xf32, #tpu.memory_space<hbm>> -> memref<2x16x1024xf32, #tpu.memory_space<hbm>>
      tpu.enqueue_dma source(%dma_start3A_366 : memref<2x16x1024xf32, #tpu.memory_space<hbm>>) target(%arg7 : memref<2x16x1024xf32, #tpu.memory_space<vmem>>) target_semaphore(%arg10 : memref<!tpu.dma_semaphore, #tpu.memory_space<semaphore_mem>>)
      %add3A_367 = arith.constant 0 : i32
      %add3A_368 = arith.addi %mul3A_11, %add3A_367 : i32
      %dma_wait3A_369 = arith.constant 0 : i32
      %dma_wait3A_370 = tpu.memref_slice %arg2[%add3A_368, %mul3A_34, %dma_wait3A_369] : memref<256x128x1024xf32, #tpu.memory_space<hbm>> -> memref<2x16x1024xf32, #tpu.memory_space<hbm>>
      %dma_wait3A_371 = arith.constant 0 : i32
      %dma_wait3A_372 = tpu.memref_slice %arg2[%add3A_368, %mul3A_34, %dma_wait3A_371] : memref<256x128x1024xf32, #tpu.memory_space<hbm>> -> memref<2x16x1024xf32, #tpu.memory_space<hbm>>
      tpu.wait_dma2 semaphore(%arg9 : memref<!tpu.dma_semaphore, #tpu.memory_space<semaphore_mem>>) src(%dma_wait3A_372 : memref<2x16x1024xf32, #tpu.memory_space<hbm>>) dst(%arg6 : memref<2x16x1024xf32, #tpu.memory_space<vmem>>)
      %parallel_loop3A_373 = arith.constant 0 : i32
      %parallel_loop3A_374 = arith.constant 1024 : i32
      %parallel_loop3A_375 = arith.constant 1 : i32
      scf.for %parallel_loop3A_557 = %parallel_loop3A_373 to %parallel_loop3A_374 step %parallel_loop3A_375  : i32 {
        %parallel_loop3A_558 = arith.constant 64 : i32
        %parallel_loop3A_559 = arith.divsi %parallel_loop3A_557, %parallel_loop3A_558 : i32
        %parallel_loop3A_560 = arith.constant 0 : i32
        %parallel_loop3A_561 = arith.cmpi sgt, %parallel_loop3A_557, %parallel_loop3A_560 : i32
        %parallel_loop3A_562 = arith.extui %parallel_loop3A_561 : i1 to i32
        %parallel_loop3A_563 = arith.constant 0 : i32
        %parallel_loop3A_564 = arith.cmpi slt, %parallel_loop3A_557, %parallel_loop3A_563 : i32
        %parallel_loop3A_565 = arith.extui %parallel_loop3A_564 : i1 to i32
        %parallel_loop3A_566 = arith.subi %parallel_loop3A_562, %parallel_loop3A_565 : i32
        %parallel_loop3A_567 = arith.constant 0 : i32
        %parallel_loop3A_568 = arith.cmpi sgt, %parallel_loop3A_558, %parallel_loop3A_567 : i32
        %parallel_loop3A_569 = arith.extui %parallel_loop3A_568 : i1 to i32
        %parallel_loop3A_570 = arith.constant 0 : i32
        %parallel_loop3A_571 = arith.cmpi slt, %parallel_loop3A_558, %parallel_loop3A_570 : i32
        %parallel_loop3A_572 = arith.extui %parallel_loop3A_571 : i1 to i32
        %parallel_loop3A_573 = arith.subi %parallel_loop3A_569, %parallel_loop3A_572 : i32
        %parallel_loop3A_574 = arith.cmpi ne, %parallel_loop3A_566, %parallel_loop3A_573 : i32
        %parallel_loop3A_575 = arith.remsi %parallel_loop3A_557, %parallel_loop3A_558 : i32
        %parallel_loop3A_576 = arith.constant 0 : i32
        %parallel_loop3A_577 = arith.cmpi ne, %parallel_loop3A_575, %parallel_loop3A_576 : i32
        %parallel_loop3A_578 = arith.andi %parallel_loop3A_574, %parallel_loop3A_577 : i1
        %parallel_loop3A_579 = arith.constant 1 : i32
        %parallel_loop3A_580 = arith.subi %parallel_loop3A_559, %parallel_loop3A_579 : i32
        %parallel_loop3A_581 = arith.select %parallel_loop3A_578, %parallel_loop3A_580, %parallel_loop3A_559 : i32
        %parallel_loop3A_582 = arith.constant 64 : i32
        %parallel_loop3A_583 = arith.constant 0 : i32
        %parallel_loop3A_584 = arith.cmpi eq, %parallel_loop3A_582, %parallel_loop3A_583 : i32
        %parallel_loop3A_585 = arith.constant 1 : i32
        %parallel_loop3A_586 = arith.select %parallel_loop3A_584, %parallel_loop3A_585, %parallel_loop3A_582 : i32
        %parallel_loop3A_587 = arith.remsi %parallel_loop3A_557, %parallel_loop3A_586 : i32
        %parallel_loop3A_588 = arith.constant 0 : i32
        %parallel_loop3A_589 = arith.cmpi ne, %parallel_loop3A_587, %parallel_loop3A_588 : i32
        %parallel_loop3A_590 = arith.constant 0 : i32
        %parallel_loop3A_591 = arith.cmpi slt, %parallel_loop3A_587, %parallel_loop3A_590 : i32
        %parallel_loop3A_592 = arith.constant 0 : i32
        %parallel_loop3A_593 = arith.cmpi slt, %parallel_loop3A_586, %parallel_loop3A_592 : i32
        %parallel_loop3A_594 = arith.xori %parallel_loop3A_591, %parallel_loop3A_593 : i1
        %parallel_loop3A_595 = arith.andi %parallel_loop3A_594, %parallel_loop3A_589 : i1
        %parallel_loop3A_596 = arith.addi %parallel_loop3A_587, %parallel_loop3A_586 : i32
        %parallel_loop3A_597 = arith.select %parallel_loop3A_595, %parallel_loop3A_596, %parallel_loop3A_587 : i32
        %parallel_loop3A_598 = arith.constant 16 : i32
        %parallel_loop3A_599 = arith.muli %parallel_loop3A_597, %parallel_loop3A_598 : i32
        %parallel_loop3A_600 = arith.index_cast %parallel_loop3A_581 : i32 to index
        %parallel_loop3A_601 = arith.index_cast %parallel_loop3A_599 : i32 to index
        %parallel_loop3A_602 = tpu.vector_load %arg5[%parallel_loop3A_600, %parallel_loop3A_601] {strides = array<i32>} : memref<16x1024xf32, #tpu.memory_space<vmem>>, vector<1x16xf32>,
        %parallel_loop3A_603 = vector.shape_cast %parallel_loop3A_602 : vector<1x16xf32> to vector<16xf32>
        %parallel_loop3A_604 = arith.constant 0 : i32
        %parallel_loop3A_605 = arith.index_cast %parallel_loop3A_604 : i32 to index
        %parallel_loop3A_606 = arith.index_cast %parallel_loop3A_581 : i32 to index
        %parallel_loop3A_607 = arith.index_cast %parallel_loop3A_599 : i32 to index
        %parallel_loop3A_608 = tpu.vector_load %arg6[%parallel_loop3A_605, %parallel_loop3A_606, %parallel_loop3A_607] {strides = array<i32>} : memref<2x16x1024xf32, #tpu.memory_space<vmem>>, vector<1x1x16xf32>,
        %parallel_loop3A_609 = vector.shape_cast %parallel_loop3A_608 : vector<1x1x16xf32> to vector<16xf32>
        %parallel_loop3A_610 = vector.shape_cast %parallel_loop3A_603 : vector<16xf32> to vector<1x1x16xf32>
        tpu.vector_store %arg6[%parallel_loop3A_605, %parallel_loop3A_606, %parallel_loop3A_607], %parallel_loop3A_610 {add = true, strides = array<i32>} : memref<2x16x1024xf32, #tpu.memory_space<vmem>>, vector<1x1x16xf32>,
      } {sc.loop_unroll_factor = 8 : i64, sc.parallel_access}
      %mul3A_376 = arith.constant 2 : i32
      %mul3A_377 = arith.muli %add3A_351, %mul3A_376 : i32
      %add3A_378 = arith.addi %mul3A_11, %mul3A_377 : i32
      %add3A_379 = arith.constant 0 : i32
      %add3A_380 = arith.addi %add3A_378, %add3A_379 : i32
      %dma_start3A_381 = arith.constant 0 : i32
      %dma_start3A_382 = arith.constant 0 : i32
      %dma_start3A_383 = arith.constant 0 : i32
      %dma_start3A_384 = tpu.memref_slice %arg6[%dma_start3A_381, %dma_start3A_382, %dma_start3A_383] : memref<2x16x1024xf32, #tpu.memory_space<vmem>> -> memref<1x16x1024xf32, #tpu.memory_space<vmem>>
      %dma_start3A_385 = tpu.memref_squeeze %dma_start3A_384 : memref<1x16x1024xf32, #tpu.memory_space<vmem>> -> memref<16x1024xf32, #tpu.memory_space<vmem>>
      %dma_start3A_386 = arith.constant 0 : i32
      %dma_start3A_387 = tpu.memref_slice %arg4[%add3A_380, %mul3A_34, %dma_start3A_386] : memref<256x128x1024xf32, #tpu.memory_space<hbm>> -> memref<1x16x1024xf32, #tpu.memory_space<hbm>>
      %dma_start3A_388 = tpu.memref_squeeze %dma_start3A_387 : memref<1x16x1024xf32, #tpu.memory_space<hbm>> -> memref<16x1024xf32, #tpu.memory_space<hbm>>
      %dma_start3A_389 = arith.constant 0 : i32
      %dma_start3A_390 = tpu.memref_slice %arg4[%add3A_380, %mul3A_34, %dma_start3A_389] : memref<256x128x1024xf32, #tpu.memory_space<hbm>> -> memref<1x16x1024xf32, #tpu.memory_space<hbm>>
      %dma_start3A_391 = tpu.memref_squeeze %dma_start3A_390 : memref<1x16x1024xf32, #tpu.memory_space<hbm>> -> memref<16x1024xf32, #tpu.memory_space<hbm>>
      %dma_start3A_392 = arith.constant 0 : i32
      %dma_start3A_393 = arith.constant 0 : i32
      %dma_start3A_394 = tpu.memref_slice %arg6[%dma_start3A_381, %dma_start3A_392, %dma_start3A_393] : memref<2x16x1024xf32, #tpu.memory_space<vmem>> -> memref<1x16x1024xf32, #tpu.memory_space<vmem>>
      %dma_start3A_395 = tpu.memref_squeeze %dma_start3A_394 : memref<1x16x1024xf32, #tpu.memory_space<vmem>> -> memref<16x1024xf32, #tpu.memory_space<vmem>>
      tpu.enqueue_dma source(%dma_start3A_395 : memref<16x1024xf32, #tpu.memory_space<vmem>>) target(%dma_start3A_391 : memref<16x1024xf32, #tpu.memory_space<hbm>>) target_semaphore(%arg12 : memref<!tpu.dma_semaphore, #tpu.memory_space<semaphore_mem>>)
      %parallel_loop3A_396 = arith.constant 0 : i32
      %parallel_loop3A_397 = arith.constant 1024 : i32
      %parallel_loop3A_398 = arith.constant 1 : i32
      scf.for %parallel_loop3A_557 = %parallel_loop3A_396 to %parallel_loop3A_397 step %parallel_loop3A_398  : i32 {
        %parallel_loop3A_558 = arith.constant 64 : i32
        %parallel_loop3A_559 = arith.divsi %parallel_loop3A_557, %parallel_loop3A_558 : i32
        %parallel_loop3A_560 = arith.constant 0 : i32
        %parallel_loop3A_561 = arith.cmpi sgt, %parallel_loop3A_557, %parallel_loop3A_560 : i32
        %parallel_loop3A_562 = arith.extui %parallel_loop3A_561 : i1 to i32
        %parallel_loop3A_563 = arith.constant 0 : i32
        %parallel_loop3A_564 = arith.cmpi slt, %parallel_loop3A_557, %parallel_loop3A_563 : i32
        %parallel_loop3A_565 = arith.extui %parallel_loop3A_564 : i1 to i32
        %parallel_loop3A_566 = arith.subi %parallel_loop3A_562, %parallel_loop3A_565 : i32
        %parallel_loop3A_567 = arith.constant 0 : i32
        %parallel_loop3A_568 = arith.cmpi sgt, %parallel_loop3A_558, %parallel_loop3A_567 : i32
        %parallel_loop3A_569 = arith.extui %parallel_loop3A_568 : i1 to i32
        %parallel_loop3A_570 = arith.constant 0 : i32
        %parallel_loop3A_571 = arith.cmpi slt, %parallel_loop3A_558, %parallel_loop3A_570 : i32
        %parallel_loop3A_572 = arith.extui %parallel_loop3A_571 : i1 to i32
        %parallel_loop3A_573 = arith.subi %parallel_loop3A_569, %parallel_loop3A_572 : i32
        %parallel_loop3A_574 = arith.cmpi ne, %parallel_loop3A_566, %parallel_loop3A_573 : i32
        %parallel_loop3A_575 = arith.remsi %parallel_loop3A_557, %parallel_loop3A_558 : i32
        %parallel_loop3A_576 = arith.constant 0 : i32
        %parallel_loop3A_577 = arith.cmpi ne, %parallel_loop3A_575, %parallel_loop3A_576 : i32
        %parallel_loop3A_578 = arith.andi %parallel_loop3A_574, %parallel_loop3A_577 : i1
        %parallel_loop3A_579 = arith.constant 1 : i32
        %parallel_loop3A_580 = arith.subi %parallel_loop3A_559, %parallel_loop3A_579 : i32
        %parallel_loop3A_581 = arith.select %parallel_loop3A_578, %parallel_loop3A_580, %parallel_loop3A_559 : i32
        %parallel_loop3A_582 = arith.constant 64 : i32
        %parallel_loop3A_583 = arith.constant 0 : i32
        %parallel_loop3A_584 = arith.cmpi eq, %parallel_loop3A_582, %parallel_loop3A_583 : i32
        %parallel_loop3A_585 = arith.constant 1 : i32
        %parallel_loop3A_586 = arith.select %parallel_loop3A_584, %parallel_loop3A_585, %parallel_loop3A_582 : i32
        %parallel_loop3A_587 = arith.remsi %parallel_loop3A_557, %parallel_loop3A_586 : i32
        %parallel_loop3A_588 = arith.constant 0 : i32
        %parallel_loop3A_589 = arith.cmpi ne, %parallel_loop3A_587, %parallel_loop3A_588 : i32
        %parallel_loop3A_590 = arith.constant 0 : i32
        %parallel_loop3A_591 = arith.cmpi slt, %parallel_loop3A_587, %parallel_loop3A_590 : i32
        %parallel_loop3A_592 = arith.constant 0 : i32
        %parallel_loop3A_593 = arith.cmpi slt, %parallel_loop3A_586, %parallel_loop3A_592 : i32
        %parallel_loop3A_594 = arith.xori %parallel_loop3A_591, %parallel_loop3A_593 : i1
        %parallel_loop3A_595 = arith.andi %parallel_loop3A_594, %parallel_loop3A_589 : i1
        %parallel_loop3A_596 = arith.addi %parallel_loop3A_587, %parallel_loop3A_586 : i32
        %parallel_loop3A_597 = arith.select %parallel_loop3A_595, %parallel_loop3A_596, %parallel_loop3A_587 : i32
        %parallel_loop3A_598 = arith.constant 16 : i32
        %parallel_loop3A_599 = arith.muli %parallel_loop3A_597, %parallel_loop3A_598 : i32
        %parallel_loop3A_600 = arith.index_cast %parallel_loop3A_581 : i32 to index
        %parallel_loop3A_601 = arith.index_cast %parallel_loop3A_599 : i32 to index
        %parallel_loop3A_602 = tpu.vector_load %arg5[%parallel_loop3A_600, %parallel_loop3A_601] {strides = array<i32>} : memref<16x1024xf32, #tpu.memory_space<vmem>>, vector<1x16xf32>,
        %parallel_loop3A_603 = vector.shape_cast %parallel_loop3A_602 : vector<1x16xf32> to vector<16xf32>
        %parallel_loop3A_604 = arith.constant 1 : i32
        %parallel_loop3A_605 = arith.index_cast %parallel_loop3A_604 : i32 to index
        %parallel_loop3A_606 = arith.index_cast %parallel_loop3A_581 : i32 to index
        %parallel_loop3A_607 = arith.index_cast %parallel_loop3A_599 : i32 to index
        %parallel_loop3A_608 = tpu.vector_load %arg6[%parallel_loop3A_605, %parallel_loop3A_606, %parallel_loop3A_607] {strides = array<i32>} : memref<2x16x1024xf32, #tpu.memory_space<vmem>>, vector<1x1x16xf32>,
        %parallel_loop3A_609 = vector.shape_cast %parallel_loop3A_608 : vector<1x1x16xf32> to vector<16xf32>
        %parallel_loop3A_610 = vector.shape_cast %parallel_loop3A_603 : vector<16xf32> to vector<1x1x16xf32>
        tpu.vector_store %arg6[%parallel_loop3A_605, %parallel_loop3A_606, %parallel_loop3A_607], %parallel_loop3A_610 {add = true, strides = array<i32>} : memref<2x16x1024xf32, #tpu.memory_space<vmem>>, vector<1x1x16xf32>,
      } {sc.loop_unroll_factor = 8 : i64, sc.parallel_access}
      %mul3A_399 = arith.constant 2 : i32
      %mul3A_400 = arith.muli %add3A_351, %mul3A_399 : i32
      %add3A_401 = arith.addi %mul3A_11, %mul3A_400 : i32
      %add3A_402 = arith.constant 1 : i32
      %add3A_403 = arith.addi %add3A_401, %add3A_402 : i32
      %dma_start3A_404 = arith.constant 1 : i32
      %dma_start3A_405 = arith.constant 0 : i32
      %dma_start3A_406 = arith.constant 0 : i32
      %dma_start3A_407 = tpu.memref_slice %arg6[%dma_start3A_404, %dma_start3A_405, %dma_start3A_406] : memref<2x16x1024xf32, #tpu.memory_space<vmem>> -> memref<1x16x1024xf32, #tpu.memory_space<vmem>>
      %dma_start3A_408 = tpu.memref_squeeze %dma_start3A_407 : memref<1x16x1024xf32, #tpu.memory_space<vmem>> -> memref<16x1024xf32, #tpu.memory_space<vmem>>
      %dma_start3A_409 = arith.constant 0 : i32
      %dma_start3A_410 = tpu.memref_slice %arg4[%add3A_403, %mul3A_34, %dma_start3A_409] : memref<256x128x1024xf32, #tpu.memory_space<hbm>> -> memref<1x16x1024xf32, #tpu.memory_space<hbm>>
      %dma_start3A_411 = tpu.memref_squeeze %dma_start3A_410 : memref<1x16x1024xf32, #tpu.memory_space<hbm>> -> memref<16x1024xf32, #tpu.memory_space<hbm>>
      %dma_start3A_412 = arith.constant 0 : i32
      %dma_start3A_413 = tpu.memref_slice %arg4[%add3A_403, %mul3A_34, %dma_start3A_412] : memref<256x128x1024xf32, #tpu.memory_space<hbm>> -> memref<1x16x1024xf32, #tpu.memory_space<hbm>>
      %dma_start3A_414 = tpu.memref_squeeze %dma_start3A_413 : memref<1x16x1024xf32, #tpu.memory_space<hbm>> -> memref<16x1024xf32, #tpu.memory_space<hbm>>
      %dma_start3A_415 = arith.constant 0 : i32
      %dma_start3A_416 = arith.constant 0 : i32
      %dma_start3A_417 = tpu.memref_slice %arg6[%dma_start3A_404, %dma_start3A_415, %dma_start3A_416] : memref<2x16x1024xf32, #tpu.memory_space<vmem>> -> memref<1x16x1024xf32, #tpu.memory_space<vmem>>
      %dma_start3A_418 = tpu.memref_squeeze %dma_start3A_417 : memref<1x16x1024xf32, #tpu.memory_space<vmem>> -> memref<16x1024xf32, #tpu.memory_space<vmem>>
      tpu.enqueue_dma source(%dma_start3A_418 : memref<16x1024xf32, #tpu.memory_space<vmem>>) target(%dma_start3A_414 : memref<16x1024xf32, #tpu.memory_space<hbm>>) target_semaphore(%arg12 : memref<!tpu.dma_semaphore, #tpu.memory_space<semaphore_mem>>)
      %add3A_419 = arith.constant 1 : i32
      %add3A_420 = arith.addi %mul3A_349, %add3A_419 : i32
      %add3A_421 = arith.constant 0 : i32
      %add3A_422 = arith.addi %mul3A_11, %add3A_421 : i32
      %dma_wait3A_423 = arith.constant 0 : i32
      %dma_wait3A_424 = tpu.memref_slice %arg4[%add3A_422, %mul3A_34, %dma_wait3A_423] : memref<256x128x1024xf32, #tpu.memory_space<hbm>> -> memref<2x16x1024xf32, #tpu.memory_space<hbm>>
      %dma_wait3A_425 = arith.constant 0 : i32
      %dma_wait3A_426 = tpu.memref_slice %arg4[%add3A_422, %mul3A_34, %dma_wait3A_425] : memref<256x128x1024xf32, #tpu.memory_space<hbm>> -> memref<2x16x1024xf32, #tpu.memory_space<hbm>>
      tpu.wait_dma2 semaphore(%arg14 : memref<!tpu.dma_semaphore, #tpu.memory_space<semaphore_mem>>) src(%arg8 : memref<2x16x1024xf32, #tpu.memory_space<vmem>>) dst(%dma_wait3A_426 : memref<2x16x1024xf32, #tpu.memory_space<hbm>>)
      %add3A_427 = arith.constant 1 : i32
      %add3A_428 = arith.addi %add3A_420, %add3A_427 : i32
      %mul3A_429 = arith.constant 2 : i32
      %mul3A_430 = arith.muli %add3A_428, %mul3A_429 : i32
      %add3A_431 = arith.addi %mul3A_11, %mul3A_430 : i32
      %dma_start3A_432 = arith.constant 0 : i32
      %dma_start3A_433 = tpu.memref_slice %arg2[%add3A_431, %mul3A_34, %dma_start3A_432] : memref<256x128x1024xf32, #tpu.memory_space<hbm>> -> memref<2x16x1024xf32, #tpu.memory_space<hbm>>
      %dma_start3A_434 = arith.constant 0 : i32
      %dma_start3A_435 = tpu.memref_slice %arg2[%add3A_431, %mul3A_34, %dma_start3A_434] : memref<256x128x1024xf32, #tpu.memory_space<hbm>> -> memref<2x16x1024xf32, #tpu.memory_space<hbm>>
      tpu.enqueue_dma source(%dma_start3A_435 : memref<2x16x1024xf32, #tpu.memory_space<hbm>>) target(%arg8 : memref<2x16x1024xf32, #tpu.memory_space<vmem>>) target_semaphore(%arg11 : memref<!tpu.dma_semaphore, #tpu.memory_space<semaphore_mem>>)
      %add3A_436 = arith.constant 0 : i32
      %add3A_437 = arith.addi %mul3A_11, %add3A_436 : i32
      %dma_wait3A_438 = arith.constant 0 : i32
      %dma_wait3A_439 = tpu.memref_slice %arg2[%add3A_437, %mul3A_34, %dma_wait3A_438] : memref<256x128x1024xf32, #tpu.memory_space<hbm>> -> memref<2x16x1024xf32, #tpu.memory_space<hbm>>
      %dma_wait3A_440 = arith.constant 0 : i32
      %dma_wait3A_441 = tpu.memref_slice %arg2[%add3A_437, %mul3A_34, %dma_wait3A_440] : memref<256x128x1024xf32, #tpu.memory_space<hbm>> -> memref<2x16x1024xf32, #tpu.memory_space<hbm>>
      tpu.wait_dma2 semaphore(%arg10 : memref<!tpu.dma_semaphore, #tpu.memory_space<semaphore_mem>>) src(%dma_wait3A_441 : memref<2x16x1024xf32, #tpu.memory_space<hbm>>) dst(%arg7 : memref<2x16x1024xf32, #tpu.memory_space<vmem>>)
      %parallel_loop3A_442 = arith.constant 0 : i32
      %parallel_loop3A_443 = arith.constant 1024 : i32
      %parallel_loop3A_444 = arith.constant 1 : i32
      scf.for %parallel_loop3A_557 = %parallel_loop3A_442 to %parallel_loop3A_443 step %parallel_loop3A_444  : i32 {
        %parallel_loop3A_558 = arith.constant 64 : i32
        %parallel_loop3A_559 = arith.divsi %parallel_loop3A_557, %parallel_loop3A_558 : i32
        %parallel_loop3A_560 = arith.constant 0 : i32
        %parallel_loop3A_561 = arith.cmpi sgt, %parallel_loop3A_557, %parallel_loop3A_560 : i32
        %parallel_loop3A_562 = arith.extui %parallel_loop3A_561 : i1 to i32
        %parallel_loop3A_563 = arith.constant 0 : i32
        %parallel_loop3A_564 = arith.cmpi slt, %parallel_loop3A_557, %parallel_loop3A_563 : i32
        %parallel_loop3A_565 = arith.extui %parallel_loop3A_564 : i1 to i32
        %parallel_loop3A_566 = arith.subi %parallel_loop3A_562, %parallel_loop3A_565 : i32
        %parallel_loop3A_567 = arith.constant 0 : i32
        %parallel_loop3A_568 = arith.cmpi sgt, %parallel_loop3A_558, %parallel_loop3A_567 : i32
        %parallel_loop3A_569 = arith.extui %parallel_loop3A_568 : i1 to i32
        %parallel_loop3A_570 = arith.constant 0 : i32
        %parallel_loop3A_571 = arith.cmpi slt, %parallel_loop3A_558, %parallel_loop3A_570 : i32
        %parallel_loop3A_572 = arith.extui %parallel_loop3A_571 : i1 to i32
        %parallel_loop3A_573 = arith.subi %parallel_loop3A_569, %parallel_loop3A_572 : i32
        %parallel_loop3A_574 = arith.cmpi ne, %parallel_loop3A_566, %parallel_loop3A_573 : i32
        %parallel_loop3A_575 = arith.remsi %parallel_loop3A_557, %parallel_loop3A_558 : i32
        %parallel_loop3A_576 = arith.constant 0 : i32
        %parallel_loop3A_577 = arith.cmpi ne, %parallel_loop3A_575, %parallel_loop3A_576 : i32
        %parallel_loop3A_578 = arith.andi %parallel_loop3A_574, %parallel_loop3A_577 : i1
        %parallel_loop3A_579 = arith.constant 1 : i32
        %parallel_loop3A_580 = arith.subi %parallel_loop3A_559, %parallel_loop3A_579 : i32
        %parallel_loop3A_581 = arith.select %parallel_loop3A_578, %parallel_loop3A_580, %parallel_loop3A_559 : i32
        %parallel_loop3A_582 = arith.constant 64 : i32
        %parallel_loop3A_583 = arith.constant 0 : i32
        %parallel_loop3A_584 = arith.cmpi eq, %parallel_loop3A_582, %parallel_loop3A_583 : i32
        %parallel_loop3A_585 = arith.constant 1 : i32
        %parallel_loop3A_586 = arith.select %parallel_loop3A_584, %parallel_loop3A_585, %parallel_loop3A_582 : i32
        %parallel_loop3A_587 = arith.remsi %parallel_loop3A_557, %parallel_loop3A_586 : i32
        %parallel_loop3A_588 = arith.constant 0 : i32
        %parallel_loop3A_589 = arith.cmpi ne, %parallel_loop3A_587, %parallel_loop3A_588 : i32
        %parallel_loop3A_590 = arith.constant 0 : i32
        %parallel_loop3A_591 = arith.cmpi slt, %parallel_loop3A_587, %parallel_loop3A_590 : i32
        %parallel_loop3A_592 = arith.constant 0 : i32
        %parallel_loop3A_593 = arith.cmpi slt, %parallel_loop3A_586, %parallel_loop3A_592 : i32
        %parallel_loop3A_594 = arith.xori %parallel_loop3A_591, %parallel_loop3A_593 : i1
        %parallel_loop3A_595 = arith.andi %parallel_loop3A_594, %parallel_loop3A_589 : i1
        %parallel_loop3A_596 = arith.addi %parallel_loop3A_587, %parallel_loop3A_586 : i32
        %parallel_loop3A_597 = arith.select %parallel_loop3A_595, %parallel_loop3A_596, %parallel_loop3A_587 : i32
        %parallel_loop3A_598 = arith.constant 16 : i32
        %parallel_loop3A_599 = arith.muli %parallel_loop3A_597, %parallel_loop3A_598 : i32
        %parallel_loop3A_600 = arith.index_cast %parallel_loop3A_581 : i32 to index
        %parallel_loop3A_601 = arith.index_cast %parallel_loop3A_599 : i32 to index
        %parallel_loop3A_602 = tpu.vector_load %arg5[%parallel_loop3A_600, %parallel_loop3A_601] {strides = array<i32>} : memref<16x1024xf32, #tpu.memory_space<vmem>>, vector<1x16xf32>,
        %parallel_loop3A_603 = vector.shape_cast %parallel_loop3A_602 : vector<1x16xf32> to vector<16xf32>
        %parallel_loop3A_604 = arith.constant 0 : i32
        %parallel_loop3A_605 = arith.index_cast %parallel_loop3A_604 : i32 to index
        %parallel_loop3A_606 = arith.index_cast %parallel_loop3A_581 : i32 to index
        %parallel_loop3A_607 = arith.index_cast %parallel_loop3A_599 : i32 to index
        %parallel_loop3A_608 = tpu.vector_load %arg7[%parallel_loop3A_605, %parallel_loop3A_606, %parallel_loop3A_607] {strides = array<i32>} : memref<2x16x1024xf32, #tpu.memory_space<vmem>>, vector<1x1x16xf32>,
        %parallel_loop3A_609 = vector.shape_cast %parallel_loop3A_608 : vector<1x1x16xf32> to vector<16xf32>
        %parallel_loop3A_610 = vector.shape_cast %parallel_loop3A_603 : vector<16xf32> to vector<1x1x16xf32>
        tpu.vector_store %arg7[%parallel_loop3A_605, %parallel_loop3A_606, %parallel_loop3A_607], %parallel_loop3A_610 {add = true, strides = array<i32>} : memref<2x16x1024xf32, #tpu.memory_space<vmem>>, vector<1x1x16xf32>,
      } {sc.loop_unroll_factor = 8 : i64, sc.parallel_access}
      %mul3A_445 = arith.constant 2 : i32
      %mul3A_446 = arith.muli %add3A_420, %mul3A_445 : i32
      %add3A_447 = arith.addi %mul3A_11, %mul3A_446 : i32
      %add3A_448 = arith.constant 0 : i32
      %add3A_449 = arith.addi %add3A_447, %add3A_448 : i32
      %dma_start3A_450 = arith.constant 0 : i32
      %dma_start3A_451 = arith.constant 0 : i32
      %dma_start3A_452 = arith.constant 0 : i32
      %dma_start3A_453 = tpu.memref_slice %arg7[%dma_start3A_450, %dma_start3A_451, %dma_start3A_452] : memref<2x16x1024xf32, #tpu.memory_space<vmem>> -> memref<1x16x1024xf32, #tpu.memory_space<vmem>>
      %dma_start3A_454 = tpu.memref_squeeze %dma_start3A_453 : memref<1x16x1024xf32, #tpu.memory_space<vmem>> -> memref<16x1024xf32, #tpu.memory_space<vmem>>
      %dma_start3A_455 = arith.constant 0 : i32
      %dma_start3A_456 = tpu.memref_slice %arg4[%add3A_449, %mul3A_34, %dma_start3A_455] : memref<256x128x1024xf32, #tpu.memory_space<hbm>> -> memref<1x16x1024xf32, #tpu.memory_space<hbm>>
      %dma_start3A_457 = tpu.memref_squeeze %dma_start3A_456 : memref<1x16x1024xf32, #tpu.memory_space<hbm>> -> memref<16x1024xf32, #tpu.memory_space<hbm>>
      %dma_start3A_458 = arith.constant 0 : i32
      %dma_start3A_459 = tpu.memref_slice %arg4[%add3A_449, %mul3A_34, %dma_start3A_458] : memref<256x128x1024xf32, #tpu.memory_space<hbm>> -> memref<1x16x1024xf32, #tpu.memory_space<hbm>>
      %dma_start3A_460 = tpu.memref_squeeze %dma_start3A_459 : memref<1x16x1024xf32, #tpu.memory_space<hbm>> -> memref<16x1024xf32, #tpu.memory_space<hbm>>
      %dma_start3A_461 = arith.constant 0 : i32
      %dma_start3A_462 = arith.constant 0 : i32
      %dma_start3A_463 = tpu.memref_slice %arg7[%dma_start3A_450, %dma_start3A_461, %dma_start3A_462] : memref<2x16x1024xf32, #tpu.memory_space<vmem>> -> memref<1x16x1024xf32, #tpu.memory_space<vmem>>
      %dma_start3A_464 = tpu.memref_squeeze %dma_start3A_463 : memref<1x16x1024xf32, #tpu.memory_space<vmem>> -> memref<16x1024xf32, #tpu.memory_space<vmem>>
      tpu.enqueue_dma source(%dma_start3A_464 : memref<16x1024xf32, #tpu.memory_space<vmem>>) target(%dma_start3A_460 : memref<16x1024xf32, #tpu.memory_space<hbm>>) target_semaphore(%arg13 : memref<!tpu.dma_semaphore, #tpu.memory_space<semaphore_mem>>)
      %parallel_loop3A_465 = arith.constant 0 : i32
      %parallel_loop3A_466 = arith.constant 1024 : i32
      %parallel_loop3A_467 = arith.constant 1 : i32
      scf.for %parallel_loop3A_557 = %parallel_loop3A_465 to %parallel_loop3A_466 step %parallel_loop3A_467  : i32 {
        %parallel_loop3A_558 = arith.constant 64 : i32
        %parallel_loop3A_559 = arith.divsi %parallel_loop3A_557, %parallel_loop3A_558 : i32
        %parallel_loop3A_560 = arith.constant 0 : i32
        %parallel_loop3A_561 = arith.cmpi sgt, %parallel_loop3A_557, %parallel_loop3A_560 : i32
        %parallel_loop3A_562 = arith.extui %parallel_loop3A_561 : i1 to i32
        %parallel_loop3A_563 = arith.constant 0 : i32
        %parallel_loop3A_564 = arith.cmpi slt, %parallel_loop3A_557, %parallel_loop3A_563 : i32
        %parallel_loop3A_565 = arith.extui %parallel_loop3A_564 : i1 to i32
        %parallel_loop3A_566 = arith.subi %parallel_loop3A_562, %parallel_loop3A_565 : i32
        %parallel_loop3A_567 = arith.constant 0 : i32
        %parallel_loop3A_568 = arith.cmpi sgt, %parallel_loop3A_558, %parallel_loop3A_567 : i32
        %parallel_loop3A_569 = arith.extui %parallel_loop3A_568 : i1 to i32
        %parallel_loop3A_570 = arith.constant 0 : i32
        %parallel_loop3A_571 = arith.cmpi slt, %parallel_loop3A_558, %parallel_loop3A_570 : i32
        %parallel_loop3A_572 = arith.extui %parallel_loop3A_571 : i1 to i32
        %parallel_loop3A_573 = arith.subi %parallel_loop3A_569, %parallel_loop3A_572 : i32
        %parallel_loop3A_574 = arith.cmpi ne, %parallel_loop3A_566, %parallel_loop3A_573 : i32
        %parallel_loop3A_575 = arith.remsi %parallel_loop3A_557, %parallel_loop3A_558 : i32
        %parallel_loop3A_576 = arith.constant 0 : i32
        %parallel_loop3A_577 = arith.cmpi ne, %parallel_loop3A_575, %parallel_loop3A_576 : i32
        %parallel_loop3A_578 = arith.andi %parallel_loop3A_574, %parallel_loop3A_577 : i1
        %parallel_loop3A_579 = arith.constant 1 : i32
        %parallel_loop3A_580 = arith.subi %parallel_loop3A_559, %parallel_loop3A_579 : i32
        %parallel_loop3A_581 = arith.select %parallel_loop3A_578, %parallel_loop3A_580, %parallel_loop3A_559 : i32
        %parallel_loop3A_582 = arith.constant 64 : i32
        %parallel_loop3A_583 = arith.constant 0 : i32
        %parallel_loop3A_584 = arith.cmpi eq, %parallel_loop3A_582, %parallel_loop3A_583 : i32
        %parallel_loop3A_585 = arith.constant 1 : i32
        %parallel_loop3A_586 = arith.select %parallel_loop3A_584, %parallel_loop3A_585, %parallel_loop3A_582 : i32
        %parallel_loop3A_587 = arith.remsi %parallel_loop3A_557, %parallel_loop3A_586 : i32
        %parallel_loop3A_588 = arith.constant 0 : i32
        %parallel_loop3A_589 = arith.cmpi ne, %parallel_loop3A_587, %parallel_loop3A_588 : i32
        %parallel_loop3A_590 = arith.constant 0 : i32
        %parallel_loop3A_591 = arith.cmpi slt, %parallel_loop3A_587, %parallel_loop3A_590 : i32
        %parallel_loop3A_592 = arith.constant 0 : i32
        %parallel_loop3A_593 = arith.cmpi slt, %parallel_loop3A_586, %parallel_loop3A_592 : i32
        %parallel_loop3A_594 = arith.xori %parallel_loop3A_591, %parallel_loop3A_593 : i1
        %parallel_loop3A_595 = arith.andi %parallel_loop3A_594, %parallel_loop3A_589 : i1
        %parallel_loop3A_596 = arith.addi %parallel_loop3A_587, %parallel_loop3A_586 : i32
        %parallel_loop3A_597 = arith.select %parallel_loop3A_595, %parallel_loop3A_596, %parallel_loop3A_587 : i32
        %parallel_loop3A_598 = arith.constant 16 : i32
        %parallel_loop3A_599 = arith.muli %parallel_loop3A_597, %parallel_loop3A_598 : i32
        %parallel_loop3A_600 = arith.index_cast %parallel_loop3A_581 : i32 to index
        %parallel_loop3A_601 = arith.index_cast %parallel_loop3A_599 : i32 to index
        %parallel_loop3A_602 = tpu.vector_load %arg5[%parallel_loop3A_600, %parallel_loop3A_601] {strides = array<i32>} : memref<16x1024xf32, #tpu.memory_space<vmem>>, vector<1x16xf32>,
        %parallel_loop3A_603 = vector.shape_cast %parallel_loop3A_602 : vector<1x16xf32> to vector<16xf32>
        %parallel_loop3A_604 = arith.constant 1 : i32
        %parallel_loop3A_605 = arith.index_cast %parallel_loop3A_604 : i32 to index
        %parallel_loop3A_606 = arith.index_cast %parallel_loop3A_581 : i32 to index
        %parallel_loop3A_607 = arith.index_cast %parallel_loop3A_599 : i32 to index
        %parallel_loop3A_608 = tpu.vector_load %arg7[%parallel_loop3A_605, %parallel_loop3A_606, %parallel_loop3A_607] {strides = array<i32>} : memref<2x16x1024xf32, #tpu.memory_space<vmem>>, vector<1x1x16xf32>,
        %parallel_loop3A_609 = vector.shape_cast %parallel_loop3A_608 : vector<1x1x16xf32> to vector<16xf32>
        %parallel_loop3A_610 = vector.shape_cast %parallel_loop3A_603 : vector<16xf32> to vector<1x1x16xf32>
        tpu.vector_store %arg7[%parallel_loop3A_605, %parallel_loop3A_606, %parallel_loop3A_607], %parallel_loop3A_610 {add = true, strides = array<i32>} : memref<2x16x1024xf32, #tpu.memory_space<vmem>>, vector<1x1x16xf32>,
      } {sc.loop_unroll_factor = 8 : i64, sc.parallel_access}
      %mul3A_468 = arith.constant 2 : i32
      %mul3A_469 = arith.muli %add3A_420, %mul3A_468 : i32
      %add3A_470 = arith.addi %mul3A_11, %mul3A_469 : i32
      %add3A_471 = arith.constant 1 : i32
      %add3A_472 = arith.addi %add3A_470, %add3A_471 : i32
      %dma_start3A_473 = arith.constant 1 : i32
      %dma_start3A_474 = arith.constant 0 : i32
      %dma_start3A_475 = arith.constant 0 : i32
      %dma_start3A_476 = tpu.memref_slice %arg7[%dma_start3A_473, %dma_start3A_474, %dma_start3A_475] : memref<2x16x1024xf32, #tpu.memory_space<vmem>> -> memref<1x16x1024xf32, #tpu.memory_space<vmem>>
      %dma_start3A_477 = tpu.memref_squeeze %dma_start3A_476 : memref<1x16x1024xf32, #tpu.memory_space<vmem>> -> memref<16x1024xf32, #tpu.memory_space<vmem>>
      %dma_start3A_478 = arith.constant 0 : i32
      %dma_start3A_479 = tpu.memref_slice %arg4[%add3A_472, %mul3A_34, %dma_start3A_478] : memref<256x128x1024xf32, #tpu.memory_space<hbm>> -> memref<1x16x1024xf32, #tpu.memory_space<hbm>>
      %dma_start3A_480 = tpu.memref_squeeze %dma_start3A_479 : memref<1x16x1024xf32, #tpu.memory_space<hbm>> -> memref<16x1024xf32, #tpu.memory_space<hbm>>
      %dma_start3A_481 = arith.constant 0 : i32
      %dma_start3A_482 = tpu.memref_slice %arg4[%add3A_472, %mul3A_34, %dma_start3A_481] : memref<256x128x1024xf32, #tpu.memory_space<hbm>> -> memref<1x16x1024xf32, #tpu.memory_space<hbm>>
      %dma_start3A_483 = tpu.memref_squeeze %dma_start3A_482 : memref<1x16x1024xf32, #tpu.memory_space<hbm>> -> memref<16x1024xf32, #tpu.memory_space<hbm>>
      %dma_start3A_484 = arith.constant 0 : i32
      %dma_start3A_485 = arith.constant 0 : i32
      %dma_start3A_486 = tpu.memref_slice %arg7[%dma_start3A_473, %dma_start3A_484, %dma_start3A_485] : memref<2x16x1024xf32, #tpu.memory_space<vmem>> -> memref<1x16x1024xf32, #tpu.memory_space<vmem>>
      %dma_start3A_487 = tpu.memref_squeeze %dma_start3A_486 : memref<1x16x1024xf32, #tpu.memory_space<vmem>> -> memref<16x1024xf32, #tpu.memory_space<vmem>>
      tpu.enqueue_dma source(%dma_start3A_487 : memref<16x1024xf32, #tpu.memory_space<vmem>>) target(%dma_start3A_483 : memref<16x1024xf32, #tpu.memory_space<hbm>>) target_semaphore(%arg13 : memref<!tpu.dma_semaphore, #tpu.memory_space<semaphore_mem>>)
      %add3A_488 = arith.constant 2 : i32
      %add3A_489 = arith.addi %mul3A_349, %add3A_488 : i32
      %add3A_490 = arith.constant 0 : i32
      %add3A_491 = arith.addi %mul3A_11, %add3A_490 : i32
      %dma_wait3A_492 = arith.constant 0 : i32
      %dma_wait3A_493 = tpu.memref_slice %arg4[%add3A_491, %mul3A_34, %dma_wait3A_492] : memref<256x128x1024xf32, #tpu.memory_space<hbm>> -> memref<2x16x1024xf32, #tpu.memory_space<hbm>>
      %dma_wait3A_494 = arith.constant 0 : i32
      %dma_wait3A_495 = tpu.memref_slice %arg4[%add3A_491, %mul3A_34, %dma_wait3A_494] : memref<256x128x1024xf32, #tpu.memory_space<hbm>> -> memref<2x16x1024xf32, #tpu.memory_space<hbm>>
      tpu.wait_dma2 semaphore(%arg12 : memref<!tpu.dma_semaphore, #tpu.memory_space<semaphore_mem>>) src(%arg6 : memref<2x16x1024xf32, #tpu.memory_space<vmem>>) dst(%dma_wait3A_495 : memref<2x16x1024xf32, #tpu.memory_space<hbm>>)
      %add3A_496 = arith.constant 1 : i32
      %add3A_497 = arith.addi %add3A_489, %add3A_496 : i32
      %mul3A_498 = arith.constant 2 : i32
      %mul3A_499 = arith.muli %add3A_497, %mul3A_498 : i32
      %add3A_500 = arith.addi %mul3A_11, %mul3A_499 : i32
      %dma_start3A_501 = arith.constant 0 : i32
      %dma_start3A_502 = tpu.memref_slice %arg2[%add3A_500, %mul3A_34, %dma_start3A_501] : memref<256x128x1024xf32, #tpu.memory_space<hbm>> -> memref<2x16x1024xf32, #tpu.memory_space<hbm>>
      %dma_start3A_503 = arith.constant 0 : i32
      %dma_start3A_504 = tpu.memref_slice %arg2[%add3A_500, %mul3A_34, %dma_start3A_503] : memref<256x128x1024xf32, #tpu.memory_space<hbm>> -> memref<2x16x1024xf32, #tpu.memory_space<hbm>>
      tpu.enqueue_dma source(%dma_start3A_504 : memref<2x16x1024xf32, #tpu.memory_space<hbm>>) target(%arg6 : memref<2x16x1024xf32, #tpu.memory_space<vmem>>) target_semaphore(%arg9 : memref<!tpu.dma_semaphore, #tpu.memory_space<semaphore_mem>>)
      %add3A_505 = arith.constant 0 : i32
      %add3A_506 = arith.addi %mul3A_11, %add3A_505 : i32
      %dma_wait3A_507 = arith.constant 0 : i32
      %dma_wait3A_508 = tpu.memref_slice %arg2[%add3A_506, %mul3A_34, %dma_wait3A_507] : memref<256x128x1024xf32, #tpu.memory_space<hbm>> -> memref<2x16x1024xf32, #tpu.memory_space<hbm>>
      %dma_wait3A_509 = arith.constant 0 : i32
      %dma_wait3A_510 = tpu.memref_slice %arg2[%add3A_506, %mul3A_34, %dma_wait3A_509] : memref<256x128x1024xf32, #tpu.memory_space<hbm>> -> memref<2x16x1024xf32, #tpu.memory_space<hbm>>
      tpu.wait_dma2 semaphore(%arg11 : memref<!tpu.dma_semaphore, #tpu.memory_space<semaphore_mem>>) src(%dma_wait3A_510 : memref<2x16x1024xf32, #tpu.memory_space<hbm>>) dst(%arg8 : memref<2x16x1024xf32, #tpu.memory_space<vmem>>)
      %parallel_loop3A_511 = arith.constant 0 : i32
      %parallel_loop3A_512 = arith.constant 1024 : i32
      %parallel_loop3A_513 = arith.constant 1 : i32
      scf.for %parallel_loop3A_557 = %parallel_loop3A_511 to %parallel_loop3A_512 step %parallel_loop3A_513  : i32 {
        %parallel_loop3A_558 = arith.constant 64 : i32
        %parallel_loop3A_559 = arith.divsi %parallel_loop3A_557, %parallel_loop3A_558 : i32
        %parallel_loop3A_560 = arith.constant 0 : i32
        %parallel_loop3A_561 = arith.cmpi sgt, %parallel_loop3A_557, %parallel_loop3A_560 : i32
        %parallel_loop3A_562 = arith.extui %parallel_loop3A_561 : i1 to i32
        %parallel_loop3A_563 = arith.constant 0 : i32
        %parallel_loop3A_564 = arith.cmpi slt, %parallel_loop3A_557, %parallel_loop3A_563 : i32
        %parallel_loop3A_565 = arith.extui %parallel_loop3A_564 : i1 to i32
        %parallel_loop3A_566 = arith.subi %parallel_loop3A_562, %parallel_loop3A_565 : i32
        %parallel_loop3A_567 = arith.constant 0 : i32
        %parallel_loop3A_568 = arith.cmpi sgt, %parallel_loop3A_558, %parallel_loop3A_567 : i32
        %parallel_loop3A_569 = arith.extui %parallel_loop3A_568 : i1 to i32
        %parallel_loop3A_570 = arith.constant 0 : i32
        %parallel_loop3A_571 = arith.cmpi slt, %parallel_loop3A_558, %parallel_loop3A_570 : i32
        %parallel_loop3A_572 = arith.extui %parallel_loop3A_571 : i1 to i32
        %parallel_loop3A_573 = arith.subi %parallel_loop3A_569, %parallel_loop3A_572 : i32
        %parallel_loop3A_574 = arith.cmpi ne, %parallel_loop3A_566, %parallel_loop3A_573 : i32
        %parallel_loop3A_575 = arith.remsi %parallel_loop3A_557, %parallel_loop3A_558 : i32
        %parallel_loop3A_576 = arith.constant 0 : i32
        %parallel_loop3A_577 = arith.cmpi ne, %parallel_loop3A_575, %parallel_loop3A_576 : i32
        %parallel_loop3A_578 = arith.andi %parallel_loop3A_574, %parallel_loop3A_577 : i1
        %parallel_loop3A_579 = arith.constant 1 : i32
        %parallel_loop3A_580 = arith.subi %parallel_loop3A_559, %parallel_loop3A_579 : i32
        %parallel_loop3A_581 = arith.select %parallel_loop3A_578, %parallel_loop3A_580, %parallel_loop3A_559 : i32
        %parallel_loop3A_582 = arith.constant 64 : i32
        %parallel_loop3A_583 = arith.constant 0 : i32
        %parallel_loop3A_584 = arith.cmpi eq, %parallel_loop3A_582, %parallel_loop3A_583 : i32
        %parallel_loop3A_585 = arith.constant 1 : i32
        %parallel_loop3A_586 = arith.select %parallel_loop3A_584, %parallel_loop3A_585, %parallel_loop3A_582 : i32
        %parallel_loop3A_587 = arith.remsi %parallel_loop3A_557, %parallel_loop3A_586 : i32
        %parallel_loop3A_588 = arith.constant 0 : i32
        %parallel_loop3A_589 = arith.cmpi ne, %parallel_loop3A_587, %parallel_loop3A_588 : i32
        %parallel_loop3A_590 = arith.constant 0 : i32
        %parallel_loop3A_591 = arith.cmpi slt, %parallel_loop3A_587, %parallel_loop3A_590 : i32
        %parallel_loop3A_592 = arith.constant 0 : i32
        %parallel_loop3A_593 = arith.cmpi slt, %parallel_loop3A_586, %parallel_loop3A_592 : i32
        %parallel_loop3A_594 = arith.xori %parallel_loop3A_591, %parallel_loop3A_593 : i1
        %parallel_loop3A_595 = arith.andi %parallel_loop3A_594, %parallel_loop3A_589 : i1
        %parallel_loop3A_596 = arith.addi %parallel_loop3A_587, %parallel_loop3A_586 : i32
        %parallel_loop3A_597 = arith.select %parallel_loop3A_595, %parallel_loop3A_596, %parallel_loop3A_587 : i32
        %parallel_loop3A_598 = arith.constant 16 : i32
        %parallel_loop3A_599 = arith.muli %parallel_loop3A_597, %parallel_loop3A_598 : i32
        %parallel_loop3A_600 = arith.index_cast %parallel_loop3A_581 : i32 to index
        %parallel_loop3A_601 = arith.index_cast %parallel_loop3A_599 : i32 to index
        %parallel_loop3A_602 = tpu.vector_load %arg5[%parallel_loop3A_600, %parallel_loop3A_601] {strides = array<i32>} : memref<16x1024xf32, #tpu.memory_space<vmem>>, vector<1x16xf32>,
        %parallel_loop3A_603 = vector.shape_cast %parallel_loop3A_602 : vector<1x16xf32> to vector<16xf32>
        %parallel_loop3A_604 = arith.constant 0 : i32
        %parallel_loop3A_605 = arith.index_cast %parallel_loop3A_604 : i32 to index
        %parallel_loop3A_606 = arith.index_cast %parallel_loop3A_581 : i32 to index
        %parallel_loop3A_607 = arith.index_cast %parallel_loop3A_599 : i32 to index
        %parallel_loop3A_608 = tpu.vector_load %arg8[%parallel_loop3A_605, %parallel_loop3A_606, %parallel_loop3A_607] {strides = array<i32>} : memref<2x16x1024xf32, #tpu.memory_space<vmem>>, vector<1x1x16xf32>,
        %parallel_loop3A_609 = vector.shape_cast %parallel_loop3A_608 : vector<1x1x16xf32> to vector<16xf32>
        %parallel_loop3A_610 = vector.shape_cast %parallel_loop3A_603 : vector<16xf32> to vector<1x1x16xf32>
        tpu.vector_store %arg8[%parallel_loop3A_605, %parallel_loop3A_606, %parallel_loop3A_607], %parallel_loop3A_610 {add = true, strides = array<i32>} : memref<2x16x1024xf32, #tpu.memory_space<vmem>>, vector<1x1x16xf32>,
      } {sc.loop_unroll_factor = 8 : i64, sc.parallel_access}
      %mul3A_514 = arith.constant 2 : i32
      %mul3A_515 = arith.muli %add3A_489, %mul3A_514 : i32
      %add3A_516 = arith.addi %mul3A_11, %mul3A_515 : i32
      %add3A_517 = arith.constant 0 : i32
      %add3A_518 = arith.addi %add3A_516, %add3A_517 : i32
      %dma_start3A_519 = arith.constant 0 : i32
      %dma_start3A_520 = arith.constant 0 : i32
      %dma_start3A_521 = arith.constant 0 : i32
      %dma_start3A_522 = tpu.memref_slice %arg8[%dma_start3A_519, %dma_start3A_520, %dma_start3A_521] : memref<2x16x1024xf32, #tpu.memory_space<vmem>> -> memref<1x16x1024xf32, #tpu.memory_space<vmem>>
      %dma_start3A_523 = tpu.memref_squeeze %dma_start3A_522 : memref<1x16x1024xf32, #tpu.memory_space<vmem>> -> memref<16x1024xf32, #tpu.memory_space<vmem>>
      %dma_start3A_524 = arith.constant 0 : i32
      %dma_start3A_525 = tpu.memref_slice %arg4[%add3A_518, %mul3A_34, %dma_start3A_524] : memref<256x128x1024xf32, #tpu.memory_space<hbm>> -> memref<1x16x1024xf32, #tpu.memory_space<hbm>>
      %dma_start3A_526 = tpu.memref_squeeze %dma_start3A_525 : memref<1x16x1024xf32, #tpu.memory_space<hbm>> -> memref<16x1024xf32, #tpu.memory_space<hbm>>
      %dma_start3A_527 = arith.constant 0 : i32
      %dma_start3A_528 = tpu.memref_slice %arg4[%add3A_518, %mul3A_34, %dma_start3A_527] : memref<256x128x1024xf32, #tpu.memory_space<hbm>> -> memref<1x16x1024xf32, #tpu.memory_space<hbm>>
      %dma_start3A_529 = tpu.memref_squeeze %dma_start3A_528 : memref<1x16x1024xf32, #tpu.memory_space<hbm>> -> memref<16x1024xf32, #tpu.memory_space<hbm>>
      %dma_start3A_530 = arith.constant 0 : i32
      %dma_start3A_531 = arith.constant 0 : i32
      %dma_start3A_532 = tpu.memref_slice %arg8[%dma_start3A_519, %dma_start3A_530, %dma_start3A_531] : memref<2x16x1024xf32, #tpu.memory_space<vmem>> -> memref<1x16x1024xf32, #tpu.memory_space<vmem>>
      %dma_start3A_533 = tpu.memref_squeeze %dma_start3A_532 : memref<1x16x1024xf32, #tpu.memory_space<vmem>> -> memref<16x1024xf32, #tpu.memory_space<vmem>>
      tpu.enqueue_dma source(%dma_start3A_533 : memref<16x1024xf32, #tpu.memory_space<vmem>>) target(%dma_start3A_529 : memref<16x1024xf32, #tpu.memory_space<hbm>>) target_semaphore(%arg14 : memref<!tpu.dma_semaphore, #tpu.memory_space<semaphore_mem>>)
      %parallel_loop3A_534 = arith.constant 0 : i32
      %parallel_loop3A_535 = arith.constant 1024 : i32
      %parallel_loop3A_536 = arith.constant 1 : i32
      scf.for %parallel_loop3A_557 = %parallel_loop3A_534 to %parallel_loop3A_535 step %parallel_loop3A_536  : i32 {
        %parallel_loop3A_558 = arith.constant 64 : i32
        %parallel_loop3A_559 = arith.divsi %parallel_loop3A_557, %parallel_loop3A_558 : i32
        %parallel_loop3A_560 = arith.constant 0 : i32
        %parallel_loop3A_561 = arith.cmpi sgt, %parallel_loop3A_557, %parallel_loop3A_560 : i32
        %parallel_loop3A_562 = arith.extui %parallel_loop3A_561 : i1 to i32
        %parallel_loop3A_563 = arith.constant 0 : i32
        %parallel_loop3A_564 = arith.cmpi slt, %parallel_loop3A_557, %parallel_loop3A_563 : i32
        %parallel_loop3A_565 = arith.extui %parallel_loop3A_564 : i1 to i32
        %parallel_loop3A_566 = arith.subi %parallel_loop3A_562, %parallel_loop3A_565 : i32
        %parallel_loop3A_567 = arith.constant 0 : i32
        %parallel_loop3A_568 = arith.cmpi sgt, %parallel_loop3A_558, %parallel_loop3A_567 : i32
        %parallel_loop3A_569 = arith.extui %parallel_loop3A_568 : i1 to i32
        %parallel_loop3A_570 = arith.constant 0 : i32
        %parallel_loop3A_571 = arith.cmpi slt, %parallel_loop3A_558, %parallel_loop3A_570 : i32
        %parallel_loop3A_572 = arith.extui %parallel_loop3A_571 : i1 to i32
        %parallel_loop3A_573 = arith.subi %parallel_loop3A_569, %parallel_loop3A_572 : i32
        %parallel_loop3A_574 = arith.cmpi ne, %parallel_loop3A_566, %parallel_loop3A_573 : i32
        %parallel_loop3A_575 = arith.remsi %parallel_loop3A_557, %parallel_loop3A_558 : i32
        %parallel_loop3A_576 = arith.constant 0 : i32
        %parallel_loop3A_577 = arith.cmpi ne, %parallel_loop3A_575, %parallel_loop3A_576 : i32
        %parallel_loop3A_578 = arith.andi %parallel_loop3A_574, %parallel_loop3A_577 : i1
        %parallel_loop3A_579 = arith.constant 1 : i32
        %parallel_loop3A_580 = arith.subi %parallel_loop3A_559, %parallel_loop3A_579 : i32
        %parallel_loop3A_581 = arith.select %parallel_loop3A_578, %parallel_loop3A_580, %parallel_loop3A_559 : i32
        %parallel_loop3A_582 = arith.constant 64 : i32
        %parallel_loop3A_583 = arith.constant 0 : i32
        %parallel_loop3A_584 = arith.cmpi eq, %parallel_loop3A_582, %parallel_loop3A_583 : i32
        %parallel_loop3A_585 = arith.constant 1 : i32
        %parallel_loop3A_586 = arith.select %parallel_loop3A_584, %parallel_loop3A_585, %parallel_loop3A_582 : i32
        %parallel_loop3A_587 = arith.remsi %parallel_loop3A_557, %parallel_loop3A_586 : i32
        %parallel_loop3A_588 = arith.constant 0 : i32
        %parallel_loop3A_589 = arith.cmpi ne, %parallel_loop3A_587, %parallel_loop3A_588 : i32
        %parallel_loop3A_590 = arith.constant 0 : i32
        %parallel_loop3A_591 = arith.cmpi slt, %parallel_loop3A_587, %parallel_loop3A_590 : i32
        %parallel_loop3A_592 = arith.constant 0 : i32
        %parallel_loop3A_593 = arith.cmpi slt, %parallel_loop3A_586, %parallel_loop3A_592 : i32
        %parallel_loop3A_594 = arith.xori %parallel_loop3A_591, %parallel_loop3A_593 : i1
        %parallel_loop3A_595 = arith.andi %parallel_loop3A_594, %parallel_loop3A_589 : i1
        %parallel_loop3A_596 = arith.addi %parallel_loop3A_587, %parallel_loop3A_586 : i32
        %parallel_loop3A_597 = arith.select %parallel_loop3A_595, %parallel_loop3A_596, %parallel_loop3A_587 : i32
        %parallel_loop3A_598 = arith.constant 16 : i32
        %parallel_loop3A_599 = arith.muli %parallel_loop3A_597, %parallel_loop3A_598 : i32
        %parallel_loop3A_600 = arith.index_cast %parallel_loop3A_581 : i32 to index
        %parallel_loop3A_601 = arith.index_cast %parallel_loop3A_599 : i32 to index
        %parallel_loop3A_602 = tpu.vector_load %arg5[%parallel_loop3A_600, %parallel_loop3A_601] {strides = array<i32>} : memref<16x1024xf32, #tpu.memory_space<vmem>>, vector<1x16xf32>,
        %parallel_loop3A_603 = vector.shape_cast %parallel_loop3A_602 : vector<1x16xf32> to vector<16xf32>
        %parallel_loop3A_604 = arith.constant 1 : i32
        %parallel_loop3A_605 = arith.index_cast %parallel_loop3A_604 : i32 to index
        %parallel_loop3A_606 = arith.index_cast %parallel_loop3A_581 : i32 to index
        %parallel_loop3A_607 = arith.index_cast %parallel_loop3A_599 : i32 to index
        %parallel_loop3A_608 = tpu.vector_load %arg8[%parallel_loop3A_605, %parallel_loop3A_606, %parallel_loop3A_607] {strides = array<i32>} : memref<2x16x1024xf32, #tpu.memory_space<vmem>>, vector<1x1x16xf32>,
        %parallel_loop3A_609 = vector.shape_cast %parallel_loop3A_608 : vector<1x1x16xf32> to vector<16xf32>
        %parallel_loop3A_610 = vector.shape_cast %parallel_loop3A_603 : vector<16xf32> to vector<1x1x16xf32>
        tpu.vector_store %arg8[%parallel_loop3A_605, %parallel_loop3A_606, %parallel_loop3A_607], %parallel_loop3A_610 {add = true, strides = array<i32>} : memref<2x16x1024xf32, #tpu.memory_space<vmem>>, vector<1x1x16xf32>,
      } {sc.loop_unroll_factor = 8 : i64, sc.parallel_access}
      %mul3A_537 = arith.constant 2 : i32
      %mul3A_538 = arith.muli %add3A_489, %mul3A_537 : i32
      %add3A_539 = arith.addi %mul3A_11, %mul3A_538 : i32
      %add3A_540 = arith.constant 1 : i32
      %add3A_541 = arith.addi %add3A_539, %add3A_540 : i32
      %dma_start3A_542 = arith.constant 1 : i32
      %dma_start3A_543 = arith.constant 0 : i32
      %dma_start3A_544 = arith.constant 0 : i32
      %dma_start3A_545 = tpu.memref_slice %arg8[%dma_start3A_542, %dma_start3A_543, %dma_start3A_544] : memref<2x16x1024xf32, #tpu.memory_space<vmem>> -> memref<1x16x1024xf32, #tpu.memory_space<vmem>>
      %dma_start3A_546 = tpu.memref_squeeze %dma_start3A_545 : memref<1x16x1024xf32, #tpu.memory_space<vmem>> -> memref<16x1024xf32, #tpu.memory_space<vmem>>
      %dma_start3A_547 = arith.constant 0 : i32
      %dma_start3A_548 = tpu.memref_slice %arg4[%add3A_541, %mul3A_34, %dma_start3A_547] : memref<256x128x1024xf32, #tpu.memory_space<hbm>> -> memref<1x16x1024xf32, #tpu.memory_space<hbm>>
      %dma_start3A_549 = tpu.memref_squeeze %dma_start3A_548 : memref<1x16x1024xf32, #tpu.memory_space<hbm>> -> memref<16x1024xf32, #tpu.memory_space<hbm>>
      %dma_start3A_550 = arith.constant 0 : i32
      %dma_start3A_551 = tpu.memref_slice %arg4[%add3A_541, %mul3A_34, %dma_start3A_550] : memref<256x128x1024xf32, #tpu.memory_space<hbm>> -> memref<1x16x1024xf32, #tpu.memory_space<hbm>>
      %dma_start3A_552 = tpu.memref_squeeze %dma_start3A_551 : memref<1x16x1024xf32, #tpu.memory_space<hbm>> -> memref<16x1024xf32, #tpu.memory_space<hbm>>
      %dma_start3A_553 = arith.constant 0 : i32
      %dma_start3A_554 = arith.constant 0 : i32
      %dma_start3A_555 = tpu.memref_slice %arg8[%dma_start3A_542, %dma_start3A_553, %dma_start3A_554] : memref<2x16x1024xf32, #tpu.memory_space<vmem>> -> memref<1x16x1024xf32, #tpu.memory_space<vmem>>
      %dma_start3A_556 = tpu.memref_squeeze %dma_start3A_555 : memref<1x16x1024xf32, #tpu.memory_space<vmem>> -> memref<16x1024xf32, #tpu.memory_space<vmem>>
      tpu.enqueue_dma source(%dma_start3A_556 : memref<16x1024xf32, #tpu.memory_space<vmem>>) target(%dma_start3A_552 : memref<16x1024xf32, #tpu.memory_space<hbm>>) target_semaphore(%arg14 : memref<!tpu.dma_semaphore, #tpu.memory_space<semaphore_mem>>)
    }
    %scan3A_216 = arith.constant 9 : i32
    %add3A_217 = arith.constant 0 : i32
    %add3A_218 = arith.addi %mul3A_11, %add3A_217 : i32
    %dma_wait3A_219 = arith.constant 0 : i32
    %dma_wait3A_220 = tpu.memref_slice %arg4[%add3A_218, %mul3A_34, %dma_wait3A_219] : memref<256x128x1024xf32, #tpu.memory_space<hbm>> -> memref<2x16x1024xf32, #tpu.memory_space<hbm>>
    %dma_wait3A_221 = arith.constant 0 : i32
    %dma_wait3A_222 = tpu.memref_slice %arg4[%add3A_218, %mul3A_34, %dma_wait3A_221] : memref<256x128x1024xf32, #tpu.memory_space<hbm>> -> memref<2x16x1024xf32, #tpu.memory_space<hbm>>
    tpu.wait_dma2 semaphore(%arg13 : memref<!tpu.dma_semaphore, #tpu.memory_space<semaphore_mem>>) src(%arg7 : memref<2x16x1024xf32, #tpu.memory_space<vmem>>) dst(%dma_wait3A_222 : memref<2x16x1024xf32, #tpu.memory_space<hbm>>)
    %add3A_223 = arith.constant 62 : i32
    %add3A_224 = arith.addi %mul3A_11, %add3A_223 : i32
    %dma_start3A_225 = arith.constant 0 : i32
    %dma_start3A_226 = tpu.memref_slice %arg2[%add3A_224, %mul3A_34, %dma_start3A_225] : memref<256x128x1024xf32, #tpu.memory_space<hbm>> -> memref<2x16x1024xf32, #tpu.memory_space<hbm>>
    %dma_start3A_227 = arith.constant 0 : i32
    %dma_start3A_228 = tpu.memref_slice %arg2[%add3A_224, %mul3A_34, %dma_start3A_227] : memref<256x128x1024xf32, #tpu.memory_space<hbm>> -> memref<2x16x1024xf32, #tpu.memory_space<hbm>>
    tpu.enqueue_dma source(%dma_start3A_228 : memref<2x16x1024xf32, #tpu.memory_space<hbm>>) target(%arg7 : memref<2x16x1024xf32, #tpu.memory_space<vmem>>) target_semaphore(%arg10 : memref<!tpu.dma_semaphore, #tpu.memory_space<semaphore_mem>>)
    %add3A_229 = arith.constant 0 : i32
    %add3A_230 = arith.addi %mul3A_11, %add3A_229 : i32
    %dma_wait3A_231 = arith.constant 0 : i32
    %dma_wait3A_232 = tpu.memref_slice %arg2[%add3A_230, %mul3A_34, %dma_wait3A_231] : memref<256x128x1024xf32, #tpu.memory_space<hbm>> -> memref<2x16x1024xf32, #tpu.memory_space<hbm>>
    %dma_wait3A_233 = arith.constant 0 : i32
    %dma_wait3A_234 = tpu.memref_slice %arg2[%add3A_230, %mul3A_34, %dma_wait3A_233] : memref<256x128x1024xf32, #tpu.memory_space<hbm>> -> memref<2x16x1024xf32, #tpu.memory_space<hbm>>
    tpu.wait_dma2 semaphore(%arg9 : memref<!tpu.dma_semaphore, #tpu.memory_space<semaphore_mem>>) src(%dma_wait3A_234 : memref<2x16x1024xf32, #tpu.memory_space<hbm>>) dst(%arg6 : memref<2x16x1024xf32, #tpu.memory_space<vmem>>)
    %parallel_loop3A_235 = arith.constant 0 : i32
    %parallel_loop3A_236 = arith.constant 1024 : i32
    %parallel_loop3A_237 = arith.constant 1 : i32
    scf.for %parallel_loop3A_347 = %parallel_loop3A_235 to %parallel_loop3A_236 step %parallel_loop3A_237  : i32 {
      %parallel_loop3A_348 = arith.constant 64 : i32
      %parallel_loop3A_349 = arith.divsi %parallel_loop3A_347, %parallel_loop3A_348 : i32
      %parallel_loop3A_350 = arith.constant 0 : i32
      %parallel_loop3A_351 = arith.cmpi sgt, %parallel_loop3A_347, %parallel_loop3A_350 : i32
      %parallel_loop3A_352 = arith.extui %parallel_loop3A_351 : i1 to i32
      %parallel_loop3A_353 = arith.constant 0 : i32
      %parallel_loop3A_354 = arith.cmpi slt, %parallel_loop3A_347, %parallel_loop3A_353 : i32
      %parallel_loop3A_355 = arith.extui %parallel_loop3A_354 : i1 to i32
      %parallel_loop3A_356 = arith.subi %parallel_loop3A_352, %parallel_loop3A_355 : i32
      %parallel_loop3A_357 = arith.constant 0 : i32
      %parallel_loop3A_358 = arith.cmpi sgt, %parallel_loop3A_348, %parallel_loop3A_357 : i32
      %parallel_loop3A_359 = arith.extui %parallel_loop3A_358 : i1 to i32
      %parallel_loop3A_360 = arith.constant 0 : i32
      %parallel_loop3A_361 = arith.cmpi slt, %parallel_loop3A_348, %parallel_loop3A_360 : i32
      %parallel_loop3A_362 = arith.extui %parallel_loop3A_361 : i1 to i32
      %parallel_loop3A_363 = arith.subi %parallel_loop3A_359, %parallel_loop3A_362 : i32
      %parallel_loop3A_364 = arith.cmpi ne, %parallel_loop3A_356, %parallel_loop3A_363 : i32
      %parallel_loop3A_365 = arith.remsi %parallel_loop3A_347, %parallel_loop3A_348 : i32
      %parallel_loop3A_366 = arith.constant 0 : i32
      %parallel_loop3A_367 = arith.cmpi ne, %parallel_loop3A_365, %parallel_loop3A_366 : i32
      %parallel_loop3A_368 = arith.andi %parallel_loop3A_364, %parallel_loop3A_367 : i1
      %parallel_loop3A_369 = arith.constant 1 : i32
      %parallel_loop3A_370 = arith.subi %parallel_loop3A_349, %parallel_loop3A_369 : i32
      %parallel_loop3A_371 = arith.select %parallel_loop3A_368, %parallel_loop3A_370, %parallel_loop3A_349 : i32
      %parallel_loop3A_372 = arith.constant 64 : i32
      %parallel_loop3A_373 = arith.constant 0 : i32
      %parallel_loop3A_374 = arith.cmpi eq, %parallel_loop3A_372, %parallel_loop3A_373 : i32
      %parallel_loop3A_375 = arith.constant 1 : i32
      %parallel_loop3A_376 = arith.select %parallel_loop3A_374, %parallel_loop3A_375, %parallel_loop3A_372 : i32
      %parallel_loop3A_377 = arith.remsi %parallel_loop3A_347, %parallel_loop3A_376 : i32
      %parallel_loop3A_378 = arith.constant 0 : i32
      %parallel_loop3A_379 = arith.cmpi ne, %parallel_loop3A_377, %parallel_loop3A_378 : i32
      %parallel_loop3A_380 = arith.constant 0 : i32
      %parallel_loop3A_381 = arith.cmpi slt, %parallel_loop3A_377, %parallel_loop3A_380 : i32
      %parallel_loop3A_382 = arith.constant 0 : i32
      %parallel_loop3A_383 = arith.cmpi slt, %parallel_loop3A_376, %parallel_loop3A_382 : i32
      %parallel_loop3A_384 = arith.xori %parallel_loop3A_381, %parallel_loop3A_383 : i1
      %parallel_loop3A_385 = arith.andi %parallel_loop3A_384, %parallel_loop3A_379 : i1
      %parallel_loop3A_386 = arith.addi %parallel_loop3A_377, %parallel_loop3A_376 : i32
      %parallel_loop3A_387 = arith.select %parallel_loop3A_385, %parallel_loop3A_386, %parallel_loop3A_377 : i32
      %parallel_loop3A_388 = arith.constant 16 : i32
      %parallel_loop3A_389 = arith.muli %parallel_loop3A_387, %parallel_loop3A_388 : i32
      %parallel_loop3A_390 = arith.index_cast %parallel_loop3A_371 : i32 to index
      %parallel_loop3A_391 = arith.index_cast %parallel_loop3A_389 : i32 to index
      %parallel_loop3A_392 = tpu.vector_load %arg5[%parallel_loop3A_390, %parallel_loop3A_391] {strides = array<i32>} : memref<16x1024xf32, #tpu.memory_space<vmem>>, vector<1x16xf32>,
      %parallel_loop3A_393 = vector.shape_cast %parallel_loop3A_392 : vector<1x16xf32> to vector<16xf32>
      %parallel_loop3A_394 = arith.constant 0 : i32
      %parallel_loop3A_395 = arith.index_cast %parallel_loop3A_394 : i32 to index
      %parallel_loop3A_396 = arith.index_cast %parallel_loop3A_371 : i32 to index
      %parallel_loop3A_397 = arith.index_cast %parallel_loop3A_389 : i32 to index
      %parallel_loop3A_398 = tpu.vector_load %arg6[%parallel_loop3A_395, %parallel_loop3A_396, %parallel_loop3A_397] {strides = array<i32>} : memref<2x16x1024xf32, #tpu.memory_space<vmem>>, vector<1x1x16xf32>,
      %parallel_loop3A_399 = vector.shape_cast %parallel_loop3A_398 : vector<1x1x16xf32> to vector<16xf32>
      %parallel_loop3A_400 = vector.shape_cast %parallel_loop3A_393 : vector<16xf32> to vector<1x1x16xf32>
      tpu.vector_store %arg6[%parallel_loop3A_395, %parallel_loop3A_396, %parallel_loop3A_397], %parallel_loop3A_400 {add = true, strides = array<i32>} : memref<2x16x1024xf32, #tpu.memory_space<vmem>>, vector<1x1x16xf32>,
    } {sc.loop_unroll_factor = 8 : i64, sc.parallel_access}
    %add3A_238 = arith.constant 60 : i32
    %add3A_239 = arith.addi %mul3A_11, %add3A_238 : i32
    %add3A_240 = arith.constant 0 : i32
    %add3A_241 = arith.addi %add3A_239, %add3A_240 : i32
    %dma_start3A_242 = arith.constant 0 : i32
    %dma_start3A_243 = arith.constant 0 : i32
    %dma_start3A_244 = arith.constant 0 : i32
    %dma_start3A_245 = tpu.memref_slice %arg6[%dma_start3A_242, %dma_start3A_243, %dma_start3A_244] : memref<2x16x1024xf32, #tpu.memory_space<vmem>> -> memref<1x16x1024xf32, #tpu.memory_space<vmem>>
    %dma_start3A_246 = tpu.memref_squeeze %dma_start3A_245 : memref<1x16x1024xf32, #tpu.memory_space<vmem>> -> memref<16x1024xf32, #tpu.memory_space<vmem>>
    %dma_start3A_247 = arith.constant 0 : i32
    %dma_start3A_248 = tpu.memref_slice %arg4[%add3A_241, %mul3A_34, %dma_start3A_247] : memref<256x128x1024xf32, #tpu.memory_space<hbm>> -> memref<1x16x1024xf32, #tpu.memory_space<hbm>>
    %dma_start3A_249 = tpu.memref_squeeze %dma_start3A_248 : memref<1x16x1024xf32, #tpu.memory_space<hbm>> -> memref<16x1024xf32, #tpu.memory_space<hbm>>
    %dma_start3A_250 = arith.constant 0 : i32
    %dma_start3A_251 = tpu.memref_slice %arg4[%add3A_241, %mul3A_34, %dma_start3A_250] : memref<256x128x1024xf32, #tpu.memory_space<hbm>> -> memref<1x16x1024xf32, #tpu.memory_space<hbm>>
    %dma_start3A_252 = tpu.memref_squeeze %dma_start3A_251 : memref<1x16x1024xf32, #tpu.memory_space<hbm>> -> memref<16x1024xf32, #tpu.memory_space<hbm>>
    %dma_start3A_253 = arith.constant 0 : i32
    %dma_start3A_254 = arith.constant 0 : i32
    %dma_start3A_255 = tpu.memref_slice %arg6[%dma_start3A_242, %dma_start3A_253, %dma_start3A_254] : memref<2x16x1024xf32, #tpu.memory_space<vmem>> -> memref<1x16x1024xf32, #tpu.memory_space<vmem>>
    %dma_start3A_256 = tpu.memref_squeeze %dma_start3A_255 : memref<1x16x1024xf32, #tpu.memory_space<vmem>> -> memref<16x1024xf32, #tpu.memory_space<vmem>>
    tpu.enqueue_dma source(%dma_start3A_256 : memref<16x1024xf32, #tpu.memory_space<vmem>>) target(%dma_start3A_252 : memref<16x1024xf32, #tpu.memory_space<hbm>>) target_semaphore(%arg12 : memref<!tpu.dma_semaphore, #tpu.memory_space<semaphore_mem>>)
    %parallel_loop3A_257 = arith.constant 0 : i32
    %parallel_loop3A_258 = arith.constant 1024 : i32
    %parallel_loop3A_259 = arith.constant 1 : i32
    scf.for %parallel_loop3A_347 = %parallel_loop3A_257 to %parallel_loop3A_258 step %parallel_loop3A_259  : i32 {
      %parallel_loop3A_348 = arith.constant 64 : i32
      %parallel_loop3A_349 = arith.divsi %parallel_loop3A_347, %parallel_loop3A_348 : i32
      %parallel_loop3A_350 = arith.constant 0 : i32
      %parallel_loop3A_351 = arith.cmpi sgt, %parallel_loop3A_347, %parallel_loop3A_350 : i32
      %parallel_loop3A_352 = arith.extui %parallel_loop3A_351 : i1 to i32
      %parallel_loop3A_353 = arith.constant 0 : i32
      %parallel_loop3A_354 = arith.cmpi slt, %parallel_loop3A_347, %parallel_loop3A_353 : i32
      %parallel_loop3A_355 = arith.extui %parallel_loop3A_354 : i1 to i32
      %parallel_loop3A_356 = arith.subi %parallel_loop3A_352, %parallel_loop3A_355 : i32
      %parallel_loop3A_357 = arith.constant 0 : i32
      %parallel_loop3A_358 = arith.cmpi sgt, %parallel_loop3A_348, %parallel_loop3A_357 : i32
      %parallel_loop3A_359 = arith.extui %parallel_loop3A_358 : i1 to i32
      %parallel_loop3A_360 = arith.constant 0 : i32
      %parallel_loop3A_361 = arith.cmpi slt, %parallel_loop3A_348, %parallel_loop3A_360 : i32
      %parallel_loop3A_362 = arith.extui %parallel_loop3A_361 : i1 to i32
      %parallel_loop3A_363 = arith.subi %parallel_loop3A_359, %parallel_loop3A_362 : i32
      %parallel_loop3A_364 = arith.cmpi ne, %parallel_loop3A_356, %parallel_loop3A_363 : i32
      %parallel_loop3A_365 = arith.remsi %parallel_loop3A_347, %parallel_loop3A_348 : i32
      %parallel_loop3A_366 = arith.constant 0 : i32
      %parallel_loop3A_367 = arith.cmpi ne, %parallel_loop3A_365, %parallel_loop3A_366 : i32
      %parallel_loop3A_368 = arith.andi %parallel_loop3A_364, %parallel_loop3A_367 : i1
      %parallel_loop3A_369 = arith.constant 1 : i32
      %parallel_loop3A_370 = arith.subi %parallel_loop3A_349, %parallel_loop3A_369 : i32
      %parallel_loop3A_371 = arith.select %parallel_loop3A_368, %parallel_loop3A_370, %parallel_loop3A_349 : i32
      %parallel_loop3A_372 = arith.constant 64 : i32
      %parallel_loop3A_373 = arith.constant 0 : i32
      %parallel_loop3A_374 = arith.cmpi eq, %parallel_loop3A_372, %parallel_loop3A_373 : i32
      %parallel_loop3A_375 = arith.constant 1 : i32
      %parallel_loop3A_376 = arith.select %parallel_loop3A_374, %parallel_loop3A_375, %parallel_loop3A_372 : i32
      %parallel_loop3A_377 = arith.remsi %parallel_loop3A_347, %parallel_loop3A_376 : i32
      %parallel_loop3A_378 = arith.constant 0 : i32
      %parallel_loop3A_379 = arith.cmpi ne, %parallel_loop3A_377, %parallel_loop3A_378 : i32
      %parallel_loop3A_380 = arith.constant 0 : i32
      %parallel_loop3A_381 = arith.cmpi slt, %parallel_loop3A_377, %parallel_loop3A_380 : i32
      %parallel_loop3A_382 = arith.constant 0 : i32
      %parallel_loop3A_383 = arith.cmpi slt, %parallel_loop3A_376, %parallel_loop3A_382 : i32
      %parallel_loop3A_384 = arith.xori %parallel_loop3A_381, %parallel_loop3A_383 : i1
      %parallel_loop3A_385 = arith.andi %parallel_loop3A_384, %parallel_loop3A_379 : i1
      %parallel_loop3A_386 = arith.addi %parallel_loop3A_377, %parallel_loop3A_376 : i32
      %parallel_loop3A_387 = arith.select %parallel_loop3A_385, %parallel_loop3A_386, %parallel_loop3A_377 : i32
      %parallel_loop3A_388 = arith.constant 16 : i32
      %parallel_loop3A_389 = arith.muli %parallel_loop3A_387, %parallel_loop3A_388 : i32
      %parallel_loop3A_390 = arith.index_cast %parallel_loop3A_371 : i32 to index
      %parallel_loop3A_391 = arith.index_cast %parallel_loop3A_389 : i32 to index
      %parallel_loop3A_392 = tpu.vector_load %arg5[%parallel_loop3A_390, %parallel_loop3A_391] {strides = array<i32>} : memref<16x1024xf32, #tpu.memory_space<vmem>>, vector<1x16xf32>,
      %parallel_loop3A_393 = vector.shape_cast %parallel_loop3A_392 : vector<1x16xf32> to vector<16xf32>
      %parallel_loop3A_394 = arith.constant 1 : i32
      %parallel_loop3A_395 = arith.index_cast %parallel_loop3A_394 : i32 to index
      %parallel_loop3A_396 = arith.index_cast %parallel_loop3A_371 : i32 to index
      %parallel_loop3A_397 = arith.index_cast %parallel_loop3A_389 : i32 to index
      %parallel_loop3A_398 = tpu.vector_load %arg6[%parallel_loop3A_395, %parallel_loop3A_396, %parallel_loop3A_397] {strides = array<i32>} : memref<2x16x1024xf32, #tpu.memory_space<vmem>>, vector<1x1x16xf32>,
      %parallel_loop3A_399 = vector.shape_cast %parallel_loop3A_398 : vector<1x1x16xf32> to vector<16xf32>
      %parallel_loop3A_400 = vector.shape_cast %parallel_loop3A_393 : vector<16xf32> to vector<1x1x16xf32>
      tpu.vector_store %arg6[%parallel_loop3A_395, %parallel_loop3A_396, %parallel_loop3A_397], %parallel_loop3A_400 {add = true, strides = array<i32>} : memref<2x16x1024xf32, #tpu.memory_space<vmem>>, vector<1x1x16xf32>,
    } {sc.loop_unroll_factor = 8 : i64, sc.parallel_access}
    %add3A_260 = arith.constant 60 : i32
    %add3A_261 = arith.addi %mul3A_11, %add3A_260 : i32
    %add3A_262 = arith.constant 1 : i32
    %add3A_263 = arith.addi %add3A_261, %add3A_262 : i32
    %dma_start3A_264 = arith.constant 1 : i32
    %dma_start3A_265 = arith.constant 0 : i32
    %dma_start3A_266 = arith.constant 0 : i32
    %dma_start3A_267 = tpu.memref_slice %arg6[%dma_start3A_264, %dma_start3A_265, %dma_start3A_266] : memref<2x16x1024xf32, #tpu.memory_space<vmem>> -> memref<1x16x1024xf32, #tpu.memory_space<vmem>>
    %dma_start3A_268 = tpu.memref_squeeze %dma_start3A_267 : memref<1x16x1024xf32, #tpu.memory_space<vmem>> -> memref<16x1024xf32, #tpu.memory_space<vmem>>
    %dma_start3A_269 = arith.constant 0 : i32
    %dma_start3A_270 = tpu.memref_slice %arg4[%add3A_263, %mul3A_34, %dma_start3A_269] : memref<256x128x1024xf32, #tpu.memory_space<hbm>> -> memref<1x16x1024xf32, #tpu.memory_space<hbm>>
    %dma_start3A_271 = tpu.memref_squeeze %dma_start3A_270 : memref<1x16x1024xf32, #tpu.memory_space<hbm>> -> memref<16x1024xf32, #tpu.memory_space<hbm>>
    %dma_start3A_272 = arith.constant 0 : i32
    %dma_start3A_273 = tpu.memref_slice %arg4[%add3A_263, %mul3A_34, %dma_start3A_272] : memref<256x128x1024xf32, #tpu.memory_space<hbm>> -> memref<1x16x1024xf32, #tpu.memory_space<hbm>>
    %dma_start3A_274 = tpu.memref_squeeze %dma_start3A_273 : memref<1x16x1024xf32, #tpu.memory_space<hbm>> -> memref<16x1024xf32, #tpu.memory_space<hbm>>
    %dma_start3A_275 = arith.constant 0 : i32
    %dma_start3A_276 = arith.constant 0 : i32
    %dma_start3A_277 = tpu.memref_slice %arg6[%dma_start3A_264, %dma_start3A_275, %dma_start3A_276] : memref<2x16x1024xf32, #tpu.memory_space<vmem>> -> memref<1x16x1024xf32, #tpu.memory_space<vmem>>
    %dma_start3A_278 = tpu.memref_squeeze %dma_start3A_277 : memref<1x16x1024xf32, #tpu.memory_space<vmem>> -> memref<16x1024xf32, #tpu.memory_space<vmem>>
    tpu.enqueue_dma source(%dma_start3A_278 : memref<16x1024xf32, #tpu.memory_space<vmem>>) target(%dma_start3A_274 : memref<16x1024xf32, #tpu.memory_space<hbm>>) target_semaphore(%arg12 : memref<!tpu.dma_semaphore, #tpu.memory_space<semaphore_mem>>)
    %add3A_279 = arith.constant 0 : i32
    %add3A_280 = arith.addi %mul3A_11, %add3A_279 : i32
    %dma_wait3A_281 = arith.constant 0 : i32
    %dma_wait3A_282 = tpu.memref_slice %arg2[%add3A_280, %mul3A_34, %dma_wait3A_281] : memref<256x128x1024xf32, #tpu.memory_space<hbm>> -> memref<2x16x1024xf32, #tpu.memory_space<hbm>>
    %dma_wait3A_283 = arith.constant 0 : i32
    %dma_wait3A_284 = tpu.memref_slice %arg2[%add3A_280, %mul3A_34, %dma_wait3A_283] : memref<256x128x1024xf32, #tpu.memory_space<hbm>> -> memref<2x16x1024xf32, #tpu.memory_space<hbm>>
    tpu.wait_dma2 semaphore(%arg10 : memref<!tpu.dma_semaphore, #tpu.memory_space<semaphore_mem>>) src(%dma_wait3A_284 : memref<2x16x1024xf32, #tpu.memory_space<hbm>>) dst(%arg7 : memref<2x16x1024xf32, #tpu.memory_space<vmem>>)
    %parallel_loop3A_285 = arith.constant 0 : i32
    %parallel_loop3A_286 = arith.constant 1024 : i32
    %parallel_loop3A_287 = arith.constant 1 : i32
    scf.for %parallel_loop3A_347 = %parallel_loop3A_285 to %parallel_loop3A_286 step %parallel_loop3A_287  : i32 {
      %parallel_loop3A_348 = arith.constant 64 : i32
      %parallel_loop3A_349 = arith.divsi %parallel_loop3A_347, %parallel_loop3A_348 : i32
      %parallel_loop3A_350 = arith.constant 0 : i32
      %parallel_loop3A_351 = arith.cmpi sgt, %parallel_loop3A_347, %parallel_loop3A_350 : i32
      %parallel_loop3A_352 = arith.extui %parallel_loop3A_351 : i1 to i32
      %parallel_loop3A_353 = arith.constant 0 : i32
      %parallel_loop3A_354 = arith.cmpi slt, %parallel_loop3A_347, %parallel_loop3A_353 : i32
      %parallel_loop3A_355 = arith.extui %parallel_loop3A_354 : i1 to i32
      %parallel_loop3A_356 = arith.subi %parallel_loop3A_352, %parallel_loop3A_355 : i32
      %parallel_loop3A_357 = arith.constant 0 : i32
      %parallel_loop3A_358 = arith.cmpi sgt, %parallel_loop3A_348, %parallel_loop3A_357 : i32
      %parallel_loop3A_359 = arith.extui %parallel_loop3A_358 : i1 to i32
      %parallel_loop3A_360 = arith.constant 0 : i32
      %parallel_loop3A_361 = arith.cmpi slt, %parallel_loop3A_348, %parallel_loop3A_360 : i32
      %parallel_loop3A_362 = arith.extui %parallel_loop3A_361 : i1 to i32
      %parallel_loop3A_363 = arith.subi %parallel_loop3A_359, %parallel_loop3A_362 : i32
      %parallel_loop3A_364 = arith.cmpi ne, %parallel_loop3A_356, %parallel_loop3A_363 : i32
      %parallel_loop3A_365 = arith.remsi %parallel_loop3A_347, %parallel_loop3A_348 : i32
      %parallel_loop3A_366 = arith.constant 0 : i32
      %parallel_loop3A_367 = arith.cmpi ne, %parallel_loop3A_365, %parallel_loop3A_366 : i32
      %parallel_loop3A_368 = arith.andi %parallel_loop3A_364, %parallel_loop3A_367 : i1
      %parallel_loop3A_369 = arith.constant 1 : i32
      %parallel_loop3A_370 = arith.subi %parallel_loop3A_349, %parallel_loop3A_369 : i32
      %parallel_loop3A_371 = arith.select %parallel_loop3A_368, %parallel_loop3A_370, %parallel_loop3A_349 : i32
      %parallel_loop3A_372 = arith.constant 64 : i32
      %parallel_loop3A_373 = arith.constant 0 : i32
      %parallel_loop3A_374 = arith.cmpi eq, %parallel_loop3A_372, %parallel_loop3A_373 : i32
      %parallel_loop3A_375 = arith.constant 1 : i32
      %parallel_loop3A_376 = arith.select %parallel_loop3A_374, %parallel_loop3A_375, %parallel_loop3A_372 : i32
      %parallel_loop3A_377 = arith.remsi %parallel_loop3A_347, %parallel_loop3A_376 : i32
      %parallel_loop3A_378 = arith.constant 0 : i32
      %parallel_loop3A_379 = arith.cmpi ne, %parallel_loop3A_377, %parallel_loop3A_378 : i32
      %parallel_loop3A_380 = arith.constant 0 : i32
      %parallel_loop3A_381 = arith.cmpi slt, %parallel_loop3A_377, %parallel_loop3A_380 : i32
      %parallel_loop3A_382 = arith.constant 0 : i32
      %parallel_loop3A_383 = arith.cmpi slt, %parallel_loop3A_376, %parallel_loop3A_382 : i32
      %parallel_loop3A_384 = arith.xori %parallel_loop3A_381, %parallel_loop3A_383 : i1
      %parallel_loop3A_385 = arith.andi %parallel_loop3A_384, %parallel_loop3A_379 : i1
      %parallel_loop3A_386 = arith.addi %parallel_loop3A_377, %parallel_loop3A_376 : i32
      %parallel_loop3A_387 = arith.select %parallel_loop3A_385, %parallel_loop3A_386, %parallel_loop3A_377 : i32
      %parallel_loop3A_388 = arith.constant 16 : i32
      %parallel_loop3A_389 = arith.muli %parallel_loop3A_387, %parallel_loop3A_388 : i32
      %parallel_loop3A_390 = arith.index_cast %parallel_loop3A_371 : i32 to index
      %parallel_loop3A_391 = arith.index_cast %parallel_loop3A_389 : i32 to index
      %parallel_loop3A_392 = tpu.vector_load %arg5[%parallel_loop3A_390, %parallel_loop3A_391] {strides = array<i32>} : memref<16x1024xf32, #tpu.memory_space<vmem>>, vector<1x16xf32>,
      %parallel_loop3A_393 = vector.shape_cast %parallel_loop3A_392 : vector<1x16xf32> to vector<16xf32>
      %parallel_loop3A_394 = arith.constant 0 : i32
      %parallel_loop3A_395 = arith.index_cast %parallel_loop3A_394 : i32 to index
      %parallel_loop3A_396 = arith.index_cast %parallel_loop3A_371 : i32 to index
      %parallel_loop3A_397 = arith.index_cast %parallel_loop3A_389 : i32 to index
      %parallel_loop3A_398 = tpu.vector_load %arg7[%parallel_loop3A_395, %parallel_loop3A_396, %parallel_loop3A_397] {strides = array<i32>} : memref<2x16x1024xf32, #tpu.memory_space<vmem>>, vector<1x1x16xf32>,
      %parallel_loop3A_399 = vector.shape_cast %parallel_loop3A_398 : vector<1x1x16xf32> to vector<16xf32>
      %parallel_loop3A_400 = vector.shape_cast %parallel_loop3A_393 : vector<16xf32> to vector<1x1x16xf32>
      tpu.vector_store %arg7[%parallel_loop3A_395, %parallel_loop3A_396, %parallel_loop3A_397], %parallel_loop3A_400 {add = true, strides = array<i32>} : memref<2x16x1024xf32, #tpu.memory_space<vmem>>, vector<1x1x16xf32>,
    } {sc.loop_unroll_factor = 8 : i64, sc.parallel_access}
    %add3A_288 = arith.constant 62 : i32
    %add3A_289 = arith.addi %mul3A_11, %add3A_288 : i32
    %add3A_290 = arith.constant 0 : i32
    %add3A_291 = arith.addi %add3A_289, %add3A_290 : i32
    %dma_start3A_292 = arith.constant 0 : i32
    %dma_start3A_293 = arith.constant 0 : i32
    %dma_start3A_294 = arith.constant 0 : i32
    %dma_start3A_295 = tpu.memref_slice %arg7[%dma_start3A_292, %dma_start3A_293, %dma_start3A_294] : memref<2x16x1024xf32, #tpu.memory_space<vmem>> -> memref<1x16x1024xf32, #tpu.memory_space<vmem>>
    %dma_start3A_296 = tpu.memref_squeeze %dma_start3A_295 : memref<1x16x1024xf32, #tpu.memory_space<vmem>> -> memref<16x1024xf32, #tpu.memory_space<vmem>>
    %dma_start3A_297 = arith.constant 0 : i32
    %dma_start3A_298 = tpu.memref_slice %arg4[%add3A_291, %mul3A_34, %dma_start3A_297] : memref<256x128x1024xf32, #tpu.memory_space<hbm>> -> memref<1x16x1024xf32, #tpu.memory_space<hbm>>
    %dma_start3A_299 = tpu.memref_squeeze %dma_start3A_298 : memref<1x16x1024xf32, #tpu.memory_space<hbm>> -> memref<16x1024xf32, #tpu.memory_space<hbm>>
    %dma_start3A_300 = arith.constant 0 : i32
    %dma_start3A_301 = tpu.memref_slice %arg4[%add3A_291, %mul3A_34, %dma_start3A_300] : memref<256x128x1024xf32, #tpu.memory_space<hbm>> -> memref<1x16x1024xf32, #tpu.memory_space<hbm>>
    %dma_start3A_302 = tpu.memref_squeeze %dma_start3A_301 : memref<1x16x1024xf32, #tpu.memory_space<hbm>> -> memref<16x1024xf32, #tpu.memory_space<hbm>>
    %dma_start3A_303 = arith.constant 0 : i32
    %dma_start3A_304 = arith.constant 0 : i32
    %dma_start3A_305 = tpu.memref_slice %arg7[%dma_start3A_292, %dma_start3A_303, %dma_start3A_304] : memref<2x16x1024xf32, #tpu.memory_space<vmem>> -> memref<1x16x1024xf32, #tpu.memory_space<vmem>>
    %dma_start3A_306 = tpu.memref_squeeze %dma_start3A_305 : memref<1x16x1024xf32, #tpu.memory_space<vmem>> -> memref<16x1024xf32, #tpu.memory_space<vmem>>
    tpu.enqueue_dma source(%dma_start3A_306 : memref<16x1024xf32, #tpu.memory_space<vmem>>) target(%dma_start3A_302 : memref<16x1024xf32, #tpu.memory_space<hbm>>) target_semaphore(%arg13 : memref<!tpu.dma_semaphore, #tpu.memory_space<semaphore_mem>>)
    %parallel_loop3A_307 = arith.constant 0 : i32
    %parallel_loop3A_308 = arith.constant 1024 : i32
    %parallel_loop3A_309 = arith.constant 1 : i32
    scf.for %parallel_loop3A_347 = %parallel_loop3A_307 to %parallel_loop3A_308 step %parallel_loop3A_309  : i32 {
      %parallel_loop3A_348 = arith.constant 64 : i32
      %parallel_loop3A_349 = arith.divsi %parallel_loop3A_347, %parallel_loop3A_348 : i32
      %parallel_loop3A_350 = arith.constant 0 : i32
      %parallel_loop3A_351 = arith.cmpi sgt, %parallel_loop3A_347, %parallel_loop3A_350 : i32
      %parallel_loop3A_352 = arith.extui %parallel_loop3A_351 : i1 to i32
      %parallel_loop3A_353 = arith.constant 0 : i32
      %parallel_loop3A_354 = arith.cmpi slt, %parallel_loop3A_347, %parallel_loop3A_353 : i32
      %parallel_loop3A_355 = arith.extui %parallel_loop3A_354 : i1 to i32
      %parallel_loop3A_356 = arith.subi %parallel_loop3A_352, %parallel_loop3A_355 : i32
      %parallel_loop3A_357 = arith.constant 0 : i32
      %parallel_loop3A_358 = arith.cmpi sgt, %parallel_loop3A_348, %parallel_loop3A_357 : i32
      %parallel_loop3A_359 = arith.extui %parallel_loop3A_358 : i1 to i32
      %parallel_loop3A_360 = arith.constant 0 : i32
      %parallel_loop3A_361 = arith.cmpi slt, %parallel_loop3A_348, %parallel_loop3A_360 : i32
      %parallel_loop3A_362 = arith.extui %parallel_loop3A_361 : i1 to i32
      %parallel_loop3A_363 = arith.subi %parallel_loop3A_359, %parallel_loop3A_362 : i32
      %parallel_loop3A_364 = arith.cmpi ne, %parallel_loop3A_356, %parallel_loop3A_363 : i32
      %parallel_loop3A_365 = arith.remsi %parallel_loop3A_347, %parallel_loop3A_348 : i32
      %parallel_loop3A_366 = arith.constant 0 : i32
      %parallel_loop3A_367 = arith.cmpi ne, %parallel_loop3A_365, %parallel_loop3A_366 : i32
      %parallel_loop3A_368 = arith.andi %parallel_loop3A_364, %parallel_loop3A_367 : i1
      %parallel_loop3A_369 = arith.constant 1 : i32
      %parallel_loop3A_370 = arith.subi %parallel_loop3A_349, %parallel_loop3A_369 : i32
      %parallel_loop3A_371 = arith.select %parallel_loop3A_368, %parallel_loop3A_370, %parallel_loop3A_349 : i32
      %parallel_loop3A_372 = arith.constant 64 : i32
      %parallel_loop3A_373 = arith.constant 0 : i32
      %parallel_loop3A_374 = arith.cmpi eq, %parallel_loop3A_372, %parallel_loop3A_373 : i32
      %parallel_loop3A_375 = arith.constant 1 : i32
      %parallel_loop3A_376 = arith.select %parallel_loop3A_374, %parallel_loop3A_375, %parallel_loop3A_372 : i32
      %parallel_loop3A_377 = arith.remsi %parallel_loop3A_347, %parallel_loop3A_376 : i32
      %parallel_loop3A_378 = arith.constant 0 : i32
      %parallel_loop3A_379 = arith.cmpi ne, %parallel_loop3A_377, %parallel_loop3A_378 : i32
      %parallel_loop3A_380 = arith.constant 0 : i32
      %parallel_loop3A_381 = arith.cmpi slt, %parallel_loop3A_377, %parallel_loop3A_380 : i32
      %parallel_loop3A_382 = arith.constant 0 : i32
      %parallel_loop3A_383 = arith.cmpi slt, %parallel_loop3A_376, %parallel_loop3A_382 : i32
      %parallel_loop3A_384 = arith.xori %parallel_loop3A_381, %parallel_loop3A_383 : i1
      %parallel_loop3A_385 = arith.andi %parallel_loop3A_384, %parallel_loop3A_379 : i1
      %parallel_loop3A_386 = arith.addi %parallel_loop3A_377, %parallel_loop3A_376 : i32
      %parallel_loop3A_387 = arith.select %parallel_loop3A_385, %parallel_loop3A_386, %parallel_loop3A_377 : i32
      %parallel_loop3A_388 = arith.constant 16 : i32
      %parallel_loop3A_389 = arith.muli %parallel_loop3A_387, %parallel_loop3A_388 : i32
      %parallel_loop3A_390 = arith.index_cast %parallel_loop3A_371 : i32 to index
      %parallel_loop3A_391 = arith.index_cast %parallel_loop3A_389 : i32 to index
      %parallel_loop3A_392 = tpu.vector_load %arg5[%parallel_loop3A_390, %parallel_loop3A_391] {strides = array<i32>} : memref<16x1024xf32, #tpu.memory_space<vmem>>, vector<1x16xf32>,
      %parallel_loop3A_393 = vector.shape_cast %parallel_loop3A_392 : vector<1x16xf32> to vector<16xf32>
      %parallel_loop3A_394 = arith.constant 1 : i32
      %parallel_loop3A_395 = arith.index_cast %parallel_loop3A_394 : i32 to index
      %parallel_loop3A_396 = arith.index_cast %parallel_loop3A_371 : i32 to index
      %parallel_loop3A_397 = arith.index_cast %parallel_loop3A_389 : i32 to index
      %parallel_loop3A_398 = tpu.vector_load %arg7[%parallel_loop3A_395, %parallel_loop3A_396, %parallel_loop3A_397] {strides = array<i32>} : memref<2x16x1024xf32, #tpu.memory_space<vmem>>, vector<1x1x16xf32>,
      %parallel_loop3A_399 = vector.shape_cast %parallel_loop3A_398 : vector<1x1x16xf32> to vector<16xf32>
      %parallel_loop3A_400 = vector.shape_cast %parallel_loop3A_393 : vector<16xf32> to vector<1x1x16xf32>
      tpu.vector_store %arg7[%parallel_loop3A_395, %parallel_loop3A_396, %parallel_loop3A_397], %parallel_loop3A_400 {add = true, strides = array<i32>} : memref<2x16x1024xf32, #tpu.memory_space<vmem>>, vector<1x1x16xf32>,
    } {sc.loop_unroll_factor = 8 : i64, sc.parallel_access}
    %add3A_310 = arith.constant 62 : i32
    %add3A_311 = arith.addi %mul3A_11, %add3A_310 : i32
    %add3A_312 = arith.constant 1 : i32
    %add3A_313 = arith.addi %add3A_311, %add3A_312 : i32
    %dma_start3A_314 = arith.constant 1 : i32
    %dma_start3A_315 = arith.constant 0 : i32
    %dma_start3A_316 = arith.constant 0 : i32
    %dma_start3A_317 = tpu.memref_slice %arg7[%dma_start3A_314, %dma_start3A_315, %dma_start3A_316] : memref<2x16x1024xf32, #tpu.memory_space<vmem>> -> memref<1x16x1024xf32, #tpu.memory_space<vmem>>
    %dma_start3A_318 = tpu.memref_squeeze %dma_start3A_317 : memref<1x16x1024xf32, #tpu.memory_space<vmem>> -> memref<16x1024xf32, #tpu.memory_space<vmem>>
    %dma_start3A_319 = arith.constant 0 : i32
    %dma_start3A_320 = tpu.memref_slice %arg4[%add3A_313, %mul3A_34, %dma_start3A_319] : memref<256x128x1024xf32, #tpu.memory_space<hbm>> -> memref<1x16x1024xf32, #tpu.memory_space<hbm>>
    %dma_start3A_321 = tpu.memref_squeeze %dma_start3A_320 : memref<1x16x1024xf32, #tpu.memory_space<hbm>> -> memref<16x1024xf32, #tpu.memory_space<hbm>>
    %dma_start3A_322 = arith.constant 0 : i32
    %dma_start3A_323 = tpu.memref_slice %arg4[%add3A_313, %mul3A_34, %dma_start3A_322] : memref<256x128x1024xf32, #tpu.memory_space<hbm>> -> memref<1x16x1024xf32, #tpu.memory_space<hbm>>
    %dma_start3A_324 = tpu.memref_squeeze %dma_start3A_323 : memref<1x16x1024xf32, #tpu.memory_space<hbm>> -> memref<16x1024xf32, #tpu.memory_space<hbm>>
    %dma_start3A_325 = arith.constant 0 : i32
    %dma_start3A_326 = arith.constant 0 : i32
    %dma_start3A_327 = tpu.memref_slice %arg7[%dma_start3A_314, %dma_start3A_325, %dma_start3A_326] : memref<2x16x1024xf32, #tpu.memory_space<vmem>> -> memref<1x16x1024xf32, #tpu.memory_space<vmem>>
    %dma_start3A_328 = tpu.memref_squeeze %dma_start3A_327 : memref<1x16x1024xf32, #tpu.memory_space<vmem>> -> memref<16x1024xf32, #tpu.memory_space<vmem>>
    tpu.enqueue_dma source(%dma_start3A_328 : memref<16x1024xf32, #tpu.memory_space<vmem>>) target(%dma_start3A_324 : memref<16x1024xf32, #tpu.memory_space<hbm>>) target_semaphore(%arg13 : memref<!tpu.dma_semaphore, #tpu.memory_space<semaphore_mem>>)
    %add3A_329 = arith.constant 0 : i32
    %add3A_330 = arith.addi %mul3A_11, %add3A_329 : i32
    %dma_wait3A_331 = arith.constant 0 : i32
    %dma_wait3A_332 = tpu.memref_slice %arg4[%add3A_330, %mul3A_34, %dma_wait3A_331] : memref<256x128x1024xf32, #tpu.memory_space<hbm>> -> memref<2x16x1024xf32, #tpu.memory_space<hbm>>
    %dma_wait3A_333 = arith.constant 0 : i32
    %dma_wait3A_334 = tpu.memref_slice %arg4[%add3A_330, %mul3A_34, %dma_wait3A_333] : memref<256x128x1024xf32, #tpu.memory_space<hbm>> -> memref<2x16x1024xf32, #tpu.memory_space<hbm>>
    tpu.wait_dma2 semaphore(%arg12 : memref<!tpu.dma_semaphore, #tpu.memory_space<semaphore_mem>>) src(%arg6 : memref<2x16x1024xf32, #tpu.memory_space<vmem>>) dst(%dma_wait3A_334 : memref<2x16x1024xf32, #tpu.memory_space<hbm>>)
    %add3A_335 = arith.constant 0 : i32
    %add3A_336 = arith.addi %mul3A_11, %add3A_335 : i32
    %dma_wait3A_337 = arith.constant 0 : i32
    %dma_wait3A_338 = tpu.memref_slice %arg4[%add3A_336, %mul3A_34, %dma_wait3A_337] : memref<256x128x1024xf32, #tpu.memory_space<hbm>> -> memref<2x16x1024xf32, #tpu.memory_space<hbm>>
    %dma_wait3A_339 = arith.constant 0 : i32
    %dma_wait3A_340 = tpu.memref_slice %arg4[%add3A_336, %mul3A_34, %dma_wait3A_339] : memref<256x128x1024xf32, #tpu.memory_space<hbm>> -> memref<2x16x1024xf32, #tpu.memory_space<hbm>>
    tpu.wait_dma2 semaphore(%arg13 : memref<!tpu.dma_semaphore, #tpu.memory_space<semaphore_mem>>) src(%arg7 : memref<2x16x1024xf32, #tpu.memory_space<vmem>>) dst(%dma_wait3A_340 : memref<2x16x1024xf32, #tpu.memory_space<hbm>>)
    %add3A_341 = arith.constant 0 : i32
    %add3A_342 = arith.addi %mul3A_11, %add3A_341 : i32
    %dma_wait3A_343 = arith.constant 0 : i32
    %dma_wait3A_344 = tpu.memref_slice %arg4[%add3A_342, %mul3A_34, %dma_wait3A_343] : memref<256x128x1024xf32, #tpu.memory_space<hbm>> -> memref<2x16x1024xf32, #tpu.memory_space<hbm>>
    %dma_wait3A_345 = arith.constant 0 : i32
    %dma_wait3A_346 = tpu.memref_slice %arg4[%add3A_342, %mul3A_34, %dma_wait3A_345] : memref<256x128x1024xf32, #tpu.memory_space<hbm>> -> memref<2x16x1024xf32, #tpu.memory_space<hbm>>
    tpu.wait_dma2 semaphore(%arg14 : memref<!tpu.dma_semaphore, #tpu.memory_space<semaphore_mem>>) src(%arg8 : memref<2x16x1024xf32, #tpu.memory_space<vmem>>) dst(%dma_wait3A_346 : memref<2x16x1024xf32, #tpu.memory_space<hbm>>)
    return
  }
}

</mosaic_0001>

<sc_bundles>
// kernel: kernel.3.cloned.1.call-start
scs
__scs_entry_jumppad:
0x0: {  	(pc) =	sbr.rel $0x88, $3  }
0x1: {  	(tag) =	ssettag $0x0;
	lr =	simm.s32 $0x1  }
0x2: {  	[smem:$0x3F9F] =	sst lr;
	_ =	strace $0xD0000000  }
0x3: {  	_ = 	snop  }
0x4: {  	_ = 	snop  }
0x5: {  	_ = 	snop  }
0x6: {  	_ = 	snop  }
0x7: {  	_ = 	snop  }
__scs_overlays_trampoline_lowered:
0x8: {  	[smem:$0x3FAE] =	sst s0  }
0x9: {  	[smem:$0x3FAF] =	sst s1  }
0xa: {  	[smem:$0x3FB0] =	sst s2  }
0xb: {  	[smem:$0x3FB1] =	sst s3  }
0xc: {  	[smem:$0x3FB2] =	sst s4  }
0xd: {  	[smem:$0x3FB3] =	sst s5  }
0xe: {  	[smem:$0x3FB4] =	sst s6  }
0xf: {  	[smem:$0x3FB5] =	sst s7  }
0x10: {  	[smem:$0x3FB6] =	sst s8  }
0x11: {  	[smem:$0x3FB7] =	sst s9;
	s0 =	simm.s32 @!p0 $0x0  }
0x12: {  	s1 =	sld [smem:$0x3F9D];
	s0 =	simm.s32 @p0 $0x1  }
0x13: {  	[smem:$0x3FB8] =	sst s0;
	s0 =	simm.s32 @!p1 $0x0  }
0x14: {  	s2 =	sld [smem:$0x3F9C];
	s0 =	simm.s32 @p1 $0x1  }
0x15: {  	[smem:$0x3FB9] =	sst s0;
	s0 =	simm.s32 @!p2 $0x0  }
0x16: {  	s3 =	sld [smem:$0x3FDB];
	s0 =	simm.s32 @p2 $0x1  }
0x17: {  	s4 =	simm.s32 $0x1BF5;
	[smem:$0x3FBB] =	sst s0  }
0x18: {  	s0 =	sld [smem:$0x3F9E];
	_ =	swait.ge [sflag:s4], $0x0  }
0x19: {  	s7 =	sld [smem:$0x3F9F]  }
0x1a: {  	s8 =	sadd.s32 $0xFFFFE003, lr  }
0x1b: {  	s9 =	sadd.s32 $0xFFFFFEF7, lr;
	s5 =	simm.s32 $0xFFFFFFFF;
	p2 =	slt.u32 s8, $0xFFFFF086  }
0x1c: {  	p1 =	slt.u32 s9, $0xF7A;
	s5 =	simm.s32 @!p2 $0x0  }
0x1d: {  	s5 =	simm.s32 @p1 $0x1;
	p0 =	seq.s32 s7, s2  }
0x1e: {  	s7 =	smul.u32 @!p0 $0xF7A, s2;
	p2 =	seq.s32 @!p0 s5, $0x0  }
0x1f: {  	s9 =	smul.u32 $0xF7A, s1;
	s8 =	simm.s32 @!p0 $0x1BF5;
	p2 =	por !p2, p0  }
0x20: {  	[sflag:s8] =	ssyncset.s32 @!p0 $0xFFFFF086;
	s6 =	sadd.s32 @!p0 s3, s7;
	s7 =	simm.s32 @!p0 $0x108  }
0x21: {  	s3 =	sadd.s32 s3, s9;
	s6 =	sadd.s32 @!p0 $0x88, s6;
	s7 =	simm.s32 @p2 $0x1082  }
0x22: {  	[simem:s7], [sflag:s8] =	dma.local @!p0 [hbm:s6], $0xF7A  }
0x23: {  	s9 =	sor.u32 $0xD0000000, s2;
	s6 =	simm.s32 $0x108;
	_ =	swait.ge @!p0 [sflag:s8], $0x0  }
0x24: {  	s3 =	sadd.s32 $0x88, s3;
	s6 =	simm.s32 @!p1 $0x1082;
	[sflag:s4] =	ssyncset.s32 $0xFFFFF086  }
0x25: {  	[simem:s6], [sflag:s4] =	dma.local [hbm:s3], $0xF7A  }
0x26: {  	[smem:$0x3F9F] =	sst s1;
	(tag) =	ssettag s2;
	_ =	strace s9  }
0x27: {  	s1 =	sld [smem:$0x3FAF]  }
0x28: {  	s2 =	sld [smem:$0x3FB0]  }
0x29: {  	s4 =	sld [smem:$0x3FB2]  }
0x2a: {  	p0 =	seq.s32 s5, $0x0;
	s5 =	sld [smem:$0x3FB3]  }
0x2b: {  	s6 =	sld [smem:$0x3FB4]  }
0x2c: {  	s7 =	sld [smem:$0x3FB5]  }
0x2d: {  	s3 =	simm.s32 $0x108;
	s8 =	sld [smem:$0x3FB6]  }
0x2e: {  	s3 =	simm.s32 @!p0 $0x1082;
	s9 =	sld [smem:$0x3FB7]  }
0x2f: {  	lr =	sadd.s32 s0, s3;
	s0 =	sld [smem:$0x3FAE]  }
0x30: {  	s3 =	sld [smem:$0x3FB1]  }
0x31: {  	[smem:$0x3FBA] =	sst s10  }
0x32: {  	s10 =	sld [smem:$0x3FB8];
	_ =	sdelay $0x3  }
0x33: {  	p0 =	seq.s32 s10, $0x1;
	s10 =	sld [smem:$0x3FBA];
	_ =	sdelay $0x3  }
0x34: {  	[smem:$0x3FBA] =	sst s10  }
0x35: {  	s10 =	sld [smem:$0x3FB9];
	_ =	sdelay $0x3  }
0x36: {  	p1 =	seq.s32 s10, $0x1;
	s10 =	sld [smem:$0x3FBA];
	_ =	sdelay $0x3  }
0x37: {  	[smem:$0x3FBA] =	sst s10  }
0x38: {  	s10 =	sld [smem:$0x3FBB]  }
0x39: {  	_ = 	snop;
	(pc) =	sbr.ind lr, $3  }
0x3a: {  	_ = 	snop  }
0x3b: {  	_ = 	snop  }
0x3c: {  	p2 =	seq.s32 s10, $0x1;
	s10 =	sld [smem:$0x3FBA]  }
0x3d: {  	_ =	shalt  }
0x3e: {  	_ =	shalt  }
0x3f: {  	_ =	shalt  }
0x40: {  	_ =	shalt  }
0x41: {  	_ =	shalt  }
0x42: {  	_ =	shalt  }
0x43: {  	_ =	shalt  }
0x44: {  	_ =	shalt  }
0x45: {  	_ =	shalt  }
0x46: {  	_ =	shalt  }
0x47: {  	_ =	shalt  }
0x48: {  	_ =	shalt  }
0x49: {  	_ =	shalt  }
0x4a: {  	_ =	shalt  }
0x4b: {  	_ =	shalt  }
0x4c: {  	_ =	shalt  }
0x4d: {  	_ =	shalt  }
0x4e: {  	_ =	shalt  }
0x4f: {  	_ =	shalt  }
0x50: {  	_ =	shalt  }
0x51: {  	_ =	shalt  }
0x52: {  	_ =	shalt  }
0x53: {  	_ =	shalt  }
0x54: {  	_ =	shalt  }
0x55: {  	_ =	shalt  }
0x56: {  	_ =	shalt  }
0x57: {  	_ =	shalt  }
0x58: {  	_ =	shalt  }
0x59: {  	_ =	shalt  }
0x5a: {  	_ =	shalt  }
0x5b: {  	_ =	shalt  }
0x5c: {  	_ =	shalt  }
0x5d: {  	_ =	shalt  }
0x5e: {  	_ =	shalt  }
0x5f: {  	_ =	shalt  }
0x60: {  	_ =	shalt  }
0x61: {  	_ =	shalt  }
0x62: {  	_ =	shalt  }
0x63: {  	_ =	shalt  }
0x64: {  	_ =	shalt  }
0x65: {  	_ =	shalt  }
0x66: {  	_ =	shalt  }
0x67: {  	_ =	shalt  }
0x68: {  	_ =	shalt  }
0x69: {  	_ =	shalt  }
0x6a: {  	_ =	shalt  }
0x6b: {  	_ =	shalt  }
0x6c: {  	_ =	shalt  }
0x6d: {  	_ =	shalt  }
0x6e: {  	_ =	shalt  }
0x6f: {  	_ =	shalt  }
0x70: {  	_ =	shalt  }
0x71: {  	_ =	shalt  }
0x72: {  	_ =	shalt  }
0x73: {  	_ =	shalt  }
0x74: {  	_ =	shalt  }
0x75: {  	_ =	shalt  }
0x76: {  	_ =	shalt  }
0x77: {  	_ =	shalt  }
0x78: {  	_ =	shalt  }
0x79: {  	_ =	shalt  }
0x7a: {  	_ =	shalt  }
0x7b: {  	_ =	shalt  }
0x7c: {  	_ =	shalt  }
0x7d: {  	_ =	shalt  }
0x7e: {  	_ =	shalt  }
0x7f: {  	_ =	shalt  }
0x80: {  	_ =	shalt  }
0x81: {  	_ =	shalt  }
0x82: {  	_ =	shalt  }
0x83: {  	_ =	shalt  }
0x84: {  	_ =	shalt  }
0x85: {  	_ =	shalt  }
0x86: {  	_ =	shalt  }
0x87: {  	_ =	shalt  }
.Lfunc_end0:
.L_simem_size_0:
called_computation_lowered:
.L_overlay_start_0:
0x88: {  	s2 =	sld [smem:$0x3FD9]  }
0x89: {  	s3 =	sld [smem:$0x3FFE];
	_ =	sdelay $0x1  }
0x8a: {  	s1 =	srdreg.scid  }
0x8b: {  	s0 =	sand.u32 $0x1, s1  }
0x8c: {  	s18 =	sshll.u32 s0, $0xA;
	s2 =	sadd.s32 s3, s2  }
0x8d: {  	s2 =	sadd.s32 s2, s18  }
0x8e: {  	[smem:$0x3FC6] =	sst s2  }
0x8f: {  	_ = 	snop  }
0x90: {  	s2 =	sld [smem:$0x3FC9]  }
0x91: {  	s19 =	sld [smem:$0x3FC8]  }
0x92: {  	s4 =	sld [smem:$0x3FD0];
	(tm) =	ssettm $0x1  }
0x93: {  	s5 =	sld [smem:$0x3FFB];
	_ =	sdelay $0x3  }
0x94: {  	_ =	strace s5  }
0x95: {  	s5 =	sld [smem:$0x3FFC];
	_ =	sdelay $0x3  }
0x96: {  	_ =	strace s5  }
0x97: {  	s5 =	sld [smem:$0x3FFD];
	_ =	sdelay $0x3  }
0x98: {  	_ =	strace s5  }
0x99: {  	_ =	strace $0x8FFFFFFF  }
0x9a: {  	s20 =	sld [smem:$0x3FDB];
	_ =	sdelay $0x1  }
0x9b: {  	s6 =	simm.s32 $_scs_section_size  }
0x9c: {  	s7 =	simm.s32 $_size__tile_overlayer_lowered;
	s8 =	simm.s32 $_tile_overlayer_lowered  }
0x9d: {  	s23 =	simm.s32 $0x1BFF;
	s22 =	sshll.u32 s8, $0x1;
	s5 =	sadd.s32 s6, s20  }
0x9e: {  	s9 =	simm.s32 $0x0;
	s21 =	sshll.u32 s7, $0x1;
	s7 =	sadd.s32 s22, s5  }
0x9f: {  	[timem:s9], [sflag:s23] =	dma.local [hbm:s7], s21  }
0xa0: {  	_ =	swait.ge [sflag:s23], s21  }
0xa1: {  	s6 =	ssub.s32 $0x0, s21;
	[sflag:s23] =	ssyncset.done $0x0  }
0xa2: {  	[sflag:s23] =	ssyncadd.s32 s6;
	_ =	sdelay $0x1  }
0xa3: {  	s24 =	simm.s32 $0x1B8B  }
0xa4: {  	_ =	swait.ge [sflag:s24], $0x1  }
0xa5: {  	[sflag:s24] =	ssyncset.done $0x0  }
0xa6: {  	s25 =	simm.s32 $0x1B8E;
	[sflag:s24] =	ssyncadd.s32 $0xFFFFFFFF  }
0xa7: {  	s26 =	simm.s32 $execute0_lowered;
	[smem:$0x3FD2] =	sst s25  }
0xa8: {  	s6 =	sshll.u32 s26, $0x1;
	_ =	strace $0x80000046;
	[dreg:$0x1] =	wrdreg $0xFFFFFFFF  }
0xa9: {  	s28 =	simm.s32 $_size_execute0_lowered;
	s5 =	sadd.s32 s5, s6;
	[dreg:$0x0] =	wrdreg $0x0  }
0xaa: {  	s6 =	sshll.u32 s28, $0x1;
	[dreg:$0x2] =	wrdreg s5  }
0xab: {  	[dreg:$0x3] =	wrdreg s6  }
0xac: {  	[dreg:$0x4] =	wrdreg $0xC0  }
0xad: {  	_ =	task [dreg:s9], $0x5FFFF  }
0xae: {  	[dreg:$0x1] =	wrdreg $0xFFFFFFFF  }
0xaf: {  	[dreg:$0x0] =	wrdreg $0x60  }
0xb0: {  	[dreg:$0x2] =	wrdreg s2  }
0xb1: {  	[dreg:$0x3] =	wrdreg s19  }
0xb2: {  	[dreg:$0x4] =	wrdreg s4  }
0xb3: {  	[dreg:$0x5] =	wrdreg $0x9  }
0xb4: {  	_ =	task.clear_ibuf [dreg:s9], $0x6FFFF;
	_ =	strace $0x90000046  }
0xb5: {  	s29 =	simm.s32 $0x9;
	_ =	strace $0x80000048  }
0xb6: {  	_ =	swait.ge [sflag:s29], $0x1  }
0xb7: {  	[sflag:s29] =	ssyncadd.s32 $0xFFFFFFFF  }
0xb8: {  	_ =	strace $0x90000048  }
0xb9: {  	_ =	sfence  }
0xba: {  	s30 =	sld [smem:$0x0];
	_ =	sdelay $0x2  }
0xbb: {  	s31 =	sshll.u32 s1, $0xD;
	s1 =	sshrl.u32 s1, $0x2  }
0xbc: {  	s3 =	sand.u32 $0x4000, s31;
	s1 =	sadd.s32 s1, s30  }
0xbd: {  	s0 =	sor.u32 s3, s0;
	s1 =	sshll.u32 s1, $0x11  }
0xbe: {  	s0 =	sor.u32 s1, s0  }
0xbf: {  	s0 =	sadd.s32 $0x8F2B, s0  }
0xc0: {  	[sflag:s0] =	ssyncadd.remote.s32 $0x1  }
0xc1: {  	_ =	sfence.sel $0xFFFF  }
0xc2: {  	[dreg:$0x0] =	wrdreg $0xFFFFFFFF;
	(pc) =	sbr.abs _section_cstart, $3  }
0xc3: {  	[dreg:$0x1] =	wrdreg $0xFFFFFFFF  }
0xc4: {  	_ =	task.clear_ibuf [dreg:s9], $0x2FFFF;
	_ =	strace $0x9FFFFFFF  }
0xc5: {  	(tm) =	ssettm $0x7FFFFFFF  }
tec
execute0_lowered:
.L_overlay_start_1:
0x0: {  	(tag) =	ssettag $0x1  }
0x1: {  	s2 =	rddreg [dreg:$0x0]  }
0x2: {  	s0 =	rddreg [dreg:$0x1]  }
0x3: {  	s3 =	rddreg [dreg:$0x2];
	s4 =	stileid.u32;
	s13 =	simm.s32 $0x0  }
0x4: {  	s1 =	srdreg.scid;
	s5 =	sshll.u32 s4, $0x1;
	[smem:$0x7FF] =	sst s13  }
0x5: {  	s1 =	sand.u32 $0x1, s1;
	s24 =	sshll.u32 s4, $0xD;
	s5 =	sand.u32 $0x2, s5  }
0x6: {  	s6 =	ssub.s32 $0x2, s1;
	s1 =	sor.u32 s1, s5;
	s5 =	sand.u32 $0x1C000, s24  }
0x7: {  	s10 =	sadd.s32 $0x4000, s3;
	_ =	strace $0x80000047;
	s26 =	sshrl.u32 s5, $0x3  }
0x8: {  	s7 =	sshrl.u32 s6, $0x1;
	s25 =	sshll.u32 s1, $0x6;
	s0 =	sadd.s32 s0, s26  }
0x9: {  	s8 =	sshll.u32 s1, $0x17;
	s20 =	sor.u32 $0x2, s25;
	[dreg:$0x4] =	wrdreg s0  }
0xa: {  	s7 =	ssub.s32 s6, s7;
	s21 =	sor.u32 $0x4, s25;
	[dreg:$0xf] =	wrdreg s20  }
0xb: {  	s8 =	sor.u32 s5, s8;
	s22 =	sor.u32 $0x6, s25;
	[dreg:$0x10] =	wrdreg s21  }
0xc: {  	s26 =	smax.u32 s7, $0x1;
	s8 =	sshrl.u32 s8, $0x3;
	[dreg:$0x11] =	wrdreg s22  }
0xd: {  	[dreg:$0x15] =	wrdreg s26;
	s11 =	sadd.s32 s8, s10  }
0xe: {  	s28 =	sadd.s32 s2, s8;
	[dreg:$0x8] =	wrdreg s11  }
0xf: {  	s29 =	sor.u32 $0x8000, s8;
	s9 =	sadd.s32 s3, s8;
	[dreg:$0x5] =	wrdreg s28  }
0x10: {  	s14 =	sor.u32 $0x10000, s8;
	s12 =	sadd.s32 s2, s29;
	[dreg:$0x7] =	wrdreg s9  }
0x11: {  	s15 =	sadd.s32 s2, s14;
	[dreg:$0x6] =	wrdreg s12  }
0x12: {  	s0 =	sadd.s32 s3, s29;
	[dreg:$0x9] =	wrdreg s15  }
0x13: {  	s30 =	simm.s32 $0x20000;
	s16 =	sadd.s32 $0xC000, s9;
	[dreg:$0xa] =	wrdreg s0  }
0x14: {  	s31 =	simm.s32 $0x4000;
	s17 =	sadd.s32 $0x18000, s28;
	[dreg:$0xb] =	wrdreg s16  }
0x15: {  	s1 =	simm.s32 $0x1;
	s18 =	sadd.s32 s3, s14;
	[dreg:$0xc] =	wrdreg s17  }
0x16: {  	s23 =	sor.u32 $0xF8000, s8;
	s19 =	sadd.s32 $0x14000, s9;
	[dreg:$0xd] =	wrdreg s18  }
0x17: {  	s6 =	simm.s32 $0x0;
	s24 =	sadd.s32 s2, s23;
	[dreg:$0xe] =	wrdreg s19  }
0x18: {  	s21 =	smov.u32 s25;
	s25 =	sadd.s32 $0xF0000, s9;
	[dreg:$0x12] =	wrdreg s24  }
0x19: {  	s20 =	simm.s32 $0x0;
	s28 =	sadd.s32 $0xF4000, s9;
	[dreg:$0x13] =	wrdreg s25  }
0x1a: {  	s29 =	sadd.s32 $0xFC000, s9;
	s9 =	simm.s32 $0x14000;
	[dreg:$0x16] =	wrdreg s28  }
0x1b: {  	s14 =	simm.s32 $0x4;
	s0 =	sadd.s32 s3, s23;
	[dreg:$0x17] =	wrdreg s29  }
0x1c: {  	s12 =	simm.s32 $0x2;
	s15 =	simm.s32 $0x3;
	s17 =	simm.s32 $0x5  }
0x1d: {  	s18 =	simm.s32 $0x6;
	[dreg:$0x14] =	wrdreg s0;
	s0 =	simm.s32 $0xC000  }
.LBB2_1:
0x1e: {  	s4 =	rddreg [dreg:$0x4];
	s24 =	simm.s32 $0x7  }
0x1f: {  	[tilespmem:s13], [sflag:$0x7] =	stream.linear.gather [hbm4b:s4+s13], $0x4000, $0x38;
	[tilespmem:$0x1C000] =	vst v63  }
0x20: {  	_ =	swait.ge [sflag:s24], $0x4000  }
0x21: {  	[sflag:s24] =	ssyncset.done $0x0  }
0x22: {  	s25 =	rddreg [dreg:$0x5];
	[sflag:s24] =	ssyncadd.s32 $0xFFFFC000  }
0x23: {  	[tilespmem:s31], [sflag:$0x1] =	stream.strided.gather [hbm4b:s25+s31], $0x8000, s30, s31, $0x38;
	[tilespmem:$0x1C000] =	vst v63  }
0x24: {  	s7 =	simm.s32 $0x0;
	s8 =	sand.u32 $0x1C00, s13;
	s26 =	rddreg [dreg:$0x6]  }
0x25: {  	[tilespmem:s0], [sflag:$0x2] =	stream.strided.gather [hbm4b:s26+s31], $0x8000, s30, s31, $0x38;
	[tilespmem:$0x1C000] =	vst v63  }
0x26: {  	s11 =	simm.s32 $0x0;
	s7 =	sand.u32 $0x2000, s7;
	_ =	swait.ge [sflag:s1], $0x8000  }
0x27: {  	s28 =	sand.u32 $0x380, s11;
	s7 =	sor.u32 s8, s7;
	[sflag:s1] =	ssyncset.done $0x0  }
0x28: {  	s7 =	sor.u32 s28, s7;
	[sflag:s1] =	ssyncadd.s32 $0xFFFF8000  }
0x29: {  	v0 =	vld [tilespmem:s7+$0x70]  }
0x2a: {  	v5 =	vld [tilespmem:s7+$0x0]  }
0x2b: {  	v6 =	vld [tilespmem:s7+$0x10]  }
0x2c: {  	v4 =	vld [tilespmem:s7+$0x20]  }
0x2d: {  	v1 =	vld [tilespmem:s7+$0x30]  }
0x2e: {  	v2 =	vld [tilespmem:s7+$0x40]  }
0x2f: {  	s8 =	sor.u32 $0x4070, s7;
	v3 =	vld [tilespmem:s7+$0x60]  }
0x30: {  	[tilespmem:s8+$0x0] =	vst.add.f32.msk $0xffff, v0  }
0x31: {  	s23 =	simm.s32 $0x0;
	s29 =	sor.u32 $0x4000, s7;
	s16 =	sor.u32 $0x4010, s7;
	v0 =	vld [tilespmem:s7+$0x50]  }
0x32: {  	s22 =	sor.u32 $0x4020, s7;
	s11 =	sor.u32 $0x4050, s7;
	s24 =	sor.u32 $0x4060, s7;
	[tilespmem:s29+$0x0] =	vst.add.f32.msk $0xffff, v5  }
0x33: {  	s25 =	sor.u32 $0x4040, s7;
	s26 =	sor.u32 $0x4030, s7;
	[tilespmem:s16+$0x0] =	vst.add.f32.msk $0xffff, v6;
	s8 =	simm.s32 $0x0  }
.LBB2_2:
0x34: {  	s23 =	sadd.s32 $0x8, s23;
	[tilespmem:s22+$0x0] =	vst.add.f32.msk $0xffff, v4  }
0x35: {  	s8 =	sadd.s32 $0x400, s8;
	s7 =	sshll.u32 s23, $0x4;
	p0 =	slt.u32 s23, $0x3F8;
	[tilespmem:s26+$0x0] =	vst.add.f32.msk $0xffff, v1  }
0x36: {  	s16 =	sand.u32 $0x1C00, s8;
	s22 =	sshll.u32 s23, $0x1;
	s7 =	sand.u32 $0x2000, s7;
	[tilespmem:s25+$0x0] =	vst.add.f32.msk $0xffff, v2  }
0x37: {  	s7 =	sor.u32 s16, s7;
	s16 =	sand.u32 $0x380, s22;
	[tilespmem:s11+$0x0] =	vst.add.f32.msk $0xffff, v0  }
0x38: {  	s7 =	sor.u32 s16, s7;
	[tilespmem:s24+$0x0] =	vst.add.f32.msk $0xffff, v3  }
0x39: {  	s16 =	sor.u32 $0x4000, s7;
	s28 =	sor.u32 $0x4010, s7;
	s22 =	sor.u32 $0x4020, s7;
	v0 =	vld [tilespmem:s7+$0x70]  }
0x3a: {  	s26 =	sor.u32 $0x4030, s7;
	s25 =	sor.u32 $0x4040, s7;
	s11 =	sor.u32 $0x4050, s7;
	v5 =	vld [tilespmem:s7+$0x0]  }
0x3b: {  	s24 =	sor.u32 $0x4060, s7;
	v6 =	vld [tilespmem:s7+$0x10]  }
0x3c: {  	v4 =	vld [tilespmem:s7+$0x20]  }
0x3d: {  	s29 =	sor.u32 $0x4070, s7;
	v1 =	vld [tilespmem:s7+$0x30]  }
0x3e: {  	[tilespmem:s29+$0x0] =	vst.add.f32.msk $0xffff, v0  }
.Ltmp0:
0x3f: {  	v2 =	vld [tilespmem:s7+$0x40];
	(pc) =	sbr.rel @p0 .LBB2_2-.Ltmp0, $4  }
0x40: {  	v0 =	vld [tilespmem:s7+$0x50]  }
0x41: {  	v3 =	vld [tilespmem:s7+$0x60]  }
0x42: {  	[tilespmem:s16+$0x0] =	vst.add.f32.msk $0xffff, v5  }
0x43: {  	[tilespmem:s28+$0x0] =	vst.add.f32.msk $0xffff, v6  }
0x44: {  	[dreg:$0x18] =	wrdreg s6  }
0x45: {  	[tilespmem:s22+$0x0] =	vst.add.f32.msk $0xffff, v4  }
0x46: {  	[tilespmem:s26+$0x0] =	vst.add.f32.msk $0xffff, v1  }
0x47: {  	s23 =	simm.s32 $0x0;
	s7 =	simm.s32 $0x0;
	[tilespmem:s25+$0x0] =	vst.add.f32.msk $0xffff, v2  }
0x48: {  	[tilespmem:s11+$0x0] =	vst.add.f32.msk $0xffff, v0;
	s7 =	sand.u32 $0x2000, s7;
	s8 =	sand.u32 $0x1C00, s23;
	s26 =	simm.s32 $0x0  }
0x49: {  	[tilespmem:s24+$0x0] =	vst.add.f32.msk $0xffff, v3;
	s11 =	sand.u32 $0x380, s26;
	s7 =	sor.u32 s8, s7  }
0x4a: {  	s4 =	rddreg [dreg:$0x7];
	s7 =	sor.u32 s11, s7  }
0x4b: {  	[hbm4b:s4+s23] =	stream.linear.scatter [tilespmem:s31], [sflag:$0x4], $0x4000, $0x38;
	[tilespmem:$0x1C000] =	vst v63  }
0x4c: {  	v0 =	vld [tilespmem:s7+$0x70]  }
0x4d: {  	v5 =	vld [tilespmem:s7+$0x0]  }
0x4e: {  	v6 =	vld [tilespmem:s7+$0x10]  }
0x4f: {  	v4 =	vld [tilespmem:s7+$0x20]  }
0x50: {  	v1 =	vld [tilespmem:s7+$0x30]  }
0x51: {  	v3 =	vld [tilespmem:s7+$0x40]  }
0x52: {  	s28 =	sor.u32 $0x8070, s7;
	v2 =	vld [tilespmem:s7+$0x60]  }
0x53: {  	[tilespmem:s28+$0x0] =	vst.add.f32.msk $0xffff, v0  }
0x54: {  	s24 =	simm.s32 $0x0;
	s29 =	sor.u32 $0x8000, s7;
	v0 =	vld [tilespmem:s7+$0x50]  }
0x55: {  	s16 =	sor.u32 $0x8010, s7;
	s22 =	sor.u32 $0x8020, s7;
	s26 =	sor.u32 $0x8030, s7;
	[tilespmem:s29+$0x0] =	vst.add.f32.msk $0xffff, v5  }
0x56: {  	s25 =	sor.u32 $0x8040, s7;
	s8 =	sor.u32 $0x8050, s7;
	s11 =	sor.u32 $0x8060, s7;
	[tilespmem:s16+$0x0] =	vst.add.f32.msk $0xffff, v6  }
.LBB2_4:
0x57: {  	s24 =	sadd.s32 $0x8, s24;
	[tilespmem:s22+$0x0] =	vst.add.f32.msk $0xffff, v4  }
0x58: {  	s23 =	sadd.s32 $0x400, s23;
	s7 =	sshll.u32 s24, $0x4;
	p0 =	slt.u32 s24, $0x3F8;
	[tilespmem:s26+$0x0] =	vst.add.f32.msk $0xffff, v1  }
0x59: {  	s16 =	sand.u32 $0x1C00, s23;
	s22 =	sshll.u32 s24, $0x1;
	s7 =	sand.u32 $0x2000, s7;
	[tilespmem:s25+$0x0] =	vst.add.f32.msk $0xffff, v3  }
0x5a: {  	s22 =	sand.u32 $0x380, s22;
	s7 =	sor.u32 s16, s7;
	[tilespmem:s8+$0x0] =	vst.add.f32.msk $0xffff, v0  }
0x5b: {  	s7 =	sor.u32 s22, s7;
	[tilespmem:s11+$0x0] =	vst.add.f32.msk $0xffff, v2  }
0x5c: {  	s16 =	sor.u32 $0x8000, s7;
	s28 =	sor.u32 $0x8010, s7;
	s22 =	sor.u32 $0x8020, s7;
	v0 =	vld [tilespmem:s7+$0x70]  }
0x5d: {  	s26 =	sor.u32 $0x8030, s7;
	s25 =	sor.u32 $0x8040, s7;
	s8 =	sor.u32 $0x8050, s7;
	v5 =	vld [tilespmem:s7+$0x0]  }
0x5e: {  	s11 =	sor.u32 $0x8060, s7;
	v6 =	vld [tilespmem:s7+$0x10]  }
0x5f: {  	v4 =	vld [tilespmem:s7+$0x20]  }
0x60: {  	s29 =	sor.u32 $0x8070, s7;
	v1 =	vld [tilespmem:s7+$0x30]  }
0x61: {  	[tilespmem:s29+$0x0] =	vst.add.f32.msk $0xffff, v0  }
.Ltmp1:
0x62: {  	v3 =	vld [tilespmem:s7+$0x40];
	(pc) =	sbr.rel @p0 .LBB2_4-.Ltmp1, $4  }
0x63: {  	v0 =	vld [tilespmem:s7+$0x50]  }
0x64: {  	v2 =	vld [tilespmem:s7+$0x60]  }
0x65: {  	[tilespmem:s16+$0x0] =	vst.add.f32.msk $0xffff, v5  }
0x66: {  	[tilespmem:s28+$0x0] =	vst.add.f32.msk $0xffff, v6  }
0x67: {  	[tilespmem:s22+$0x0] =	vst.add.f32.msk $0xffff, v4  }
0x68: {  	[tilespmem:s26+$0x0] =	vst.add.f32.msk $0xffff, v1  }
0x69: {  	[tilespmem:s25+$0x0] =	vst.add.f32.msk $0xffff, v3  }
0x6a: {  	[tilespmem:s8+$0x0] =	vst.add.f32.msk $0xffff, v0  }
0x6b: {  	[tilespmem:s11+$0x0] =	vst.add.f32.msk $0xffff, v2  }
0x6c: {  	s23 =	simm.s32 $0x0;
	s6 =	simm.s32 $0x8000;
	s4 =	rddreg [dreg:$0x8]  }
0x6d: {  	[hbm4b:s4+s23] =	stream.linear.scatter [tilespmem:s6], [sflag:$0x4], $0x4000, $0x38;
	[tilespmem:$0x1C000] =	vst v63  }
0x6e: {  	s7 =	simm.s32 $0x0;
	s26 =	simm.s32 $0x0;
	s24 =	rddreg [dreg:$0x9]  }
0x6f: {  	[tilespmem:s9], [sflag:$0x3] =	stream.strided.gather [hbm4b:s24+s31], $0x8000, s30, s31, $0x38;
	[tilespmem:$0x1C000] =	vst v63  }
0x70: {  	s7 =	sand.u32 $0x2000, s7;
	s25 =	sand.u32 $0x1C00, s23;
	_ =	swait.ge [sflag:s12], $0x8000  }
0x71: {  	s28 =	sand.u32 $0x380, s26;
	s7 =	sor.u32 s25, s7;
	[sflag:s12] =	ssyncset.done $0x0  }
0x72: {  	s7 =	sor.u32 s28, s7;
	[sflag:s12] =	ssyncadd.s32 $0xFFFF8000  }
0x73: {  	v0 =	vld [tilespmem:s7+$0x70]  }
0x74: {  	v5 =	vld [tilespmem:s7+$0x0]  }
0x75: {  	v6 =	vld [tilespmem:s7+$0x10]  }
0x76: {  	v4 =	vld [tilespmem:s7+$0x20]  }
0x77: {  	v1 =	vld [tilespmem:s7+$0x30]  }
0x78: {  	v3 =	vld [tilespmem:s7+$0x40]  }
0x79: {  	s8 =	sor.u32 $0xC070, s7;
	v2 =	vld [tilespmem:s7+$0x60]  }
0x7a: {  	[tilespmem:s8+$0x0] =	vst.add.f32.msk $0xffff, v0  }
0x7b: {  	s29 =	sor.u32 $0xC000, s7;
	s16 =	sor.u32 $0xC010, s7;
	v0 =	vld [tilespmem:s7+$0x50]  }
0x7c: {  	s22 =	sor.u32 $0xC020, s7;
	s26 =	sor.u32 $0xC030, s7;
	s25 =	sor.u32 $0xC040, s7;
	[tilespmem:s29+$0x0] =	vst.add.f32.msk $0xffff, v5  }
0x7d: {  	s11 =	sor.u32 $0xC060, s7;
	s24 =	simm.s32 $0x0;
	s8 =	sor.u32 $0xC050, s7;
	[tilespmem:s16+$0x0] =	vst.add.f32.msk $0xffff, v6  }
.LBB2_6:
0x7e: {  	s24 =	sadd.s32 $0x8, s24;
	[tilespmem:s22+$0x0] =	vst.add.f32.msk $0xffff, v4  }
0x7f: {  	s23 =	sadd.s32 $0x400, s23;
	s7 =	sshll.u32 s24, $0x4;
	p0 =	slt.u32 s24, $0x3F8;
	[tilespmem:s26+$0x0] =	vst.add.f32.msk $0xffff, v1  }
0x80: {  	s16 =	sand.u32 $0x1C00, s23;
	s22 =	sshll.u32 s24, $0x1;
	s7 =	sand.u32 $0x2000, s7;
	[tilespmem:s25+$0x0] =	vst.add.f32.msk $0xffff, v3  }
0x81: {  	s7 =	sor.u32 s16, s7;
	s16 =	sand.u32 $0x380, s22;
	[tilespmem:s8+$0x0] =	vst.add.f32.msk $0xffff, v0  }
0x82: {  	s7 =	sor.u32 s16, s7;
	[tilespmem:s11+$0x0] =	vst.add.f32.msk $0xffff, v2  }
0x83: {  	s16 =	sor.u32 $0xC000, s7;
	s28 =	sor.u32 $0xC010, s7;
	s22 =	sor.u32 $0xC020, s7;
	v0 =	vld [tilespmem:s7+$0x70]  }
0x84: {  	s26 =	sor.u32 $0xC030, s7;
	s25 =	sor.u32 $0xC040, s7;
	s8 =	sor.u32 $0xC050, s7;
	v5 =	vld [tilespmem:s7+$0x0]  }
0x85: {  	s11 =	sor.u32 $0xC060, s7;
	v6 =	vld [tilespmem:s7+$0x10]  }
0x86: {  	v4 =	vld [tilespmem:s7+$0x20]  }
0x87: {  	s29 =	sor.u32 $0xC070, s7;
	v1 =	vld [tilespmem:s7+$0x30]  }
0x88: {  	[tilespmem:s29+$0x0] =	vst.add.f32.msk $0xffff, v0  }
.Ltmp2:
0x89: {  	v3 =	vld [tilespmem:s7+$0x40];
	(pc) =	sbr.rel @p0 .LBB2_6-.Ltmp2, $4  }
0x8a: {  	v0 =	vld [tilespmem:s7+$0x50]  }
0x8b: {  	v2 =	vld [tilespmem:s7+$0x60]  }
0x8c: {  	[tilespmem:s16+$0x0] =	vst.add.f32.msk $0xffff, v5  }
0x8d: {  	[tilespmem:s28+$0x0] =	vst.add.f32.msk $0xffff, v6  }
0x8e: {  	[tilespmem:s22+$0x0] =	vst.add.f32.msk $0xffff, v4  }
0x8f: {  	[tilespmem:s26+$0x0] =	vst.add.f32.msk $0xffff, v1  }
0x90: {  	[tilespmem:s25+$0x0] =	vst.add.f32.msk $0xffff, v3;
	s23 =	simm.s32 $0x0;
	s7 =	simm.s32 $0x0  }
0x91: {  	s26 =	simm.s32 $0x0;
	[tilespmem:s8+$0x0] =	vst.add.f32.msk $0xffff, v0;
	s7 =	sand.u32 $0x2000, s7;
	s25 =	sand.u32 $0x1C00, s23  }
0x92: {  	[tilespmem:s11+$0x0] =	vst.add.f32.msk $0xffff, v2;
	s11 =	sand.u32 $0x380, s26;
	s7 =	sor.u32 s25, s7  }
0x93: {  	s4 =	rddreg [dreg:$0xa];
	s7 =	sor.u32 s11, s7  }
0x94: {  	[hbm4b:s4+s23] =	stream.linear.scatter [tilespmem:s0], [sflag:$0x5], $0x4000, $0x38;
	[tilespmem:$0x1C000] =	vst v63  }
0x95: {  	v0 =	vld [tilespmem:s7+$0x70]  }
0x96: {  	v5 =	vld [tilespmem:s7+$0x0]  }
0x97: {  	v6 =	vld [tilespmem:s7+$0x10]  }
0x98: {  	v4 =	vld [tilespmem:s7+$0x20]  }
0x99: {  	v1 =	vld [tilespmem:s7+$0x30]  }
0x9a: {  	v3 =	vld [tilespmem:s7+$0x40]  }
0x9b: {  	s28 =	sor.u32 $0x10070, s7;
	v2 =	vld [tilespmem:s7+$0x60]  }
0x9c: {  	[tilespmem:s28+$0x0] =	vst.add.f32.msk $0xffff, v0  }
0x9d: {  	s24 =	simm.s32 $0x0;
	s29 =	sor.u32 $0x10000, s7;
	v0 =	vld [tilespmem:s7+$0x50]  }
0x9e: {  	s16 =	sor.u32 $0x10010, s7;
	s22 =	sor.u32 $0x10020, s7;
	s26 =	sor.u32 $0x10030, s7;
	[tilespmem:s29+$0x0] =	vst.add.f32.msk $0xffff, v5  }
0x9f: {  	s25 =	sor.u32 $0x10040, s7;
	s8 =	sor.u32 $0x10050, s7;
	s11 =	sor.u32 $0x10060, s7;
	[tilespmem:s16+$0x0] =	vst.add.f32.msk $0xffff, v6  }
.LBB2_8:
0xa0: {  	s24 =	sadd.s32 $0x8, s24;
	[tilespmem:s22+$0x0] =	vst.add.f32.msk $0xffff, v4  }
0xa1: {  	s23 =	sadd.s32 $0x400, s23;
	s7 =	sshll.u32 s24, $0x4;
	p0 =	slt.u32 s24, $0x3F8;
	[tilespmem:s26+$0x0] =	vst.add.f32.msk $0xffff, v1  }
0xa2: {  	s16 =	sand.u32 $0x1C00, s23;
	s22 =	sshll.u32 s24, $0x1;
	s7 =	sand.u32 $0x2000, s7;
	[tilespmem:s25+$0x0] =	vst.add.f32.msk $0xffff, v3  }
0xa3: {  	s22 =	sand.u32 $0x380, s22;
	s7 =	sor.u32 s16, s7;
	[tilespmem:s8+$0x0] =	vst.add.f32.msk $0xffff, v0  }
0xa4: {  	s7 =	sor.u32 s22, s7;
	[tilespmem:s11+$0x0] =	vst.add.f32.msk $0xffff, v2  }
0xa5: {  	s16 =	sor.u32 $0x10000, s7;
	s28 =	sor.u32 $0x10010, s7;
	s22 =	sor.u32 $0x10020, s7;
	v0 =	vld [tilespmem:s7+$0x70]  }
0xa6: {  	s26 =	sor.u32 $0x10030, s7;
	s25 =	sor.u32 $0x10040, s7;
	s8 =	sor.u32 $0x10050, s7;
	v5 =	vld [tilespmem:s7+$0x0]  }
0xa7: {  	s11 =	sor.u32 $0x10060, s7;
	v6 =	vld [tilespmem:s7+$0x10]  }
0xa8: {  	v4 =	vld [tilespmem:s7+$0x20]  }
0xa9: {  	s29 =	sor.u32 $0x10070, s7;
	v1 =	vld [tilespmem:s7+$0x30]  }
0xaa: {  	[tilespmem:s29+$0x0] =	vst.add.f32.msk $0xffff, v0  }
.Ltmp3:
0xab: {  	v3 =	vld [tilespmem:s7+$0x40];
	(pc) =	sbr.rel @p0 .LBB2_8-.Ltmp3, $4  }
0xac: {  	v0 =	vld [tilespmem:s7+$0x50]  }
0xad: {  	v2 =	vld [tilespmem:s7+$0x60]  }
0xae: {  	[tilespmem:s16+$0x0] =	vst.add.f32.msk $0xffff, v5  }
0xaf: {  	[tilespmem:s28+$0x0] =	vst.add.f32.msk $0xffff, v6  }
0xb0: {  	[tilespmem:s22+$0x0] =	vst.add.f32.msk $0xffff, v4  }
0xb1: {  	[tilespmem:s26+$0x0] =	vst.add.f32.msk $0xffff, v1  }
0xb2: {  	[tilespmem:s25+$0x0] =	vst.add.f32.msk $0xffff, v3  }
0xb3: {  	[tilespmem:s8+$0x0] =	vst.add.f32.msk $0xffff, v0  }
0xb4: {  	[tilespmem:s11+$0x0] =	vst.add.f32.msk $0xffff, v2  }
0xb5: {  	s23 =	simm.s32 $0x0;
	s6 =	simm.s32 $0x10000;
	s4 =	rddreg [dreg:$0xb]  }
0xb6: {  	[hbm4b:s4+s23] =	stream.linear.scatter [tilespmem:s6], [sflag:$0x5], $0x4000, $0x38;
	[tilespmem:$0x1C000] =	vst v63  }
0xb7: {  	_ =	swait.ge [sflag:s14], $0x8000  }
0xb8: {  	s7 =	simm.s32 $0x0;
	[sflag:s14] =	ssyncset.done $0x0  }
0xb9: {  	s26 =	simm.s32 $0x0;
	s24 =	rddreg [dreg:$0xc];
	[sflag:s14] =	ssyncadd.s32 $0xFFFF8000  }
0xba: {  	[tilespmem:s31], [sflag:$0x1] =	stream.strided.gather [hbm4b:s24+s31], $0x8000, s30, s31, $0x38;
	[tilespmem:$0x1C000] =	vst v63  }
0xbb: {  	s7 =	sand.u32 $0x2000, s7;
	s25 =	sand.u32 $0x1C00, s23;
	_ =	swait.ge [sflag:s15], $0x8000  }
0xbc: {  	s28 =	sand.u32 $0x380, s26;
	s7 =	sor.u32 s25, s7;
	[sflag:s15] =	ssyncset.done $0x0  }
0xbd: {  	s7 =	sor.u32 s28, s7;
	[sflag:s15] =	ssyncadd.s32 $0xFFFF8000  }
0xbe: {  	v0 =	vld [tilespmem:s7+$0x70]  }
0xbf: {  	v5 =	vld [tilespmem:s7+$0x0]  }
0xc0: {  	v6 =	vld [tilespmem:s7+$0x10]  }
0xc1: {  	v4 =	vld [tilespmem:s7+$0x20]  }
0xc2: {  	v1 =	vld [tilespmem:s7+$0x30]  }
0xc3: {  	v3 =	vld [tilespmem:s7+$0x40]  }
0xc4: {  	s8 =	sor.u32 $0x14070, s7;
	v2 =	vld [tilespmem:s7+$0x60]  }
0xc5: {  	[tilespmem:s8+$0x0] =	vst.add.f32.msk $0xffff, v0  }
0xc6: {  	s29 =	sor.u32 $0x14000, s7;
	s16 =	sor.u32 $0x14010, s7;
	v0 =	vld [tilespmem:s7+$0x50]  }
0xc7: {  	s22 =	sor.u32 $0x14020, s7;
	s26 =	sor.u32 $0x14030, s7;
	s25 =	sor.u32 $0x14040, s7;
	[tilespmem:s29+$0x0] =	vst.add.f32.msk $0xffff, v5  }
0xc8: {  	s11 =	sor.u32 $0x14060, s7;
	s24 =	simm.s32 $0x0;
	s8 =	sor.u32 $0x14050, s7;
	[tilespmem:s16+$0x0] =	vst.add.f32.msk $0xffff, v6  }
.LBB2_10:
0xc9: {  	s24 =	sadd.s32 $0x8, s24;
	[tilespmem:s22+$0x0] =	vst.add.f32.msk $0xffff, v4  }
0xca: {  	s23 =	sadd.s32 $0x400, s23;
	s7 =	sshll.u32 s24, $0x4;
	p0 =	slt.u32 s24, $0x3F8;
	[tilespmem:s26+$0x0] =	vst.add.f32.msk $0xffff, v1  }
0xcb: {  	s16 =	sand.u32 $0x1C00, s23;
	s22 =	sshll.u32 s24, $0x1;
	s7 =	sand.u32 $0x2000, s7;
	[tilespmem:s25+$0x0] =	vst.add.f32.msk $0xffff, v3  }
0xcc: {  	s7 =	sor.u32 s16, s7;
	s16 =	sand.u32 $0x380, s22;
	[tilespmem:s8+$0x0] =	vst.add.f32.msk $0xffff, v0  }
0xcd: {  	s7 =	sor.u32 s16, s7;
	[tilespmem:s11+$0x0] =	vst.add.f32.msk $0xffff, v2  }
0xce: {  	s16 =	sor.u32 $0x14000, s7;
	s28 =	sor.u32 $0x14010, s7;
	s22 =	sor.u32 $0x14020, s7;
	v0 =	vld [tilespmem:s7+$0x70]  }
0xcf: {  	s26 =	sor.u32 $0x14030, s7;
	s25 =	sor.u32 $0x14040, s7;
	s8 =	sor.u32 $0x14050, s7;
	v5 =	vld [tilespmem:s7+$0x0]  }
0xd0: {  	s11 =	sor.u32 $0x14060, s7;
	v6 =	vld [tilespmem:s7+$0x10]  }
0xd1: {  	v4 =	vld [tilespmem:s7+$0x20]  }
0xd2: {  	s29 =	sor.u32 $0x14070, s7;
	v1 =	vld [tilespmem:s7+$0x30]  }
0xd3: {  	[tilespmem:s29+$0x0] =	vst.add.f32.msk $0xffff, v0  }
.Ltmp4:
0xd4: {  	v3 =	vld [tilespmem:s7+$0x40];
	(pc) =	sbr.rel @p0 .LBB2_10-.Ltmp4, $4  }
0xd5: {  	v0 =	vld [tilespmem:s7+$0x50]  }
0xd6: {  	v2 =	vld [tilespmem:s7+$0x60]  }
0xd7: {  	[tilespmem:s16+$0x0] =	vst.add.f32.msk $0xffff, v5  }
0xd8: {  	[tilespmem:s28+$0x0] =	vst.add.f32.msk $0xffff, v6  }
0xd9: {  	[tilespmem:s22+$0x0] =	vst.add.f32.msk $0xffff, v4  }
0xda: {  	[tilespmem:s26+$0x0] =	vst.add.f32.msk $0xffff, v1  }
0xdb: {  	[tilespmem:s25+$0x0] =	vst.add.f32.msk $0xffff, v3;
	s23 =	simm.s32 $0x0;
	s7 =	simm.s32 $0x0  }
0xdc: {  	s26 =	simm.s32 $0x0;
	[tilespmem:s8+$0x0] =	vst.add.f32.msk $0xffff, v0;
	s7 =	sand.u32 $0x2000, s7;
	s25 =	sand.u32 $0x1C00, s23  }
0xdd: {  	[tilespmem:s11+$0x0] =	vst.add.f32.msk $0xffff, v2;
	s11 =	sand.u32 $0x380, s26;
	s7 =	sor.u32 s25, s7  }
0xde: {  	s4 =	rddreg [dreg:$0xd];
	s7 =	sor.u32 s11, s7  }
0xdf: {  	[hbm4b:s4+s23] =	stream.linear.scatter [tilespmem:s9], [sflag:$0x6], $0x4000, $0x38;
	[tilespmem:$0x1C000] =	vst v63  }
0xe0: {  	v0 =	vld [tilespmem:s7+$0x70]  }
0xe1: {  	v5 =	vld [tilespmem:s7+$0x0]  }
0xe2: {  	v6 =	vld [tilespmem:s7+$0x10]  }
0xe3: {  	v4 =	vld [tilespmem:s7+$0x20]  }
0xe4: {  	v1 =	vld [tilespmem:s7+$0x30]  }
0xe5: {  	v3 =	vld [tilespmem:s7+$0x40]  }
0xe6: {  	s28 =	sor.u32 $0x18070, s7;
	v2 =	vld [tilespmem:s7+$0x60]  }
0xe7: {  	[tilespmem:s28+$0x0] =	vst.add.f32.msk $0xffff, v0  }
0xe8: {  	s24 =	simm.s32 $0x0;
	s29 =	sor.u32 $0x18000, s7;
	v0 =	vld [tilespmem:s7+$0x50]  }
0xe9: {  	s16 =	sor.u32 $0x18010, s7;
	s22 =	sor.u32 $0x18020, s7;
	s26 =	sor.u32 $0x18030, s7;
	[tilespmem:s29+$0x0] =	vst.add.f32.msk $0xffff, v5  }
0xea: {  	s25 =	sor.u32 $0x18040, s7;
	s8 =	sor.u32 $0x18050, s7;
	s11 =	sor.u32 $0x18060, s7;
	[tilespmem:s16+$0x0] =	vst.add.f32.msk $0xffff, v6  }
.LBB2_12:
0xeb: {  	s24 =	sadd.s32 $0x8, s24;
	[tilespmem:s22+$0x0] =	vst.add.f32.msk $0xffff, v4  }
0xec: {  	s23 =	sadd.s32 $0x400, s23;
	s7 =	sshll.u32 s24, $0x4;
	p0 =	slt.u32 s24, $0x3F8;
	[tilespmem:s26+$0x0] =	vst.add.f32.msk $0xffff, v1  }
0xed: {  	s16 =	sand.u32 $0x1C00, s23;
	s22 =	sshll.u32 s24, $0x1;
	s7 =	sand.u32 $0x2000, s7;
	[tilespmem:s25+$0x0] =	vst.add.f32.msk $0xffff, v3  }
0xee: {  	s22 =	sand.u32 $0x380, s22;
	s7 =	sor.u32 s16, s7;
	[tilespmem:s8+$0x0] =	vst.add.f32.msk $0xffff, v0  }
0xef: {  	s7 =	sor.u32 s22, s7;
	[tilespmem:s11+$0x0] =	vst.add.f32.msk $0xffff, v2  }
0xf0: {  	s16 =	sor.u32 $0x18000, s7;
	s28 =	sor.u32 $0x18010, s7;
	s22 =	sor.u32 $0x18020, s7;
	v0 =	vld [tilespmem:s7+$0x70]  }
0xf1: {  	s26 =	sor.u32 $0x18030, s7;
	s25 =	sor.u32 $0x18040, s7;
	s8 =	sor.u32 $0x18050, s7;
	v5 =	vld [tilespmem:s7+$0x0]  }
0xf2: {  	s11 =	sor.u32 $0x18060, s7;
	v6 =	vld [tilespmem:s7+$0x10]  }
0xf3: {  	v4 =	vld [tilespmem:s7+$0x20]  }
0xf4: {  	s29 =	sor.u32 $0x18070, s7;
	v1 =	vld [tilespmem:s7+$0x30]  }
0xf5: {  	[tilespmem:s29+$0x0] =	vst.add.f32.msk $0xffff, v0  }
.Ltmp5:
0xf6: {  	v3 =	vld [tilespmem:s7+$0x40];
	(pc) =	sbr.rel @p0 .LBB2_12-.Ltmp5, $4  }
0xf7: {  	v0 =	vld [tilespmem:s7+$0x50]  }
0xf8: {  	v2 =	vld [tilespmem:s7+$0x60]  }
0xf9: {  	[tilespmem:s16+$0x0] =	vst.add.f32.msk $0xffff, v5  }
0xfa: {  	[tilespmem:s28+$0x0] =	vst.add.f32.msk $0xffff, v6  }
0xfb: {  	[tilespmem:s22+$0x0] =	vst.add.f32.msk $0xffff, v4  }
0xfc: {  	[tilespmem:s26+$0x0] =	vst.add.f32.msk $0xffff, v1  }
0xfd: {  	[tilespmem:s25+$0x0] =	vst.add.f32.msk $0xffff, v3  }
0xfe: {  	[tilespmem:s8+$0x0] =	vst.add.f32.msk $0xffff, v0  }
0xff: {  	[tilespmem:s11+$0x0] =	vst.add.f32.msk $0xffff, v2  }
0x100: {  	s6 =	simm.s32 $0x18000;
	s23 =	simm.s32 $0x1;
	s4 =	rddreg [dreg:$0xe]  }
0x101: {  	[hbm4b:s4+s13] =	stream.linear.scatter [tilespmem:s6], [sflag:$0x6], $0x4000, $0x38;
	[tilespmem:$0x1C000] =	vst v63  }
.LBB2_14:
0x102: {  	s24 =	smul.u32 $0x6, s23  }
0x103: {  	s4 =	rddreg [dreg:$0xf]  }
0x104: {  	s7 =	sadd.s32 s24, s4  }
0x105: {  	s7 =	sshll.u32 s7, $0x11  }
0x106: {  	_ =	swait.ge [sflag:s17], $0x8000;
	s26 =	simm.s32 $0x0;
	s7 =	sor.u32 s5, s7  }
0x107: {  	s13 =	simm.s32 $0x0;
	[sflag:s17] =	ssyncset.done $0x0;
	s25 =	sshrl.u32 s7, $0x3  }
0x108: {  	s11 =	simm.s32 $0x0;
	[sflag:s17] =	ssyncadd.s32 $0xFFFF8000;
	s7 =	sadd.s32 s2, s25  }
0x109: {  	[tilespmem:s0], [sflag:$0x2] =	stream.strided.gather [hbm4b:s7+s31], $0x8000, s30, s31, $0x38;
	[tilespmem:$0x1C000] =	vst v63  }
0x10a: {  	s8 =	sand.u32 $0x1C00, s26;
	s7 =	sand.u32 $0x2000, s13;
	_ =	swait.ge [sflag:s1], $0x8000  }
0x10b: {  	s16 =	sand.u32 $0x380, s11;
	s7 =	sor.u32 s8, s7;
	[sflag:s1] =	ssyncset.done $0x0  }
0x10c: {  	s7 =	sor.u32 s16, s7;
	[sflag:s1] =	ssyncadd.s32 $0xFFFF8000  }
0x10d: {  	v0 =	vld [tilespmem:s7+$0x70]  }
0x10e: {  	v5 =	vld [tilespmem:s7+$0x0]  }
0x10f: {  	v6 =	vld [tilespmem:s7+$0x10]  }
0x110: {  	v4 =	vld [tilespmem:s7+$0x20]  }
0x111: {  	v2 =	vld [tilespmem:s7+$0x30]  }
0x112: {  	v3 =	vld [tilespmem:s7+$0x40]  }
0x113: {  	s8 =	sor.u32 $0x4070, s7;
	v1 =	vld [tilespmem:s7+$0x60]  }
0x114: {  	[tilespmem:s8+$0x0] =	vst.add.f32.msk $0xffff, v0  }
0x115: {  	s28 =	simm.s32 $0x0;
	s19 =	sor.u32 $0x4000, s7;
	v0 =	vld [tilespmem:s7+$0x50]  }
0x116: {  	s13 =	sor.u32 $0x4010, s7;
	s16 =	sor.u32 $0x4020, s7;
	s22 =	sor.u32 $0x4030, s7;
	[tilespmem:s19+$0x0] =	vst.add.f32.msk $0xffff, v5  }
0x117: {  	s29 =	sor.u32 $0x4040, s7;
	s11 =	sor.u32 $0x4050, s7;
	s8 =	sor.u32 $0x4060, s7;
	[tilespmem:s13+$0x0] =	vst.add.f32.msk $0xffff, v6  }
.LBB2_15:
0x118: {  	s28 =	sadd.s32 $0x8, s28;
	[tilespmem:s16+$0x0] =	vst.add.f32.msk $0xffff, v4  }
0x119: {  	s26 =	sadd.s32 $0x400, s26;
	s7 =	sshll.u32 s28, $0x4;
	p0 =	slt.u32 s28, $0x3F8;
	[tilespmem:s22+$0x0] =	vst.add.f32.msk $0xffff, v2  }
0x11a: {  	s13 =	sand.u32 $0x1C00, s26;
	s16 =	sshll.u32 s28, $0x1;
	s7 =	sand.u32 $0x2000, s7;
	[tilespmem:s29+$0x0] =	vst.add.f32.msk $0xffff, v3  }
0x11b: {  	s7 =	sor.u32 s13, s7;
	s13 =	sand.u32 $0x380, s16;
	[tilespmem:s11+$0x0] =	vst.add.f32.msk $0xffff, v0  }
0x11c: {  	s7 =	sor.u32 s13, s7;
	[tilespmem:s8+$0x0] =	vst.add.f32.msk $0xffff, v1  }
0x11d: {  	s13 =	sor.u32 $0x4000, s7;
	s4 =	sor.u32 $0x4010, s7;
	s16 =	sor.u32 $0x4020, s7;
	v0 =	vld [tilespmem:s7+$0x70]  }
0x11e: {  	s22 =	sor.u32 $0x4030, s7;
	s29 =	sor.u32 $0x4040, s7;
	s11 =	sor.u32 $0x4050, s7;
	v5 =	vld [tilespmem:s7+$0x0]  }
0x11f: {  	s8 =	sor.u32 $0x4060, s7;
	v6 =	vld [tilespmem:s7+$0x10]  }
0x120: {  	v4 =	vld [tilespmem:s7+$0x20]  }
0x121: {  	s6 =	sor.u32 $0x4070, s7;
	v2 =	vld [tilespmem:s7+$0x30]  }
0x122: {  	[tilespmem:s6+$0x0] =	vst.add.f32.msk $0xffff, v0  }
.Ltmp6:
0x123: {  	v3 =	vld [tilespmem:s7+$0x40];
	(pc) =	sbr.rel @p0 .LBB2_15-.Ltmp6, $4  }
0x124: {  	v0 =	vld [tilespmem:s7+$0x50]  }
0x125: {  	v1 =	vld [tilespmem:s7+$0x60]  }
0x126: {  	[tilespmem:s13+$0x0] =	vst.add.f32.msk $0xffff, v5  }
0x127: {  	[tilespmem:s4+$0x0] =	vst.add.f32.msk $0xffff, v6  }
0x128: {  	[tilespmem:s16+$0x0] =	vst.add.f32.msk $0xffff, v4;
	s4 =	sadd.s32 s21, s24  }
0x129: {  	[tilespmem:s22+$0x0] =	vst.add.f32.msk $0xffff, v2;
	s4 =	sshll.u32 s4, $0x11  }
0x12a: {  	[tilespmem:s29+$0x0] =	vst.add.f32.msk $0xffff, v3;
	s4 =	sor.u32 s5, s4  }
0x12b: {  	[tilespmem:s11+$0x0] =	vst.add.f32.msk $0xffff, v0;
	s26 =	sshrl.u32 s4, $0x3  }
0x12c: {  	s28 =	simm.s32 $0x0;
	s16 =	simm.s32 $0x0;
	[tilespmem:s8+$0x0] =	vst.add.f32.msk $0xffff, v1;
	s4 =	sadd.s32 s3, s26  }
0x12d: {  	[hbm4b:s4+s28] =	stream.linear.scatter [tilespmem:s31], [sflag:$0x4], $0x4000, $0x38;
	[tilespmem:$0x1C000] =	vst v63  }
0x12e: {  	s7 =	simm.s32 $0x0;
	s6 =	sand.u32 $0x1C00, s28;
	s4 =	sand.u32 $0x2000, s16  }
0x12f: {  	s7 =	sand.u32 $0x380, s7;
	s4 =	sor.u32 s6, s4  }
0x130: {  	s4 =	sor.u32 s7, s4  }
0x131: {  	v0 =	vld [tilespmem:s4+$0x70]  }
0x132: {  	v5 =	vld [tilespmem:s4+$0x0]  }
0x133: {  	v6 =	vld [tilespmem:s4+$0x10]  }
0x134: {  	v4 =	vld [tilespmem:s4+$0x20]  }
0x135: {  	v1 =	vld [tilespmem:s4+$0x30]  }
0x136: {  	v3 =	vld [tilespmem:s4+$0x40]  }
0x137: {  	s19 =	sor.u32 $0x8070, s4;
	v2 =	vld [tilespmem:s4+$0x60]  }
0x138: {  	[tilespmem:s19+$0x0] =	vst.add.f32.msk $0xffff, v0  }
0x139: {  	s8 =	simm.s32 $0x0;
	s22 =	sor.u32 $0x8000, s4;
	v0 =	vld [tilespmem:s4+$0x50]  }
0x13a: {  	s13 =	sor.u32 $0x8010, s4;
	s16 =	sor.u32 $0x8020, s4;
	s7 =	sor.u32 $0x8030, s4;
	[tilespmem:s22+$0x0] =	vst.add.f32.msk $0xffff, v5  }
0x13b: {  	s11 =	sor.u32 $0x8050, s4;
	s29 =	sor.u32 $0x8060, s4;
	s22 =	sor.u32 $0x8040, s4;
	[tilespmem:s13+$0x0] =	vst.add.f32.msk $0xffff, v6  }
.LBB2_17:
0x13c: {  	s8 =	sadd.s32 $0x8, s8;
	[tilespmem:s16+$0x0] =	vst.add.f32.msk $0xffff, v4  }
0x13d: {  	s28 =	sadd.s32 $0x400, s28;
	s4 =	sshll.u32 s8, $0x4;
	p0 =	slt.u32 s8, $0x3F8;
	[tilespmem:s7+$0x0] =	vst.add.f32.msk $0xffff, v1  }
0x13e: {  	s6 =	sand.u32 $0x1C00, s28;
	s7 =	sshll.u32 s8, $0x1;
	s4 =	sand.u32 $0x2000, s4;
	[tilespmem:s22+$0x0] =	vst.add.f32.msk $0xffff, v3  }
0x13f: {  	s7 =	sand.u32 $0x380, s7;
	s4 =	sor.u32 s6, s4;
	[tilespmem:s11+$0x0] =	vst.add.f32.msk $0xffff, v0  }
0x140: {  	s4 =	sor.u32 s7, s4;
	[tilespmem:s29+$0x0] =	vst.add.f32.msk $0xffff, v2  }
0x141: {  	s6 =	sor.u32 $0x8000, s4;
	s13 =	sor.u32 $0x8010, s4;
	s16 =	sor.u32 $0x8020, s4;
	v0 =	vld [tilespmem:s4+$0x70]  }
0x142: {  	s7 =	sor.u32 $0x8030, s4;
	s22 =	sor.u32 $0x8040, s4;
	s11 =	sor.u32 $0x8050, s4;
	v5 =	vld [tilespmem:s4+$0x0]  }
0x143: {  	s29 =	sor.u32 $0x8060, s4;
	v6 =	vld [tilespmem:s4+$0x10]  }
0x144: {  	v4 =	vld [tilespmem:s4+$0x20]  }
0x145: {  	s19 =	sor.u32 $0x8070, s4;
	v1 =	vld [tilespmem:s4+$0x30]  }
0x146: {  	[tilespmem:s19+$0x0] =	vst.add.f32.msk $0xffff, v0  }
.Ltmp7:
0x147: {  	v3 =	vld [tilespmem:s4+$0x40];
	(pc) =	sbr.rel @p0 .LBB2_17-.Ltmp7, $4  }
0x148: {  	v0 =	vld [tilespmem:s4+$0x50]  }
0x149: {  	v2 =	vld [tilespmem:s4+$0x60]  }
0x14a: {  	[tilespmem:s6+$0x0] =	vst.add.f32.msk $0xffff, v5  }
0x14b: {  	[tilespmem:s13+$0x0] =	vst.add.f32.msk $0xffff, v6  }
0x14c: {  	[tilespmem:s16+$0x0] =	vst.add.f32.msk $0xffff, v4  }
0x14d: {  	[tilespmem:s7+$0x0] =	vst.add.f32.msk $0xffff, v1  }
0x14e: {  	[tilespmem:s22+$0x0] =	vst.add.f32.msk $0xffff, v3  }
0x14f: {  	[tilespmem:s11+$0x0] =	vst.add.f32.msk $0xffff, v0  }
0x150: {  	s4 =	sadd.s32 s26, s10;
	s28 =	simm.s32 $0x0;
	s6 =	simm.s32 $0x8000;
	[tilespmem:s29+$0x0] =	vst.add.f32.msk $0xffff, v2  }
0x151: {  	[hbm4b:s4+s28] =	stream.linear.scatter [tilespmem:s6], [sflag:$0x4], $0x4000, $0x38;
	[tilespmem:$0x1C000] =	vst v63  }
0x152: {  	s8 =	rddreg [dreg:$0x10]  }
0x153: {  	s4 =	sadd.s32 s24, s8  }
0x154: {  	s4 =	sshll.u32 s4, $0x11  }
0x155: {  	_ =	swait.ge [sflag:s18], $0x8000;
	s4 =	sor.u32 s5, s4  }
0x156: {  	s16 =	simm.s32 $0x0;
	[sflag:s18] =	ssyncset.done $0x0;
	s26 =	sshrl.u32 s4, $0x3  }
0x157: {  	s11 =	simm.s32 $0x0;
	[sflag:s18] =	ssyncadd.s32 $0xFFFF8000;
	s4 =	sadd.s32 s2, s26  }
0x158: {  	[tilespmem:s9], [sflag:$0x3] =	stream.strided.gather [hbm4b:s4+s31], $0x8000, s30, s31, $0x38;
	[tilespmem:$0x1C000] =	vst v63  }
0x159: {  	s13 =	sand.u32 $0x1C00, s28;
	s4 =	sand.u32 $0x2000, s11;
	_ =	swait.ge [sflag:s12], $0x8000  }
0x15a: {  	s19 =	sand.u32 $0x380, s16;
	s4 =	sor.u32 s13, s4;
	[sflag:s12] =	ssyncset.done $0x0  }
0x15b: {  	s4 =	sor.u32 s19, s4;
	[sflag:s12] =	ssyncadd.s32 $0xFFFF8000  }
0x15c: {  	v0 =	vld [tilespmem:s4+$0x70]  }
0x15d: {  	v5 =	vld [tilespmem:s4+$0x0]  }
0x15e: {  	v6 =	vld [tilespmem:s4+$0x10]  }
0x15f: {  	v4 =	vld [tilespmem:s4+$0x20]  }
0x160: {  	v1 =	vld [tilespmem:s4+$0x30]  }
0x161: {  	v3 =	vld [tilespmem:s4+$0x40]  }
0x162: {  	s6 =	sor.u32 $0xC070, s4;
	v2 =	vld [tilespmem:s4+$0x60]  }
0x163: {  	[tilespmem:s6+$0x0] =	vst.add.f32.msk $0xffff, v0  }
0x164: {  	s8 =	simm.s32 $0x0;
	s22 =	sor.u32 $0xC000, s4;
	v0 =	vld [tilespmem:s4+$0x50]  }
0x165: {  	s13 =	sor.u32 $0xC010, s4;
	s7 =	sor.u32 $0xC020, s4;
	s16 =	sor.u32 $0xC030, s4;
	[tilespmem:s22+$0x0] =	vst.add.f32.msk $0xffff, v5  }
0x166: {  	s11 =	sor.u32 $0xC050, s4;
	s29 =	sor.u32 $0xC060, s4;
	s22 =	sor.u32 $0xC040, s4;
	[tilespmem:s13+$0x0] =	vst.add.f32.msk $0xffff, v6  }
.LBB2_19:
0x167: {  	s8 =	sadd.s32 $0x8, s8;
	[tilespmem:s7+$0x0] =	vst.add.f32.msk $0xffff, v4  }
0x168: {  	s28 =	sadd.s32 $0x400, s28;
	s4 =	sshll.u32 s8, $0x4;
	p0 =	slt.u32 s8, $0x3F8;
	[tilespmem:s16+$0x0] =	vst.add.f32.msk $0xffff, v1  }
0x169: {  	s6 =	sand.u32 $0x1C00, s28;
	s7 =	sshll.u32 s8, $0x1;
	s4 =	sand.u32 $0x2000, s4;
	[tilespmem:s22+$0x0] =	vst.add.f32.msk $0xffff, v3  }
0x16a: {  	s4 =	sor.u32 s6, s4;
	s6 =	sand.u32 $0x380, s7;
	[tilespmem:s11+$0x0] =	vst.add.f32.msk $0xffff, v0  }
0x16b: {  	s4 =	sor.u32 s6, s4;
	[tilespmem:s29+$0x0] =	vst.add.f32.msk $0xffff, v2  }
0x16c: {  	s6 =	sor.u32 $0xC000, s4;
	s13 =	sor.u32 $0xC010, s4;
	s7 =	sor.u32 $0xC020, s4;
	v0 =	vld [tilespmem:s4+$0x70]  }
0x16d: {  	s16 =	sor.u32 $0xC030, s4;
	s22 =	sor.u32 $0xC040, s4;
	s11 =	sor.u32 $0xC050, s4;
	v5 =	vld [tilespmem:s4+$0x0]  }
0x16e: {  	s29 =	sor.u32 $0xC060, s4;
	v6 =	vld [tilespmem:s4+$0x10]  }
0x16f: {  	v4 =	vld [tilespmem:s4+$0x20]  }
0x170: {  	s19 =	sor.u32 $0xC070, s4;
	v1 =	vld [tilespmem:s4+$0x30]  }
0x171: {  	[tilespmem:s19+$0x0] =	vst.add.f32.msk $0xffff, v0  }
.Ltmp8:
0x172: {  	v3 =	vld [tilespmem:s4+$0x40];
	(pc) =	sbr.rel @p0 .LBB2_19-.Ltmp8, $4  }
0x173: {  	v0 =	vld [tilespmem:s4+$0x50]  }
0x174: {  	v2 =	vld [tilespmem:s4+$0x60]  }
0x175: {  	[tilespmem:s6+$0x0] =	vst.add.f32.msk $0xffff, v5  }
0x176: {  	[tilespmem:s13+$0x0] =	vst.add.f32.msk $0xffff, v6  }
0x177: {  	[tilespmem:s7+$0x0] =	vst.add.f32.msk $0xffff, v4  }
0x178: {  	[tilespmem:s16+$0x0] =	vst.add.f32.msk $0xffff, v1  }
0x179: {  	[tilespmem:s22+$0x0] =	vst.add.f32.msk $0xffff, v3  }
0x17a: {  	[tilespmem:s11+$0x0] =	vst.add.f32.msk $0xffff, v0  }
0x17b: {  	s4 =	sadd.s32 s3, s25;
	s28 =	simm.s32 $0x0;
	s13 =	simm.s32 $0x0;
	[tilespmem:s29+$0x0] =	vst.add.f32.msk $0xffff, v2  }
0x17c: {  	[hbm4b:s4+s28] =	stream.linear.scatter [tilespmem:s0], [sflag:$0x5], $0x4000, $0x38;
	[tilespmem:$0x1C000] =	vst v63  }
0x17d: {  	s16 =	simm.s32 $0x0;
	s6 =	sand.u32 $0x1C00, s28;
	s4 =	sand.u32 $0x2000, s13  }
0x17e: {  	s7 =	sand.u32 $0x380, s16;
	s4 =	sor.u32 s6, s4  }
0x17f: {  	s4 =	sor.u32 s7, s4  }
0x180: {  	v0 =	vld [tilespmem:s4+$0x70]  }
0x181: {  	v5 =	vld [tilespmem:s4+$0x0]  }
0x182: {  	v6 =	vld [tilespmem:s4+$0x10]  }
0x183: {  	v4 =	vld [tilespmem:s4+$0x20]  }
0x184: {  	v1 =	vld [tilespmem:s4+$0x30]  }
0x185: {  	v3 =	vld [tilespmem:s4+$0x40]  }
0x186: {  	s19 =	sor.u32 $0x10070, s4;
	v2 =	vld [tilespmem:s4+$0x60]  }
0x187: {  	[tilespmem:s19+$0x0] =	vst.add.f32.msk $0xffff, v0  }
0x188: {  	s8 =	simm.s32 $0x0;
	s22 =	sor.u32 $0x10000, s4;
	v0 =	vld [tilespmem:s4+$0x50]  }
0x189: {  	s13 =	sor.u32 $0x10010, s4;
	s7 =	sor.u32 $0x10020, s4;
	s16 =	sor.u32 $0x10030, s4;
	[tilespmem:s22+$0x0] =	vst.add.f32.msk $0xffff, v5  }
0x18a: {  	s11 =	sor.u32 $0x10050, s4;
	s29 =	sor.u32 $0x10060, s4;
	s22 =	sor.u32 $0x10040, s4;
	[tilespmem:s13+$0x0] =	vst.add.f32.msk $0xffff, v6  }
.LBB2_21:
0x18b: {  	s8 =	sadd.s32 $0x8, s8;
	[tilespmem:s7+$0x0] =	vst.add.f32.msk $0xffff, v4  }
0x18c: {  	s28 =	sadd.s32 $0x400, s28;
	s4 =	sshll.u32 s8, $0x4;
	p0 =	slt.u32 s8, $0x3F8;
	[tilespmem:s16+$0x0] =	vst.add.f32.msk $0xffff, v1  }
0x18d: {  	s6 =	sand.u32 $0x1C00, s28;
	s7 =	sshll.u32 s8, $0x1;
	s4 =	sand.u32 $0x2000, s4;
	[tilespmem:s22+$0x0] =	vst.add.f32.msk $0xffff, v3  }
0x18e: {  	s7 =	sand.u32 $0x380, s7;
	s4 =	sor.u32 s6, s4;
	[tilespmem:s11+$0x0] =	vst.add.f32.msk $0xffff, v0  }
0x18f: {  	s4 =	sor.u32 s7, s4;
	[tilespmem:s29+$0x0] =	vst.add.f32.msk $0xffff, v2  }
0x190: {  	s6 =	sor.u32 $0x10000, s4;
	s13 =	sor.u32 $0x10010, s4;
	s7 =	sor.u32 $0x10020, s4;
	v0 =	vld [tilespmem:s4+$0x70]  }
0x191: {  	s16 =	sor.u32 $0x10030, s4;
	s22 =	sor.u32 $0x10040, s4;
	s11 =	sor.u32 $0x10050, s4;
	v5 =	vld [tilespmem:s4+$0x0]  }
0x192: {  	s29 =	sor.u32 $0x10060, s4;
	v6 =	vld [tilespmem:s4+$0x10]  }
0x193: {  	v4 =	vld [tilespmem:s4+$0x20]  }
0x194: {  	s19 =	sor.u32 $0x10070, s4;
	v1 =	vld [tilespmem:s4+$0x30]  }
0x195: {  	[tilespmem:s19+$0x0] =	vst.add.f32.msk $0xffff, v0  }
.Ltmp9:
0x196: {  	v3 =	vld [tilespmem:s4+$0x40];
	(pc) =	sbr.rel @p0 .LBB2_21-.Ltmp9, $4  }
0x197: {  	v0 =	vld [tilespmem:s4+$0x50]  }
0x198: {  	v2 =	vld [tilespmem:s4+$0x60]  }
0x199: {  	[tilespmem:s6+$0x0] =	vst.add.f32.msk $0xffff, v5  }
0x19a: {  	[tilespmem:s13+$0x0] =	vst.add.f32.msk $0xffff, v6  }
0x19b: {  	[tilespmem:s7+$0x0] =	vst.add.f32.msk $0xffff, v4  }
0x19c: {  	[tilespmem:s16+$0x0] =	vst.add.f32.msk $0xffff, v1  }
0x19d: {  	[tilespmem:s22+$0x0] =	vst.add.f32.msk $0xffff, v3  }
0x19e: {  	[tilespmem:s11+$0x0] =	vst.add.f32.msk $0xffff, v0  }
0x19f: {  	s4 =	sadd.s32 s25, s10;
	s25 =	simm.s32 $0x0;
	s6 =	simm.s32 $0x10000;
	[tilespmem:s29+$0x0] =	vst.add.f32.msk $0xffff, v2  }
0x1a0: {  	[hbm4b:s4+s25] =	stream.linear.scatter [tilespmem:s6], [sflag:$0x5], $0x4000, $0x38;
	[tilespmem:$0x1C000] =	vst v63  }
0x1a1: {  	s16 =	rddreg [dreg:$0x11]  }
0x1a2: {  	s4 =	sadd.s32 s24, s16  }
0x1a3: {  	s4 =	sshll.u32 s4, $0x11  }
0x1a4: {  	_ =	swait.ge [sflag:s14], $0x8000;
	s4 =	sor.u32 s5, s4  }
0x1a5: {  	s19 =	simm.s32 $0x0;
	[sflag:s14] =	ssyncset.done $0x0;
	s4 =	sshrl.u32 s4, $0x3  }
0x1a6: {  	s22 =	sand.u32 $0x1C00, s25;
	[sflag:s14] =	ssyncadd.s32 $0xFFFF8000;
	s4 =	sadd.s32 s2, s4  }
0x1a7: {  	[tilespmem:s31], [sflag:$0x1] =	stream.strided.gather [hbm4b:s4+s31], $0x8000, s30, s31, $0x38;
	[tilespmem:$0x1C000] =	vst v63  }
0x1a8: {  	s24 =	simm.s32 $0x0;
	s4 =	sand.u32 $0x2000, s19;
	_ =	swait.ge [sflag:s15], $0x8000  }
0x1a9: {  	s28 =	sand.u32 $0x380, s24;
	s4 =	sor.u32 s22, s4;
	[sflag:s15] =	ssyncset.done $0x0  }
0x1aa: {  	s4 =	sor.u32 s28, s4;
	[sflag:s15] =	ssyncadd.s32 $0xFFFF8000  }
0x1ab: {  	v0 =	vld [tilespmem:s4+$0x70]  }
0x1ac: {  	v5 =	vld [tilespmem:s4+$0x0]  }
0x1ad: {  	v6 =	vld [tilespmem:s4+$0x10]  }
0x1ae: {  	v4 =	vld [tilespmem:s4+$0x20]  }
0x1af: {  	v1 =	vld [tilespmem:s4+$0x30]  }
0x1b0: {  	v3 =	vld [tilespmem:s4+$0x40]  }
0x1b1: {  	s6 =	sor.u32 $0x14070, s4;
	v2 =	vld [tilespmem:s4+$0x60]  }
0x1b2: {  	[tilespmem:s6+$0x0] =	vst.add.f32.msk $0xffff, v0  }
0x1b3: {  	s8 =	simm.s32 $0x0;
	s29 =	sor.u32 $0x14000, s4;
	v0 =	vld [tilespmem:s4+$0x50]  }
0x1b4: {  	s13 =	sor.u32 $0x14010, s4;
	s7 =	sor.u32 $0x14020, s4;
	s16 =	sor.u32 $0x14030, s4;
	[tilespmem:s29+$0x0] =	vst.add.f32.msk $0xffff, v5  }
0x1b5: {  	s22 =	sor.u32 $0x14040, s4;
	s11 =	sor.u32 $0x14050, s4;
	s24 =	sor.u32 $0x14060, s4;
	[tilespmem:s13+$0x0] =	vst.add.f32.msk $0xffff, v6  }
.LBB2_23:
0x1b6: {  	s8 =	sadd.s32 $0x8, s8;
	[tilespmem:s7+$0x0] =	vst.add.f32.msk $0xffff, v4  }
0x1b7: {  	s25 =	sadd.s32 $0x400, s25;
	s4 =	sshll.u32 s8, $0x4;
	p0 =	slt.u32 s8, $0x3F8;
	[tilespmem:s16+$0x0] =	vst.add.f32.msk $0xffff, v1  }
0x1b8: {  	s6 =	sand.u32 $0x1C00, s25;
	s7 =	sshll.u32 s8, $0x1;
	s4 =	sand.u32 $0x2000, s4;
	[tilespmem:s22+$0x0] =	vst.add.f32.msk $0xffff, v3  }
0x1b9: {  	s4 =	sor.u32 s6, s4;
	s6 =	sand.u32 $0x380, s7;
	[tilespmem:s11+$0x0] =	vst.add.f32.msk $0xffff, v0  }
0x1ba: {  	s4 =	sor.u32 s6, s4;
	[tilespmem:s24+$0x0] =	vst.add.f32.msk $0xffff, v2  }
0x1bb: {  	s6 =	sor.u32 $0x14000, s4;
	s13 =	sor.u32 $0x14010, s4;
	s7 =	sor.u32 $0x14020, s4;
	v0 =	vld [tilespmem:s4+$0x70]  }
0x1bc: {  	s16 =	sor.u32 $0x14030, s4;
	s22 =	sor.u32 $0x14040, s4;
	s11 =	sor.u32 $0x14050, s4;
	v5 =	vld [tilespmem:s4+$0x0]  }
0x1bd: {  	s24 =	sor.u32 $0x14060, s4;
	v6 =	vld [tilespmem:s4+$0x10]  }
0x1be: {  	v4 =	vld [tilespmem:s4+$0x20]  }
0x1bf: {  	s19 =	sor.u32 $0x14070, s4;
	v1 =	vld [tilespmem:s4+$0x30]  }
0x1c0: {  	[tilespmem:s19+$0x0] =	vst.add.f32.msk $0xffff, v0  }
.Ltmp10:
0x1c1: {  	v3 =	vld [tilespmem:s4+$0x40];
	(pc) =	sbr.rel @p0 .LBB2_23-.Ltmp10, $4  }
0x1c2: {  	v0 =	vld [tilespmem:s4+$0x50]  }
0x1c3: {  	v2 =	vld [tilespmem:s4+$0x60]  }
0x1c4: {  	[tilespmem:s6+$0x0] =	vst.add.f32.msk $0xffff, v5  }
0x1c5: {  	[tilespmem:s13+$0x0] =	vst.add.f32.msk $0xffff, v6  }
0x1c6: {  	[tilespmem:s7+$0x0] =	vst.add.f32.msk $0xffff, v4  }
0x1c7: {  	[tilespmem:s16+$0x0] =	vst.add.f32.msk $0xffff, v1  }
0x1c8: {  	[tilespmem:s22+$0x0] =	vst.add.f32.msk $0xffff, v3  }
0x1c9: {  	[tilespmem:s11+$0x0] =	vst.add.f32.msk $0xffff, v0  }
0x1ca: {  	s4 =	sadd.s32 s3, s26;
	s22 =	simm.s32 $0x0;
	[tilespmem:s24+$0x0] =	vst.add.f32.msk $0xffff, v2;
	s24 =	simm.s32 $0x0  }
0x1cb: {  	[hbm4b:s4+s24] =	stream.linear.scatter [tilespmem:s9], [sflag:$0x6], $0x4000, $0x38;
	[tilespmem:$0x1C000] =	vst v63  }
0x1cc: {  	s25 =	simm.s32 $0x0;
	s4 =	sand.u32 $0x2000, s22;
	s6 =	sand.u32 $0x1C00, s24  }
0x1cd: {  	s7 =	sand.u32 $0x380, s25;
	s4 =	sor.u32 s6, s4  }
0x1ce: {  	s4 =	sor.u32 s7, s4  }
0x1cf: {  	v0 =	vld [tilespmem:s4+$0x70]  }
0x1d0: {  	v5 =	vld [tilespmem:s4+$0x0]  }
0x1d1: {  	v6 =	vld [tilespmem:s4+$0x10]  }
0x1d2: {  	v4 =	vld [tilespmem:s4+$0x20]  }
0x1d3: {  	v1 =	vld [tilespmem:s4+$0x30]  }
0x1d4: {  	v3 =	vld [tilespmem:s4+$0x40]  }
0x1d5: {  	s28 =	sor.u32 $0x18070, s4;
	v2 =	vld [tilespmem:s4+$0x60]  }
0x1d6: {  	[tilespmem:s28+$0x0] =	vst.add.f32.msk $0xffff, v0  }
0x1d7: {  	s8 =	simm.s32 $0x0;
	s29 =	sor.u32 $0x18000, s4;
	v0 =	vld [tilespmem:s4+$0x50]  }
0x1d8: {  	s13 =	sor.u32 $0x18010, s4;
	s7 =	sor.u32 $0x18020, s4;
	s16 =	sor.u32 $0x18030, s4;
	[tilespmem:s29+$0x0] =	vst.add.f32.msk $0xffff, v5  }
0x1d9: {  	s22 =	sor.u32 $0x18040, s4;
	s11 =	sor.u32 $0x18050, s4;
	s25 =	sor.u32 $0x18060, s4;
	[tilespmem:s13+$0x0] =	vst.add.f32.msk $0xffff, v6  }
.LBB2_25:
0x1da: {  	s8 =	sadd.s32 $0x8, s8;
	[tilespmem:s7+$0x0] =	vst.add.f32.msk $0xffff, v4  }
0x1db: {  	s24 =	sadd.s32 $0x400, s24;
	s4 =	sshll.u32 s8, $0x4;
	p0 =	slt.u32 s8, $0x3F8;
	[tilespmem:s16+$0x0] =	vst.add.f32.msk $0xffff, v1  }
0x1dc: {  	s6 =	sand.u32 $0x1C00, s24;
	s7 =	sshll.u32 s8, $0x1;
	s4 =	sand.u32 $0x2000, s4;
	[tilespmem:s22+$0x0] =	vst.add.f32.msk $0xffff, v3  }
0x1dd: {  	s7 =	sand.u32 $0x380, s7;
	s4 =	sor.u32 s6, s4;
	[tilespmem:s11+$0x0] =	vst.add.f32.msk $0xffff, v0  }
0x1de: {  	s4 =	sor.u32 s7, s4;
	[tilespmem:s25+$0x0] =	vst.add.f32.msk $0xffff, v2  }
0x1df: {  	s6 =	sor.u32 $0x18000, s4;
	s13 =	sor.u32 $0x18010, s4;
	s7 =	sor.u32 $0x18020, s4;
	v0 =	vld [tilespmem:s4+$0x70]  }
0x1e0: {  	s16 =	sor.u32 $0x18030, s4;
	s22 =	sor.u32 $0x18040, s4;
	s11 =	sor.u32 $0x18050, s4;
	v5 =	vld [tilespmem:s4+$0x0]  }
0x1e1: {  	s25 =	sor.u32 $0x18060, s4;
	v6 =	vld [tilespmem:s4+$0x10]  }
0x1e2: {  	v4 =	vld [tilespmem:s4+$0x20]  }
0x1e3: {  	s19 =	sor.u32 $0x18070, s4;
	v1 =	vld [tilespmem:s4+$0x30]  }
0x1e4: {  	[tilespmem:s19+$0x0] =	vst.add.f32.msk $0xffff, v0  }
.Ltmp11:
0x1e5: {  	v3 =	vld [tilespmem:s4+$0x40];
	(pc) =	sbr.rel @p0 .LBB2_25-.Ltmp11, $4  }
0x1e6: {  	v0 =	vld [tilespmem:s4+$0x50]  }
0x1e7: {  	v2 =	vld [tilespmem:s4+$0x60]  }
0x1e8: {  	[tilespmem:s6+$0x0] =	vst.add.f32.msk $0xffff, v5  }
0x1e9: {  	[tilespmem:s13+$0x0] =	vst.add.f32.msk $0xffff, v6  }
0x1ea: {  	s23 =	sadd.s32 $0x1, s23  }
0x1eb: {  	[tilespmem:s7+$0x0] =	vst.add.f32.msk $0xffff, v4;
	p0 =	sne.s32 s23, $0xA  }
.Ltmp12:
0x1ec: {  	[tilespmem:s16+$0x0] =	vst.add.f32.msk $0xffff, v1;
	(pc) =	sbr.rel @p0 .LBB2_14-.Ltmp12, $4  }
0x1ed: {  	[tilespmem:s22+$0x0] =	vst.add.f32.msk $0xffff, v3  }
0x1ee: {  	[tilespmem:s11+$0x0] =	vst.add.f32.msk $0xffff, v0  }
0x1ef: {  	s4 =	sadd.s32 s26, s10;
	s6 =	simm.s32 $0x18000;
	[tilespmem:s25+$0x0] =	vst.add.f32.msk $0xffff, v2  }
0x1f0: {  	[hbm4b:s4+s20] =	stream.linear.scatter [tilespmem:s6], [sflag:$0x6], $0x4000, $0x38;
	[tilespmem:$0x1C000] =	vst v63  }
0x1f1: {  	_ =	swait.ge [sflag:s17], $0x8000  }
0x1f2: {  	s23 =	simm.s32 $0x0;
	s26 =	simm.s32 $0x0;
	[sflag:s17] =	ssyncset.done $0x0  }
0x1f3: {  	s7 =	simm.s32 $0x0;
	s4 =	rddreg [dreg:$0x12];
	[sflag:s17] =	ssyncadd.s32 $0xFFFF8000  }
0x1f4: {  	[tilespmem:s0], [sflag:$0x2] =	stream.strided.gather [hbm4b:s4+s31], $0x8000, s30, s31, $0x38;
	[tilespmem:$0x1C000] =	vst v63  }
0x1f5: {  	s6 =	sand.u32 $0x1C00, s23;
	s4 =	sand.u32 $0x2000, s26;
	_ =	swait.ge [sflag:s1], $0x8000  }
0x1f6: {  	s28 =	sand.u32 $0x380, s7;
	s4 =	sor.u32 s6, s4;
	[sflag:s1] =	ssyncset.done $0x0  }
0x1f7: {  	s4 =	sor.u32 s28, s4;
	[sflag:s1] =	ssyncadd.s32 $0xFFFF8000  }
0x1f8: {  	v0 =	vld [tilespmem:s4+$0x70]  }
0x1f9: {  	v5 =	vld [tilespmem:s4+$0x0]  }
0x1fa: {  	v6 =	vld [tilespmem:s4+$0x10]  }
0x1fb: {  	v4 =	vld [tilespmem:s4+$0x20]  }
0x1fc: {  	v1 =	vld [tilespmem:s4+$0x30]  }
0x1fd: {  	v3 =	vld [tilespmem:s4+$0x40]  }
0x1fe: {  	s6 =	sor.u32 $0x4070, s4;
	v2 =	vld [tilespmem:s4+$0x60]  }
0x1ff: {  	[tilespmem:s6+$0x0] =	vst.add.f32.msk $0xffff, v0  }
0x200: {  	s8 =	simm.s32 $0x0;
	s29 =	sor.u32 $0x4000, s4;
	v0 =	vld [tilespmem:s4+$0x50]  }
0x201: {  	s13 =	sor.u32 $0x4010, s4;
	s7 =	sor.u32 $0x4020, s4;
	s16 =	sor.u32 $0x4030, s4;
	[tilespmem:s29+$0x0] =	vst.add.f32.msk $0xffff, v5  }
0x202: {  	s22 =	sor.u32 $0x4040, s4;
	s11 =	sor.u32 $0x4050, s4;
	s24 =	sor.u32 $0x4060, s4;
	[tilespmem:s13+$0x0] =	vst.add.f32.msk $0xffff, v6  }
.LBB2_28:
0x203: {  	s8 =	sadd.s32 $0x8, s8;
	[tilespmem:s7+$0x0] =	vst.add.f32.msk $0xffff, v4  }
0x204: {  	s23 =	sadd.s32 $0x400, s23;
	s4 =	sshll.u32 s8, $0x4;
	p0 =	slt.u32 s8, $0x3F8;
	[tilespmem:s16+$0x0] =	vst.add.f32.msk $0xffff, v1  }
0x205: {  	s6 =	sand.u32 $0x1C00, s23;
	s7 =	sshll.u32 s8, $0x1;
	s4 =	sand.u32 $0x2000, s4;
	[tilespmem:s22+$0x0] =	vst.add.f32.msk $0xffff, v3  }
0x206: {  	s4 =	sor.u32 s6, s4;
	s6 =	sand.u32 $0x380, s7;
	[tilespmem:s11+$0x0] =	vst.add.f32.msk $0xffff, v0  }
0x207: {  	s4 =	sor.u32 s6, s4;
	[tilespmem:s24+$0x0] =	vst.add.f32.msk $0xffff, v2  }
0x208: {  	s6 =	sor.u32 $0x4000, s4;
	s13 =	sor.u32 $0x4010, s4;
	s7 =	sor.u32 $0x4020, s4;
	v0 =	vld [tilespmem:s4+$0x70]  }
0x209: {  	s16 =	sor.u32 $0x4030, s4;
	s22 =	sor.u32 $0x4040, s4;
	s11 =	sor.u32 $0x4050, s4;
	v5 =	vld [tilespmem:s4+$0x0]  }
0x20a: {  	s24 =	sor.u32 $0x4060, s4;
	v6 =	vld [tilespmem:s4+$0x10]  }
0x20b: {  	v4 =	vld [tilespmem:s4+$0x20]  }
0x20c: {  	s19 =	sor.u32 $0x4070, s4;
	v1 =	vld [tilespmem:s4+$0x30]  }
0x20d: {  	[tilespmem:s19+$0x0] =	vst.add.f32.msk $0xffff, v0  }
.Ltmp13:
0x20e: {  	v3 =	vld [tilespmem:s4+$0x40];
	(pc) =	sbr.rel @p0 .LBB2_28-.Ltmp13, $4  }
0x20f: {  	v0 =	vld [tilespmem:s4+$0x50]  }
0x210: {  	v2 =	vld [tilespmem:s4+$0x60]  }
0x211: {  	[tilespmem:s6+$0x0] =	vst.add.f32.msk $0xffff, v5  }
0x212: {  	[tilespmem:s13+$0x0] =	vst.add.f32.msk $0xffff, v6  }
0x213: {  	[tilespmem:s7+$0x0] =	vst.add.f32.msk $0xffff, v4  }
0x214: {  	[tilespmem:s16+$0x0] =	vst.add.f32.msk $0xffff, v1  }
0x215: {  	[tilespmem:s22+$0x0] =	vst.add.f32.msk $0xffff, v3  }
0x216: {  	[tilespmem:s11+$0x0] =	vst.add.f32.msk $0xffff, v0  }
0x217: {  	[tilespmem:s24+$0x0] =	vst.add.f32.msk $0xffff, v2  }
0x218: {  	s23 =	simm.s32 $0x0;
	s25 =	simm.s32 $0x0;
	s4 =	rddreg [dreg:$0x13]  }
0x219: {  	[hbm4b:s4+s23] =	stream.linear.scatter [tilespmem:s31], [sflag:$0x4], $0x4000, $0x38;
	[tilespmem:$0x1C000] =	vst v63  }
0x21a: {  	s26 =	simm.s32 $0x0;
	s6 =	sand.u32 $0x1C00, s23;
	s4 =	sand.u32 $0x2000, s25  }
0x21b: {  	s7 =	sand.u32 $0x380, s26;
	s4 =	sor.u32 s6, s4  }
0x21c: {  	s4 =	sor.u32 s7, s4  }
0x21d: {  	v0 =	vld [tilespmem:s4+$0x70]  }
0x21e: {  	v5 =	vld [tilespmem:s4+$0x0]  }
0x21f: {  	v6 =	vld [tilespmem:s4+$0x10]  }
0x220: {  	v4 =	vld [tilespmem:s4+$0x20]  }
0x221: {  	v1 =	vld [tilespmem:s4+$0x30]  }
0x222: {  	v3 =	vld [tilespmem:s4+$0x40]  }
0x223: {  	s28 =	sor.u32 $0x8070, s4;
	v2 =	vld [tilespmem:s4+$0x60]  }
0x224: {  	[tilespmem:s28+$0x0] =	vst.add.f32.msk $0xffff, v0  }
0x225: {  	s8 =	simm.s32 $0x0;
	s29 =	sor.u32 $0x8000, s4;
	v0 =	vld [tilespmem:s4+$0x50]  }
0x226: {  	s13 =	sor.u32 $0x8010, s4;
	s7 =	sor.u32 $0x8020, s4;
	s16 =	sor.u32 $0x8030, s4;
	[tilespmem:s29+$0x0] =	vst.add.f32.msk $0xffff, v5  }
0x227: {  	s22 =	sor.u32 $0x8040, s4;
	s11 =	sor.u32 $0x8050, s4;
	s24 =	sor.u32 $0x8060, s4;
	[tilespmem:s13+$0x0] =	vst.add.f32.msk $0xffff, v6  }
.LBB2_30:
0x228: {  	s8 =	sadd.s32 $0x8, s8;
	[tilespmem:s7+$0x0] =	vst.add.f32.msk $0xffff, v4  }
0x229: {  	s23 =	sadd.s32 $0x400, s23;
	s4 =	sshll.u32 s8, $0x4;
	p0 =	slt.u32 s8, $0x3F8;
	[tilespmem:s16+$0x0] =	vst.add.f32.msk $0xffff, v1  }
0x22a: {  	s6 =	sand.u32 $0x1C00, s23;
	s7 =	sshll.u32 s8, $0x1;
	s4 =	sand.u32 $0x2000, s4;
	[tilespmem:s22+$0x0] =	vst.add.f32.msk $0xffff, v3  }
0x22b: {  	s7 =	sand.u32 $0x380, s7;
	s4 =	sor.u32 s6, s4;
	[tilespmem:s11+$0x0] =	vst.add.f32.msk $0xffff, v0  }
0x22c: {  	s4 =	sor.u32 s7, s4;
	[tilespmem:s24+$0x0] =	vst.add.f32.msk $0xffff, v2  }
0x22d: {  	s6 =	sor.u32 $0x8000, s4;
	s13 =	sor.u32 $0x8010, s4;
	s7 =	sor.u32 $0x8020, s4;
	v0 =	vld [tilespmem:s4+$0x70]  }
0x22e: {  	s16 =	sor.u32 $0x8030, s4;
	s22 =	sor.u32 $0x8040, s4;
	s11 =	sor.u32 $0x8050, s4;
	v5 =	vld [tilespmem:s4+$0x0]  }
0x22f: {  	s24 =	sor.u32 $0x8060, s4;
	v6 =	vld [tilespmem:s4+$0x10]  }
0x230: {  	v4 =	vld [tilespmem:s4+$0x20]  }
0x231: {  	s19 =	sor.u32 $0x8070, s4;
	v1 =	vld [tilespmem:s4+$0x30]  }
0x232: {  	[tilespmem:s19+$0x0] =	vst.add.f32.msk $0xffff, v0  }
.Ltmp14:
0x233: {  	v3 =	vld [tilespmem:s4+$0x40];
	(pc) =	sbr.rel @p0 .LBB2_30-.Ltmp14, $4  }
0x234: {  	v0 =	vld [tilespmem:s4+$0x50]  }
0x235: {  	v2 =	vld [tilespmem:s4+$0x60]  }
0x236: {  	[tilespmem:s6+$0x0] =	vst.add.f32.msk $0xffff, v5  }
0x237: {  	[tilespmem:s13+$0x0] =	vst.add.f32.msk $0xffff, v6  }
0x238: {  	[tilespmem:s7+$0x0] =	vst.add.f32.msk $0xffff, v4  }
0x239: {  	[tilespmem:s16+$0x0] =	vst.add.f32.msk $0xffff, v1  }
0x23a: {  	[tilespmem:s22+$0x0] =	vst.add.f32.msk $0xffff, v3  }
0x23b: {  	[tilespmem:s11+$0x0] =	vst.add.f32.msk $0xffff, v0  }
0x23c: {  	s23 =	simm.s32 $0x0;
	s6 =	simm.s32 $0x8000;
	[tilespmem:s24+$0x0] =	vst.add.f32.msk $0xffff, v2  }
0x23d: {  	s26 =	simm.s32 $0x0;
	s24 =	simm.s32 $0x0;
	s4 =	rddreg [dreg:$0x16]  }
0x23e: {  	[hbm4b:s4+s23] =	stream.linear.scatter [tilespmem:s6], [sflag:$0x4], $0x4000, $0x38;
	[tilespmem:$0x1C000] =	vst v63  }
0x23f: {  	s25 =	sand.u32 $0x1C00, s23;
	s4 =	sand.u32 $0x2000, s24;
	_ =	swait.ge [sflag:s12], $0x8000  }
0x240: {  	s28 =	sand.u32 $0x380, s26;
	s4 =	sor.u32 s25, s4;
	[sflag:s12] =	ssyncset.done $0x0  }
0x241: {  	s4 =	sor.u32 s28, s4;
	[sflag:s12] =	ssyncadd.s32 $0xFFFF8000  }
0x242: {  	v0 =	vld [tilespmem:s4+$0x70]  }
0x243: {  	v5 =	vld [tilespmem:s4+$0x0]  }
0x244: {  	v6 =	vld [tilespmem:s4+$0x10]  }
0x245: {  	v4 =	vld [tilespmem:s4+$0x20]  }
0x246: {  	v1 =	vld [tilespmem:s4+$0x30]  }
0x247: {  	v3 =	vld [tilespmem:s4+$0x40]  }
0x248: {  	s6 =	sor.u32 $0xC070, s4;
	v2 =	vld [tilespmem:s4+$0x60]  }
0x249: {  	[tilespmem:s6+$0x0] =	vst.add.f32.msk $0xffff, v0  }
0x24a: {  	s8 =	simm.s32 $0x0;
	s29 =	sor.u32 $0xC000, s4;
	v0 =	vld [tilespmem:s4+$0x50]  }
0x24b: {  	s13 =	sor.u32 $0xC010, s4;
	s7 =	sor.u32 $0xC020, s4;
	s16 =	sor.u32 $0xC030, s4;
	[tilespmem:s29+$0x0] =	vst.add.f32.msk $0xffff, v5  }
0x24c: {  	s22 =	sor.u32 $0xC040, s4;
	s11 =	sor.u32 $0xC050, s4;
	s24 =	sor.u32 $0xC060, s4;
	[tilespmem:s13+$0x0] =	vst.add.f32.msk $0xffff, v6  }
.LBB2_32:
0x24d: {  	s8 =	sadd.s32 $0x8, s8;
	[tilespmem:s7+$0x0] =	vst.add.f32.msk $0xffff, v4  }
0x24e: {  	s23 =	sadd.s32 $0x400, s23;
	s4 =	sshll.u32 s8, $0x4;
	p0 =	slt.u32 s8, $0x3F8;
	[tilespmem:s16+$0x0] =	vst.add.f32.msk $0xffff, v1  }
0x24f: {  	s6 =	sand.u32 $0x1C00, s23;
	s7 =	sshll.u32 s8, $0x1;
	s4 =	sand.u32 $0x2000, s4;
	[tilespmem:s22+$0x0] =	vst.add.f32.msk $0xffff, v3  }
0x250: {  	s4 =	sor.u32 s6, s4;
	s6 =	sand.u32 $0x380, s7;
	[tilespmem:s11+$0x0] =	vst.add.f32.msk $0xffff, v0  }
0x251: {  	s4 =	sor.u32 s6, s4;
	[tilespmem:s24+$0x0] =	vst.add.f32.msk $0xffff, v2  }
0x252: {  	s6 =	sor.u32 $0xC000, s4;
	s13 =	sor.u32 $0xC010, s4;
	s7 =	sor.u32 $0xC020, s4;
	v0 =	vld [tilespmem:s4+$0x70]  }
0x253: {  	s16 =	sor.u32 $0xC030, s4;
	s22 =	sor.u32 $0xC040, s4;
	s11 =	sor.u32 $0xC050, s4;
	v5 =	vld [tilespmem:s4+$0x0]  }
0x254: {  	s24 =	sor.u32 $0xC060, s4;
	v6 =	vld [tilespmem:s4+$0x10]  }
0x255: {  	v4 =	vld [tilespmem:s4+$0x20]  }
0x256: {  	s19 =	sor.u32 $0xC070, s4;
	v1 =	vld [tilespmem:s4+$0x30]  }
0x257: {  	[tilespmem:s19+$0x0] =	vst.add.f32.msk $0xffff, v0  }
.Ltmp15:
0x258: {  	v3 =	vld [tilespmem:s4+$0x40];
	(pc) =	sbr.rel @p0 .LBB2_32-.Ltmp15, $4  }
0x259: {  	v0 =	vld [tilespmem:s4+$0x50]  }
0x25a: {  	v2 =	vld [tilespmem:s4+$0x60]  }
0x25b: {  	[tilespmem:s6+$0x0] =	vst.add.f32.msk $0xffff, v5  }
0x25c: {  	[tilespmem:s13+$0x0] =	vst.add.f32.msk $0xffff, v6  }
0x25d: {  	[tilespmem:s7+$0x0] =	vst.add.f32.msk $0xffff, v4  }
0x25e: {  	[tilespmem:s16+$0x0] =	vst.add.f32.msk $0xffff, v1  }
0x25f: {  	[tilespmem:s22+$0x0] =	vst.add.f32.msk $0xffff, v3  }
0x260: {  	[tilespmem:s11+$0x0] =	vst.add.f32.msk $0xffff, v0  }
0x261: {  	[tilespmem:s24+$0x0] =	vst.add.f32.msk $0xffff, v2  }
0x262: {  	s23 =	simm.s32 $0x0;
	s25 =	simm.s32 $0x0;
	s4 =	rddreg [dreg:$0x14]  }
0x263: {  	[hbm4b:s4+s23] =	stream.linear.scatter [tilespmem:s0], [sflag:$0x5], $0x4000, $0x38;
	[tilespmem:$0x1C000] =	vst v63  }
0x264: {  	s26 =	simm.s32 $0x0;
	s6 =	sand.u32 $0x1C00, s23;
	s4 =	sand.u32 $0x2000, s25  }
0x265: {  	s7 =	sand.u32 $0x380, s26;
	s4 =	sor.u32 s6, s4  }
0x266: {  	s4 =	sor.u32 s7, s4  }
0x267: {  	v0 =	vld [tilespmem:s4+$0x70]  }
0x268: {  	v5 =	vld [tilespmem:s4+$0x0]  }
0x269: {  	v6 =	vld [tilespmem:s4+$0x10]  }
0x26a: {  	v4 =	vld [tilespmem:s4+$0x20]  }
0x26b: {  	v1 =	vld [tilespmem:s4+$0x30]  }
0x26c: {  	v3 =	vld [tilespmem:s4+$0x40]  }
0x26d: {  	s28 =	sor.u32 $0x10070, s4;
	v2 =	vld [tilespmem:s4+$0x60]  }
0x26e: {  	[tilespmem:s28+$0x0] =	vst.add.f32.msk $0xffff, v0  }
0x26f: {  	s8 =	simm.s32 $0x0;
	s29 =	sor.u32 $0x10000, s4;
	v0 =	vld [tilespmem:s4+$0x50]  }
0x270: {  	s13 =	sor.u32 $0x10010, s4;
	s7 =	sor.u32 $0x10020, s4;
	s16 =	sor.u32 $0x10030, s4;
	[tilespmem:s29+$0x0] =	vst.add.f32.msk $0xffff, v5  }
0x271: {  	s22 =	sor.u32 $0x10040, s4;
	s11 =	sor.u32 $0x10050, s4;
	s24 =	sor.u32 $0x10060, s4;
	[tilespmem:s13+$0x0] =	vst.add.f32.msk $0xffff, v6  }
.LBB2_34:
0x272: {  	s8 =	sadd.s32 $0x8, s8;
	[tilespmem:s7+$0x0] =	vst.add.f32.msk $0xffff, v4  }
0x273: {  	s23 =	sadd.s32 $0x400, s23;
	s4 =	sshll.u32 s8, $0x4;
	p0 =	slt.u32 s8, $0x3F8;
	[tilespmem:s16+$0x0] =	vst.add.f32.msk $0xffff, v1  }
0x274: {  	s6 =	sand.u32 $0x1C00, s23;
	s7 =	sshll.u32 s8, $0x1;
	s4 =	sand.u32 $0x2000, s4;
	[tilespmem:s22+$0x0] =	vst.add.f32.msk $0xffff, v3  }
0x275: {  	s7 =	sand.u32 $0x380, s7;
	s4 =	sor.u32 s6, s4;
	[tilespmem:s11+$0x0] =	vst.add.f32.msk $0xffff, v0  }
0x276: {  	s4 =	sor.u32 s7, s4;
	[tilespmem:s24+$0x0] =	vst.add.f32.msk $0xffff, v2  }
0x277: {  	s6 =	sor.u32 $0x10000, s4;
	s13 =	sor.u32 $0x10010, s4;
	s7 =	sor.u32 $0x10020, s4;
	v0 =	vld [tilespmem:s4+$0x70]  }
0x278: {  	s16 =	sor.u32 $0x10030, s4;
	s22 =	sor.u32 $0x10040, s4;
	s11 =	sor.u32 $0x10050, s4;
	v5 =	vld [tilespmem:s4+$0x0]  }
0x279: {  	s24 =	sor.u32 $0x10060, s4;
	v6 =	vld [tilespmem:s4+$0x10]  }
0x27a: {  	v4 =	vld [tilespmem:s4+$0x20]  }
0x27b: {  	s19 =	sor.u32 $0x10070, s4;
	v1 =	vld [tilespmem:s4+$0x30]  }
0x27c: {  	[tilespmem:s19+$0x0] =	vst.add.f32.msk $0xffff, v0  }
.Ltmp16:
0x27d: {  	v3 =	vld [tilespmem:s4+$0x40];
	(pc) =	sbr.rel @p0 .LBB2_34-.Ltmp16, $4  }
0x27e: {  	v0 =	vld [tilespmem:s4+$0x50]  }
0x27f: {  	v2 =	vld [tilespmem:s4+$0x60]  }
0x280: {  	[tilespmem:s6+$0x0] =	vst.add.f32.msk $0xffff, v5  }
0x281: {  	[tilespmem:s13+$0x0] =	vst.add.f32.msk $0xffff, v6  }
0x282: {  	[tilespmem:s7+$0x0] =	vst.add.f32.msk $0xffff, v4  }
0x283: {  	[tilespmem:s16+$0x0] =	vst.add.f32.msk $0xffff, v1  }
0x284: {  	[tilespmem:s22+$0x0] =	vst.add.f32.msk $0xffff, v3  }
0x285: {  	[tilespmem:s11+$0x0] =	vst.add.f32.msk $0xffff, v0  }
0x286: {  	[tilespmem:s24+$0x0] =	vst.add.f32.msk $0xffff, v2  }
0x287: {  	s13 =	simm.s32 $0x0;
	s6 =	simm.s32 $0x10000;
	s4 =	rddreg [dreg:$0x17]  }
0x288: {  	[hbm4b:s4+s13] =	stream.linear.scatter [tilespmem:s6], [sflag:$0x5], $0x4000, $0x38;
	[tilespmem:$0x1C000] =	vst v63  }
0x289: {  	_ =	swait.ge [sflag:s14], $0x8000  }
0x28a: {  	[sflag:s14] =	ssyncset.done $0x0  }
0x28b: {  	[sflag:s14] =	ssyncadd.s32 $0xFFFF8000  }
0x28c: {  	_ =	swait.ge [sflag:s17], $0x8000  }
0x28d: {  	[sflag:s17] =	ssyncset.done $0x0  }
0x28e: {  	[sflag:s17] =	ssyncadd.s32 $0xFFFF8000  }
0x28f: {  	_ =	swait.ge [sflag:s18], $0x8000  }
0x290: {  	s28 =	rddreg [dreg:$0x18]  }
0x291: {  	s29 =	rddreg [dreg:$0x15];
	s6 =	sadd.s32 $0x1, s28  }
0x292: {  	p0 =	sne.s32 s6, s29  }
.Ltmp17:
0x293: {  	_ = 	snop;
	(pc) =	sbr.rel @p0 .LBB2_1-.Ltmp17, $3  }
0x294: {  	_ =	sdelay $0x1  }
0x295: {  	[sflag:s18] =	ssyncset.done $0x0  }
0x296: {  	[sflag:s18] =	ssyncadd.s32 $0xFFFF8000  }
0x297: {  	_ =	sfence.sel $0x180000  }
0x298: {  	[bflag:$0x0] =	sbarrier.arrive $0xFFFF  }
0x299: {  	_ =	strace $0x90000047  }
0x29a: {  	s0 =	stileid.u32;
	[bflag:$0x2] =	sbarrier.arrive $0xFFFF  }
0x29b: {  	p0 =	sne.s32 s0, $0x0;
	s0 =	rddreg [dreg:$0x3]  }
0x29c: {  	s0 =	sadd.s32 @!p0 $0x100000, s0  }
0x29d: {  	[sflag:s0] =	ssyncadd.tile.s32 @!p0 $0x1;
	_ =	shalt  }
.Lfunc_end2:
_tile_overlayer_lowered:
.L_overlay_start_2:
0x29e: {  	(tag) =	ssettag $0x2  }
0x29f: {  	s0 =	rddreg [dreg:$0x0];
	s2 =	stileid.u32  }
0x2a0: {  	s1 =	rddreg [dreg:$0x1];
	p0 =	sne.s32 s2, $0x0  }
0x2a1: {  	s3 =	rddreg [dreg:$0x2];
	[bflag:$0x3] =	sbarrier.arrive $0xFFFF;
	s2 =	simm.s32 @!p0 $0x1C07  }
0x2a2: {  	[timem:s3], [sflag:s2] =	dma.local @!p0 [hbm:s0], s1  }
0x2a3: {  	s0 =	simm.s32 @!p0 $0x7  }
0x2a4: {  	_ =	swait.ge @!p0 [sflag:s0], s1  }
0x2a5: {  	s1 =	ssub.s32 @!p0 $0x0, s1;
	[sflag:s0] =	ssyncset.done @!p0 $0x0  }
0x2a6: {  	[sflag:s0] =	ssyncadd.s32 @!p0 s1  }
0x2a7: {  	[bflag:$0x3] =	sbarrier.arrive $0xFFFF  }
0x2a8: {  	_ =	shalt  }

</sc_bundles>
